<compile_context>
chip_gen: v7x
topology: tpu7x:2x2x1
jax: 0.10.2.dev20260603
libtpu: 0.0.44.dev20260713+nightly
codegen_flags: <defaults>
</compile_context>

<pallas_src>
import functools

import jax
import jax.numpy as jnp
from jax import lax
from jax.experimental import pallas as pl
from jax.experimental.pallas import tpu as pltpu
from jax.experimental.pallas import tpu_sc as plsc

NC = 2
NSB = 5
NS = 16
K = 80
LANES = 16


def _proj_body(x_ref, w_ref, b_ref, y_ref):
    y_ref[...] = (
        lax.dot_general(x_ref[...], w_ref[0], (((1,), (1,)), ((), ())),
                        preferred_element_type=jnp.float32)
        + b_ref[0]
    )


def _project_all(x, rel_W, rel_b, by=10000):
    n, d = x.shape
    r = rel_W.shape[0]
    nby = n // by
    return pl.pallas_call(
        _proj_body,
        grid=(nby, r),
        in_specs=[
            pl.BlockSpec((by, d), lambda i, rr: (i, 0)),
            pl.BlockSpec((1, d, d), lambda i, rr: (rr, 0, 0)),
            pl.BlockSpec((1, 1, d), lambda i, rr: (rr, 0, 0)),
        ],
        out_specs=pl.BlockSpec((by, d), lambda i, rr: (rr * nby + i, 0)),
        out_shape=jax.ShapeDtypeStruct((r * n, d), jnp.float32),
    )(x, rel_W, rel_b.reshape(r, 1, d))


def _gidx_body(ei_ref, t_ref, g_ref):
    n = _gidx_body.n
    g_ref[...] = t_ref[...] * n + ei_ref[0]


def _gidx(ei5, typ4, n):
    _, nw, nsb, sbc, k = ei5.shape
    _gidx_body.n = n
    return pl.pallas_call(
        _gidx_body,
        grid=(nw // 8,),
        in_specs=[pl.BlockSpec((2, 8, nsb, sbc, k), lambda i: (0, i, 0, 0, 0)),
                  pl.BlockSpec((8, nsb, sbc, k), lambda i: (i, 0, 0, 0))],
        out_specs=pl.BlockSpec((8, nsb, sbc, k), lambda i: (i, 0, 0, 0)),
        out_shape=jax.ShapeDtypeStruct((nw, nsb, sbc, k), jnp.int32),
    )(ei5, typ4)


def _sc_aggregate(y, gidx4, ei5, n, d):
    sb = ei5.shape[3]
    zr = 1000
    nzt = n // zr
    mesh = plsc.VectorSubcoreMesh(core_axis_name="c", subcore_axis_name="s",
                                  num_cores=NC)

    @functools.partial(
        pl.kernel,
        out_type=[
            jax.ShapeDtypeStruct((NC, n, d), jnp.float32),
            jax.ShapeDtypeStruct((NC, 1, n), jnp.float32),
        ],
        mesh=mesh,
    scratch_types=[
            pltpu.VMEM((sb, K), jnp.int32),
            pltpu.VMEM((sb, K), jnp.int32),
            pltpu.VMEM((sb, K), jnp.int32),
            pltpu.VMEM((sb, K), jnp.int32),
            pltpu.VMEM((K, d), jnp.float32),
            pltpu.VMEM((K, d), jnp.float32),
            pltpu.VMEM((K, d), jnp.float32),
            pltpu.VMEM((K,), jnp.float32),
            pltpu.VMEM_SHARED((n, d), jnp.float32),
            pltpu.VMEM_SHARED((n,), jnp.float32),
            pltpu.SemaphoreType.DMA,
            pltpu.SemaphoreType.DMA,
            pltpu.SemaphoreType.DMA,
            pltpu.SemaphoreType.DMA,
            pltpu.SemaphoreType.DMA,
            pltpu.SemaphoreType.DMA,
            pltpu.SemaphoreType.DMA,
            pltpu.SemaphoreType.DMA,
        ],
    )
    def sc_kernel(y_hbm, gidx_hbm, ei_hbm, z2_hbm, z1_hbm,
                  acc_out, deg_out,
                  gidx0_v, gidx1_v, dst0_v, dst1_v,
                  rows0_v, rows1_v, rows2_v, ones_v,
                  acc_sh, deg_sh, semg0, semg1, semg2,
                  sems0, sems1, sems2, semd, semi):
        c = lax.axis_index("c")
        s = lax.axis_index("s")
        widx = c * NS + s

        arow = pl.multiple_of(s * zr, 8)

        @pl.when(s < nzt)
        def _():
            pltpu.sync_copy(z2_hbm, acc_sh.at[pl.ds(arow, zr)])

        @pl.when(s == 0)
        def _():
            pltpu.sync_copy(z1_hbm, deg_sh)

        for k in range(K // LANES):
            ones_v[pl.ds(k * LANES, LANES)] = jnp.ones((LANES,), jnp.float32)

        plsc.subcore_barrier()

        bufs = (rows0_v, rows1_v, rows2_v)
        semg = (semg0, semg1, semg2)
        sems = (sems0, sems1, sems2)
        gstage = (gidx0_v, gidx1_v)
        dstage = (dst0_v, dst1_v)

        def issue_stage(b, w):
            pltpu.async_copy(gidx_hbm.at[widx, b], gstage[w], semi)
            pltpu.async_copy(ei_hbm.at[1, widx, b], dstage[w], semi)

        def wait_stage(b, w):
            pltpu.make_async_copy(gidx_hbm.at[widx, b], gstage[w],
                                  semi).wait()
            pltpu.make_async_copy(ei_hbm.at[1, widx, b], dstage[w],
                                  semi).wait()

        issue_stage(0, 0)
        wait_stage(0, 0)

        for b in range(NSB):
            w = b % 2
            gidx_v = gstage[w]
            dst_v = dstage[w]
            if b + 1 < NSB:
                issue_stage(b + 1, 1 - w)

            def wait_g(j, p):
                pltpu.make_async_copy(y_hbm.at[gidx_v.at[j]], bufs[p],
                                      semg[p]).wait()

            def issue_s(j, p):
                pltpu.async_copy(bufs[p], acc_sh.at[dst_v.at[j]], sems[p],
                                 add=True)
                pltpu.async_copy(ones_v, deg_sh.at[dst_v.at[j]], semd,
                                 add=True)

            def wait_s(j, p):
                pltpu.make_async_copy(bufs[p], acc_sh.at[dst_v.at[j]],
                                      sems[p]).wait()

            pltpu.async_copy(y_hbm.at[gidx_v.at[0]], rows0_v, semg0)
            pltpu.async_copy(y_hbm.at[gidx_v.at[1]], rows1_v, semg1)
            pltpu.async_copy(y_hbm.at[gidx_v.at[2]], rows2_v, semg2)
            wait_g(0, 0)
            issue_s(0, 0)

            def tri(i, carry2):
                for t in range(3):
                    j = i * 3 + 1 + t
                    p = (1 + t) % 3
                    q = t % 3
                    wait_s(j - 1, q)

                    @pl.when(j + 2 < sb)
                    def _():
                        pltpu.async_copy(y_hbm.at[gidx_v.at[j + 2]],
                                         bufs[q], semg[q])
                    wait_g(j, p)
                    issue_s(j, p)
                return carry2
            lax.fori_loop(0, (sb - 1) // 3, tri, 0, unroll=False)
            wait_s(sb - 1, (sb - 1) % 3)

            def drain(j, carry2):
                pltpu.make_async_copy(ones_v, deg_sh.at[dst_v.at[j]],
                                      semd).wait()
                return carry2
            lax.fori_loop(0, sb, drain, 0, unroll=False)
            if b + 1 < NSB:
                wait_stage(b + 1, 1 - w)

        plsc.subcore_barrier()

        @pl.when(s < nzt)
        def _():
            pltpu.sync_copy(acc_sh.at[pl.ds(arow, zr)],
                            acc_out.at[c, pl.ds(arow, zr)])

        @pl.when(s == 0)
        def _():
            pltpu.sync_copy(deg_sh, deg_out.at[c, 0])

    z2 = jnp.zeros((zr, d), jnp.float32)
    z1 = jnp.zeros((n,), jnp.float32)
    return sc_kernel(y, gidx4, ei5, z2, z1)


def _ln(t, g, b, eps=1e-5):
    m = jnp.mean(t, axis=-1, keepdims=True)
    v = jnp.mean((t - m) ** 2, axis=-1, keepdims=True)
    return (t - m) / jnp.sqrt(v + eps) * g + b


def _tail_body(x_ref, a_ref, d_ref, sw_ref, sb_ref, g1_ref, bb1_ref,
               w1_ref, b1_ref, w2_ref, b2_ref, g2_ref, bb2_ref, o_ref):
    xb = x_ref[...]
    deg = jnp.maximum(sum(d_ref[i] for i in range(NC)), 1.0)
    agg = sum(a_ref[i] for i in range(NC)) / deg
    h = (lax.dot_general(xb, sw_ref[...], (((1,), (1,)), ((), ())),
                         preferred_element_type=jnp.float32)
         + sb_ref[...] + agg)
    x1 = _ln(xb + h, g1_ref[...], bb1_ref[...])
    u = (lax.dot_general(x1, w1_ref[...], (((1,), (1,)), ((), ())),
                         preferred_element_type=jnp.float32)
         + b1_ref[...])
    gl = 0.5 * u * (1.0 + lax.erf(u * 0.7071067811865476))
    ff = (lax.dot_general(gl, w2_ref[...], (((1,), (1,)), ((), ())),
                          preferred_element_type=jnp.float32)
          + b2_ref[...])
    o_ref[...] = _ln(x1 + ff, g2_ref[...], bb2_ref[...])


def _tail(x, accp, degp, self_W, self_b, ln1_g, ln1_b, W1, b1, W2, b2,
          ln2_g, ln2_b, bn=10000):
    n, d = x.shape
    h2 = W1.shape[0]
    nb = n // bn
    full = lambda *shape: pl.BlockSpec(shape, lambda i: (0,) * len(shape))
    return pl.pallas_call(
        _tail_body,
        grid=(nb,),
        in_specs=[
            pl.BlockSpec((bn, d), lambda i: (i, 0)),
            pl.BlockSpec((NC, bn, d), lambda i: (0, i, 0)),
            pl.BlockSpec((NC, bn, 1), lambda i: (0, i, 0)),
            full(d, d), full(1, d), full(1, d), full(1, d),
            full(h2, d), full(1, h2), full(d, h2), full(1, d),
            full(1, d), full(1, d),
        ],
        out_specs=pl.BlockSpec((bn, d), lambda i: (i, 0)),
        out_shape=jax.ShapeDtypeStruct((n, d), jnp.float32),
    )(x, accp, degp, self_W, self_b.reshape(1, d), ln1_g.reshape(1, d),
      ln1_b.reshape(1, d), W1, b1.reshape(1, h2), W2, b2.reshape(1, d),
      ln2_g.reshape(1, d), ln2_b.reshape(1, d))


def kernel(x, edge_index, edge_type, self_W, self_b, rel_W, rel_b,
           ln1_g, ln1_b, W1, b1, W2, b2, ln2_g, ln2_b):
    n, d = x.shape
    e = edge_type.shape[0]
    y = _project_all(x, rel_W, rel_b)
    nw = NC * NS
    ei5 = edge_index.reshape(2, nw, NSB, -1, K)
    typ4 = edge_type.reshape(nw, NSB, -1, K)
    gidx4 = _gidx(ei5, typ4, n)
    accp, degp = _sc_aggregate(y, gidx4, ei5, n, d)
    return _tail(x, accp, degp.reshape(NC, n, 1), self_W, self_b,
                 ln1_g, ln1_b, W1, b1, W2, b2, ln2_g, ln2_b)

# --- scband reference (transcript-rebuilt; emitter-appended) ---
"""Pipeline reference for scband-relational-graph-layer-48180943127293 (READ-ONLY COPY).

The authoritative reference and input builder live on the scoring server;
editing this copy changes nothing except your own understanding.
"""

import jax, jax.numpy as jnp
import numpy as np

N = 10000
E = 320000
DIM = 128
NREL = 4


def layer_norm(x, g, b, eps=1e-5):
    m = jnp.mean(x, axis=-1, keepdims=True)
    v = jnp.mean((x - m) ** 2, axis=-1, keepdims=True)
    return (x - m) / jnp.sqrt(v + eps) * g + b


def setup_inputs(seed: int = 0) -> dict:
    key = jax.random.key(seed)
    ks = jax.random.split(key, 10)
    x = jax.random.normal(ks[0], (N, DIM), dtype=jnp.float32)
    edge_index = jax.random.randint(ks[1], (2, E), 0, N, dtype=jnp.int32)
    edge_type = jax.random.randint(ks[2], (E,), 0, NREL, dtype=jnp.int32)
    self_W = jax.random.normal(ks[3], (DIM, DIM), dtype=jnp.float32) * 0.05
    self_b = jnp.zeros((DIM,), dtype=jnp.float32)
    rel_W = jax.random.normal(ks[4], (NREL, DIM, DIM), dtype=jnp.float32) * 0.05
    rel_b = jnp.zeros((NREL, DIM), dtype=jnp.float32)
    ln1_g = jnp.ones((DIM,), dtype=jnp.float32)
    ln1_b = jnp.zeros((DIM,), dtype=jnp.float32)
    W1 = jax.random.normal(ks[5], (2 * DIM, DIM), dtype=jnp.float32) * 0.05
    b1 = jnp.zeros((2 * DIM,), dtype=jnp.float32)
    W2 = jax.random.normal(ks[6], (DIM, 2 * DIM), dtype=jnp.float32) * 0.05
    b2 = jnp.zeros((DIM,), dtype=jnp.float32)
    ln2_g = jnp.ones((DIM,), dtype=jnp.float32)
    ln2_b = jnp.zeros((DIM,), dtype=jnp.float32)
    return {"x": x, "edge_index": edge_index, "edge_type": edge_type,
            "self_W": self_W, "self_b": self_b, "rel_W": rel_W, "rel_b": rel_b,
            "ln1_g": ln1_g, "ln1_b": ln1_b, "W1": W1, "b1": b1, "W2": W2, "b2": b2,
            "ln2_g": ln2_g, "ln2_b": ln2_b}


def reference(x, edge_index, edge_type, self_W, self_b, rel_W, rel_b,
              ln1_g, ln1_b, W1, b1, W2, b2, ln2_g, ln2_b):
    # Dropout layers act as identity in eval mode.
    src = edge_index[0]
    dst = edge_index[1]
    n = x.shape[0]
    agg = jnp.zeros_like(x)
    deg = jnp.zeros((n,), dtype=x.dtype)
    for r in range(rel_W.shape[0]):
        mask = (edge_type == r).astype(x.dtype)
        # gather src features, project per relation, mask non-relation edges
        msg = (x[src] @ rel_W[r].T + rel_b[r]) * mask[:, None]
        agg = agg.at[dst].add(msg)
        deg = deg.at[dst].add(mask)
    agg = agg / jnp.clip(deg, 1.0, None)[:, None]
    h = x @ self_W.T + self_b + agg
    x1 = layer_norm(x + h, ln1_g, ln1_b)
    ff = jax.nn.gelu(x1 @ W1.T + b1, approximate=False) @ W2.T + b2
    out = layer_norm(x1 + ff, ln2_g, ln2_b)
    return out

if __name__ == "__main__":
    import jax
    _d = setup_inputs()
    print(jax.jit(kernel)(*tuple(_d.values())))

</pallas_src>

<mosaic_0001>
#map = affine_map<(d0, d1) -> (0, 0)>
#map1 = affine_map<(d0, d1) -> (0, 0, 0, 0)>
#map2 = affine_map<(d0, d1) -> (0, 0, 0, 0, 0)>
#map3 = affine_map<(d0, d1) -> (0)>
#map4 = affine_map<(d0, d1) -> (0, 0, 0)>
module attributes {stable_mosaic.version = 14 : i64} {
  func.func @sc_kernel(%arg0: i32, %arg1: i32, %arg2: memref<40000x128xf32, #tpu.memory_space<hbm>>, %arg3: memref<32x5x25x80xi32, #tpu.memory_space<hbm>>, %arg4: memref<2x32x5x25x80xi32, #tpu.memory_space<hbm>>, %arg5: memref<1000x128xf32, #tpu.memory_space<hbm>>, %arg6: memref<10000xf32, #tpu.memory_space<hbm>>, %arg7: memref<2x10000x128xf32, #tpu.memory_space<hbm>>, %arg8: memref<2x1x10000xf32, #tpu.memory_space<hbm>>, %arg9: memref<25x80xi32, #tpu.memory_space<vmem>>, %arg10: memref<25x80xi32, #tpu.memory_space<vmem>>, %arg11: memref<25x80xi32, #tpu.memory_space<vmem>>, %arg12: memref<25x80xi32, #tpu.memory_space<vmem>>, %arg13: memref<80x128xf32, #tpu.memory_space<vmem>>, %arg14: memref<80x128xf32, #tpu.memory_space<vmem>>, %arg15: memref<80x128xf32, #tpu.memory_space<vmem>>, %arg16: memref<80xf32, #tpu.memory_space<vmem>>, %arg17: memref<10000x128xf32, #tpu.memory_space<vmem_shared>>, %arg18: memref<10000xf32, #tpu.memory_space<vmem_shared>>, %arg19: memref<!tpu.dma_semaphore, #tpu.memory_space<semaphore_mem>>, %arg20: memref<!tpu.dma_semaphore, #tpu.memory_space<semaphore_mem>>, %arg21: memref<!tpu.dma_semaphore, #tpu.memory_space<semaphore_mem>>, %arg22: memref<!tpu.dma_semaphore, #tpu.memory_space<semaphore_mem>>, %arg23: memref<!tpu.dma_semaphore, #tpu.memory_space<semaphore_mem>>, %arg24: memref<!tpu.dma_semaphore, #tpu.memory_space<semaphore_mem>>, %arg25: memref<!tpu.dma_semaphore, #tpu.memory_space<semaphore_mem>>, %arg26: memref<!tpu.dma_semaphore, #tpu.memory_space<semaphore_mem>>) attributes {dimension_semantics = [#tpu.dimension_semantics<core_parallel>, #tpu.dimension_semantics<subcore_parallel>], iteration_bounds = array<i64: 2, 16>, scalar_prefetch = 0 : i64, scratch_operands = 18 : i64, tpu.core_type = #tpu.core_type<sc_vector_subcore>, window_params = [{transform_indices = #map}, {transform_indices = #map1}, {transform_indices = #map2}, {transform_indices = #map}, {transform_indices = #map3}, {transform_indices = #map4}, {transform_indices = #map4}]} {
    %mul3A = arith.constant 16 : i32
    %mul3A_0 = arith.muli %arg0, %mul3A : i32
    %add3A = arith.addi %mul3A_0, %arg1 : i32
    %mul3A_1 = arith.constant 1000 : i32
    %mul3A_2 = arith.muli %arg1, %mul3A_1 : i32
    %multiple_of3A = tpu.assume_multiple %mul3A_2, 8 : i32
    %lt3A = arith.constant 10 : i32
    %lt3A_3 = arith.cmpi slt, %arg1, %lt3A : i32
    %convert_element_type3A = arith.extui %lt3A_3 : i1 to i32
    %cond3A = arith.constant 0 : i32
    %cond3A_4 = arith.cmpi ne, %convert_element_type3A, %cond3A : i32
    scf.if %cond3A_4 {
      "tpu.region"() ({
        %run_scoped3A = tpu.sem_alloc : memref<!tpu.dma_semaphore, #tpu.memory_space<semaphore_mem>>
        %dma_start3A_535 = arith.constant 0 : i32
        %dma_start3A_536 = tpu.memref_slice %arg17[%multiple_of3A, %dma_start3A_535] : memref<10000x128xf32, #tpu.memory_space<vmem_shared>> -> memref<1000x128xf32, #tpu.memory_space<vmem_shared>>
        tpu.enqueue_dma source(%arg5 : memref<1000x128xf32, #tpu.memory_space<hbm>>) target(%dma_start3A_536 : memref<1000x128xf32, #tpu.memory_space<vmem_shared>>) target_semaphore(%run_scoped3A : memref<!tpu.dma_semaphore, #tpu.memory_space<semaphore_mem>>)
        %dma_wait3A_537 = arith.constant 0 : i32
        %dma_wait3A_538 = tpu.memref_slice %arg17[%multiple_of3A, %dma_wait3A_537] : memref<10000x128xf32, #tpu.memory_space<vmem_shared>> -> memref<1000x128xf32, #tpu.memory_space<vmem_shared>>
        tpu.wait_dma2 semaphore(%run_scoped3A : memref<!tpu.dma_semaphore, #tpu.memory_space<semaphore_mem>>) src(%arg5 : memref<1000x128xf32, #tpu.memory_space<hbm>>) dst(%dma_wait3A_538 : memref<1000x128xf32, #tpu.memory_space<vmem_shared>>)
        tpu.yield
      }) : () -> ()
    } else {
    }
    %eq3A = arith.constant 0 : i32
    %eq3A_5 = arith.cmpi eq, %arg1, %eq3A : i32
    %convert_element_type3A_6 = arith.extui %eq3A_5 : i1 to i32
    %cond3A_7 = arith.constant 0 : i32
    %cond3A_8 = arith.cmpi ne, %convert_element_type3A_6, %cond3A_7 : i32
    scf.if %cond3A_8 {
      "tpu.region"() ({
        %run_scoped3A = tpu.sem_alloc : memref<!tpu.dma_semaphore, #tpu.memory_space<semaphore_mem>>
        tpu.enqueue_dma source(%arg6 : memref<10000xf32, #tpu.memory_space<hbm>>) target(%arg18 : memref<10000xf32, #tpu.memory_space<vmem_shared>>) target_semaphore(%run_scoped3A : memref<!tpu.dma_semaphore, #tpu.memory_space<semaphore_mem>>)
        tpu.wait_dma2 semaphore(%run_scoped3A : memref<!tpu.dma_semaphore, #tpu.memory_space<semaphore_mem>>) src(%arg6 : memref<10000xf32, #tpu.memory_space<hbm>>) dst(%arg18 : memref<10000xf32, #tpu.memory_space<vmem_shared>>)
        tpu.yield
      }) : () -> ()
    } else {
    }
    %broadcast_in_dim3A = arith.constant 1.000000e+00 : f32
    %broadcast_in_dim3A_9 = vector.broadcast %broadcast_in_dim3A : f32 to vector<16xf32>
    %swap3A = arith.constant 0 : index
    %swap3A_10 = tpu.vector_load %arg16[%swap3A] {strides = array<i32>} : memref<80xf32, #tpu.memory_space<vmem>>, vector<16xf32>,
    %swap3A_11 = vector.shape_cast %swap3A_10 : vector<16xf32> to vector<16xf32>
    %swap3A_12 = vector.shape_cast %broadcast_in_dim3A_9 : vector<16xf32> to vector<16xf32>
    tpu.vector_store %arg16[%swap3A], %swap3A_12 {strides = array<i32>} : memref<80xf32, #tpu.memory_space<vmem>>, vector<16xf32>,
    %broadcast_in_dim3A_13 = arith.constant 1.000000e+00 : f32
    %broadcast_in_dim3A_14 = vector.broadcast %broadcast_in_dim3A_13 : f32 to vector<16xf32>
    %swap3A_15 = arith.constant 16 : index
    %swap3A_16 = tpu.vector_load %arg16[%swap3A_15] {strides = array<i32>} : memref<80xf32, #tpu.memory_space<vmem>>, vector<16xf32>,
    %swap3A_17 = vector.shape_cast %swap3A_16 : vector<16xf32> to vector<16xf32>
    %swap3A_18 = vector.shape_cast %broadcast_in_dim3A_14 : vector<16xf32> to vector<16xf32>
    tpu.vector_store %arg16[%swap3A_15], %swap3A_18 {strides = array<i32>} : memref<80xf32, #tpu.memory_space<vmem>>, vector<16xf32>,
    %broadcast_in_dim3A_19 = arith.constant 1.000000e+00 : f32
    %broadcast_in_dim3A_20 = vector.broadcast %broadcast_in_dim3A_19 : f32 to vector<16xf32>
    %swap3A_21 = arith.constant 32 : index
    %swap3A_22 = tpu.vector_load %arg16[%swap3A_21] {strides = array<i32>} : memref<80xf32, #tpu.memory_space<vmem>>, vector<16xf32>,
    %swap3A_23 = vector.shape_cast %swap3A_22 : vector<16xf32> to vector<16xf32>
    %swap3A_24 = vector.shape_cast %broadcast_in_dim3A_20 : vector<16xf32> to vector<16xf32>
    tpu.vector_store %arg16[%swap3A_21], %swap3A_24 {strides = array<i32>} : memref<80xf32, #tpu.memory_space<vmem>>, vector<16xf32>,
    %broadcast_in_dim3A_25 = arith.constant 1.000000e+00 : f32
    %broadcast_in_dim3A_26 = vector.broadcast %broadcast_in_dim3A_25 : f32 to vector<16xf32>
    %swap3A_27 = arith.constant 48 : index
    %swap3A_28 = tpu.vector_load %arg16[%swap3A_27] {strides = array<i32>} : memref<80xf32, #tpu.memory_space<vmem>>, vector<16xf32>,
    %swap3A_29 = vector.shape_cast %swap3A_28 : vector<16xf32> to vector<16xf32>
    %swap3A_30 = vector.shape_cast %broadcast_in_dim3A_26 : vector<16xf32> to vector<16xf32>
    tpu.vector_store %arg16[%swap3A_27], %swap3A_30 {strides = array<i32>} : memref<80xf32, #tpu.memory_space<vmem>>, vector<16xf32>,
    %broadcast_in_dim3A_31 = arith.constant 1.000000e+00 : f32
    %broadcast_in_dim3A_32 = vector.broadcast %broadcast_in_dim3A_31 : f32 to vector<16xf32>
    %swap3A_33 = arith.constant 64 : index
    %swap3A_34 = tpu.vector_load %arg16[%swap3A_33] {strides = array<i32>} : memref<80xf32, #tpu.memory_space<vmem>>, vector<16xf32>,
    %swap3A_35 = vector.shape_cast %swap3A_34 : vector<16xf32> to vector<16xf32>
    %swap3A_36 = vector.shape_cast %broadcast_in_dim3A_32 : vector<16xf32> to vector<16xf32>
    tpu.vector_store %arg16[%swap3A_33], %swap3A_36 {strides = array<i32>} : memref<80xf32, #tpu.memory_space<vmem>>, vector<16xf32>,
    %barrier3A = arith.constant 0 : index
    tpu.barrier barrier_id(%barrier3A)
    %dma_start3A = arith.constant 0 : i32
    %dma_start3A_37 = arith.constant 0 : i32
    %dma_start3A_38 = arith.constant 0 : i32
    %dma_start3A_39 = tpu.memref_slice %arg3[%add3A, %dma_start3A, %dma_start3A_37, %dma_start3A_38] : memref<32x5x25x80xi32, #tpu.memory_space<hbm>> -> memref<1x1x25x80xi32, #tpu.memory_space<hbm>>
    %dma_start3A_40 = tpu.memref_squeeze %dma_start3A_39 : memref<1x1x25x80xi32, #tpu.memory_space<hbm>> -> memref<25x80xi32, #tpu.memory_space<hbm>>
    %dma_start3A_41 = arith.constant 0 : i32
    %dma_start3A_42 = arith.constant 0 : i32
    %dma_start3A_43 = tpu.memref_slice %arg3[%add3A, %dma_start3A, %dma_start3A_41, %dma_start3A_42] : memref<32x5x25x80xi32, #tpu.memory_space<hbm>> -> memref<1x1x25x80xi32, #tpu.memory_space<hbm>>
    %dma_start3A_44 = tpu.memref_squeeze %dma_start3A_43 : memref<1x1x25x80xi32, #tpu.memory_space<hbm>> -> memref<25x80xi32, #tpu.memory_space<hbm>>
    tpu.enqueue_dma source(%dma_start3A_44 : memref<25x80xi32, #tpu.memory_space<hbm>>) target(%arg9 : memref<25x80xi32, #tpu.memory_space<vmem>>) target_semaphore(%arg26 : memref<!tpu.dma_semaphore, #tpu.memory_space<semaphore_mem>>)
    %dma_start3A_45 = arith.constant 1 : i32
    %dma_start3A_46 = arith.constant 0 : i32
    %dma_start3A_47 = arith.constant 0 : i32
    %dma_start3A_48 = arith.constant 0 : i32
    %dma_start3A_49 = tpu.memref_slice %arg4[%dma_start3A_45, %add3A, %dma_start3A_46, %dma_start3A_47, %dma_start3A_48] : memref<2x32x5x25x80xi32, #tpu.memory_space<hbm>> -> memref<1x1x1x25x80xi32, #tpu.memory_space<hbm>>
    %dma_start3A_50 = tpu.memref_squeeze %dma_start3A_49 : memref<1x1x1x25x80xi32, #tpu.memory_space<hbm>> -> memref<25x80xi32, #tpu.memory_space<hbm>>
    %dma_start3A_51 = arith.constant 0 : i32
    %dma_start3A_52 = arith.constant 0 : i32
    %dma_start3A_53 = tpu.memref_slice %arg4[%dma_start3A_45, %add3A, %dma_start3A_46, %dma_start3A_51, %dma_start3A_52] : memref<2x32x5x25x80xi32, #tpu.memory_space<hbm>> -> memref<1x1x1x25x80xi32, #tpu.memory_space<hbm>>
    %dma_start3A_54 = tpu.memref_squeeze %dma_start3A_53 : memref<1x1x1x25x80xi32, #tpu.memory_space<hbm>> -> memref<25x80xi32, #tpu.memory_space<hbm>>
    tpu.enqueue_dma source(%dma_start3A_54 : memref<25x80xi32, #tpu.memory_space<hbm>>) target(%arg11 : memref<25x80xi32, #tpu.memory_space<vmem>>) target_semaphore(%arg26 : memref<!tpu.dma_semaphore, #tpu.memory_space<semaphore_mem>>)
    %dma_wait3A = arith.constant 0 : i32
    %dma_wait3A_55 = arith.constant 0 : i32
    %dma_wait3A_56 = arith.constant 0 : i32
    %dma_wait3A_57 = tpu.memref_slice %arg3[%add3A, %dma_wait3A, %dma_wait3A_55, %dma_wait3A_56] : memref<32x5x25x80xi32, #tpu.memory_space<hbm>> -> memref<1x1x25x80xi32, #tpu.memory_space<hbm>>
    %dma_wait3A_58 = tpu.memref_squeeze %dma_wait3A_57 : memref<1x1x25x80xi32, #tpu.memory_space<hbm>> -> memref<25x80xi32, #tpu.memory_space<hbm>>
    %dma_wait3A_59 = arith.constant 0 : i32
    %dma_wait3A_60 = arith.constant 0 : i32
    %dma_wait3A_61 = tpu.memref_slice %arg3[%add3A, %dma_wait3A, %dma_wait3A_59, %dma_wait3A_60] : memref<32x5x25x80xi32, #tpu.memory_space<hbm>> -> memref<1x1x25x80xi32, #tpu.memory_space<hbm>>
    %dma_wait3A_62 = tpu.memref_squeeze %dma_wait3A_61 : memref<1x1x25x80xi32, #tpu.memory_space<hbm>> -> memref<25x80xi32, #tpu.memory_space<hbm>>
    tpu.wait_dma2 semaphore(%arg26 : memref<!tpu.dma_semaphore, #tpu.memory_space<semaphore_mem>>) src(%dma_wait3A_62 : memref<25x80xi32, #tpu.memory_space<hbm>>) dst(%arg9 : memref<25x80xi32, #tpu.memory_space<vmem>>)
    %dma_wait3A_63 = arith.constant 1 : i32
    %dma_wait3A_64 = arith.constant 0 : i32
    %dma_wait3A_65 = arith.constant 0 : i32
    %dma_wait3A_66 = arith.constant 0 : i32
    %dma_wait3A_67 = tpu.memref_slice %arg4[%dma_wait3A_63, %add3A, %dma_wait3A_64, %dma_wait3A_65, %dma_wait3A_66] : memref<2x32x5x25x80xi32, #tpu.memory_space<hbm>> -> memref<1x1x1x25x80xi32, #tpu.memory_space<hbm>>
    %dma_wait3A_68 = tpu.memref_squeeze %dma_wait3A_67 : memref<1x1x1x25x80xi32, #tpu.memory_space<hbm>> -> memref<25x80xi32, #tpu.memory_space<hbm>>
    %dma_wait3A_69 = arith.constant 0 : i32
    %dma_wait3A_70 = arith.constant 0 : i32
    %dma_wait3A_71 = tpu.memref_slice %arg4[%dma_wait3A_63, %add3A, %dma_wait3A_64, %dma_wait3A_69, %dma_wait3A_70] : memref<2x32x5x25x80xi32, #tpu.memory_space<hbm>> -> memref<1x1x1x25x80xi32, #tpu.memory_space<hbm>>
    %dma_wait3A_72 = tpu.memref_squeeze %dma_wait3A_71 : memref<1x1x1x25x80xi32, #tpu.memory_space<hbm>> -> memref<25x80xi32, #tpu.memory_space<hbm>>
    tpu.wait_dma2 semaphore(%arg26 : memref<!tpu.dma_semaphore, #tpu.memory_space<semaphore_mem>>) src(%dma_wait3A_72 : memref<25x80xi32, #tpu.memory_space<hbm>>) dst(%arg11 : memref<25x80xi32, #tpu.memory_space<vmem>>)
    %dma_start3A_73 = arith.constant 1 : i32
    %dma_start3A_74 = arith.constant 0 : i32
    %dma_start3A_75 = arith.constant 0 : i32
    %dma_start3A_76 = tpu.memref_slice %arg3[%add3A, %dma_start3A_73, %dma_start3A_74, %dma_start3A_75] : memref<32x5x25x80xi32, #tpu.memory_space<hbm>> -> memref<1x1x25x80xi32, #tpu.memory_space<hbm>>
    %dma_start3A_77 = tpu.memref_squeeze %dma_start3A_76 : memref<1x1x25x80xi32, #tpu.memory_space<hbm>> -> memref<25x80xi32, #tpu.memory_space<hbm>>
    %dma_start3A_78 = arith.constant 0 : i32
    %dma_start3A_79 = arith.constant 0 : i32
    %dma_start3A_80 = tpu.memref_slice %arg3[%add3A, %dma_start3A_73, %dma_start3A_78, %dma_start3A_79] : memref<32x5x25x80xi32, #tpu.memory_space<hbm>> -> memref<1x1x25x80xi32, #tpu.memory_space<hbm>>
    %dma_start3A_81 = tpu.memref_squeeze %dma_start3A_80 : memref<1x1x25x80xi32, #tpu.memory_space<hbm>> -> memref<25x80xi32, #tpu.memory_space<hbm>>
    tpu.enqueue_dma source(%dma_start3A_81 : memref<25x80xi32, #tpu.memory_space<hbm>>) target(%arg10 : memref<25x80xi32, #tpu.memory_space<vmem>>) target_semaphore(%arg26 : memref<!tpu.dma_semaphore, #tpu.memory_space<semaphore_mem>>)
    %dma_start3A_82 = arith.constant 1 : i32
    %dma_start3A_83 = arith.constant 1 : i32
    %dma_start3A_84 = arith.constant 0 : i32
    %dma_start3A_85 = arith.constant 0 : i32
    %dma_start3A_86 = tpu.memref_slice %arg4[%dma_start3A_82, %add3A, %dma_start3A_83, %dma_start3A_84, %dma_start3A_85] : memref<2x32x5x25x80xi32, #tpu.memory_space<hbm>> -> memref<1x1x1x25x80xi32, #tpu.memory_space<hbm>>
    %dma_start3A_87 = tpu.memref_squeeze %dma_start3A_86 : memref<1x1x1x25x80xi32, #tpu.memory_space<hbm>> -> memref<25x80xi32, #tpu.memory_space<hbm>>
    %dma_start3A_88 = arith.constant 0 : i32
    %dma_start3A_89 = arith.constant 0 : i32
    %dma_start3A_90 = tpu.memref_slice %arg4[%dma_start3A_82, %add3A, %dma_start3A_83, %dma_start3A_88, %dma_start3A_89] : memref<2x32x5x25x80xi32, #tpu.memory_space<hbm>> -> memref<1x1x1x25x80xi32, #tpu.memory_space<hbm>>
    %dma_start3A_91 = tpu.memref_squeeze %dma_start3A_90 : memref<1x1x1x25x80xi32, #tpu.memory_space<hbm>> -> memref<25x80xi32, #tpu.memory_space<hbm>>
    tpu.enqueue_dma source(%dma_start3A_91 : memref<25x80xi32, #tpu.memory_space<hbm>>) target(%arg12 : memref<25x80xi32, #tpu.memory_space<vmem>>) target_semaphore(%arg26 : memref<!tpu.dma_semaphore, #tpu.memory_space<semaphore_mem>>)
    %dma_start3A_92 = arith.constant 0 : i32
    %dma_start3A_93 = arith.constant 0 : i32
    %dma_start3A_94 = tpu.memref_slice %arg9[%dma_start3A_92, %dma_start3A_93] : memref<25x80xi32, #tpu.memory_space<vmem>> -> memref<1x80xi32, #tpu.memory_space<vmem>>
    %dma_start3A_95 = tpu.memref_squeeze %dma_start3A_94 : memref<1x80xi32, #tpu.memory_space<vmem>> -> memref<80xi32, #tpu.memory_space<vmem>>
    %dma_start3A_96 = arith.constant 0 : i32
    %dma_start3A_97 = arith.constant 0 : i32
    %dma_start3A_98 = tpu.memref_slice %arg2[%dma_start3A_96, %dma_start3A_97] : memref<40000x128xf32, #tpu.memory_space<hbm>> -> memref<40000x128xf32, #tpu.memory_space<hbm>>
    tpu.enqueue_indirect_dma source(%dma_start3A_98 : memref<40000x128xf32, #tpu.memory_space<hbm>>) target(%arg13 : memref<80x128xf32, #tpu.memory_space<vmem>>) offsets(%dma_start3A_95 : memref<80xi32, #tpu.memory_space<vmem>>) semaphore(%arg19 : memref<!tpu.dma_semaphore, #tpu.memory_space<semaphore_mem>>)
    %dma_start3A_99 = arith.constant 1 : i32
    %dma_start3A_100 = arith.constant 0 : i32
    %dma_start3A_101 = tpu.memref_slice %arg9[%dma_start3A_99, %dma_start3A_100] : memref<25x80xi32, #tpu.memory_space<vmem>> -> memref<1x80xi32, #tpu.memory_space<vmem>>
    %dma_start3A_102 = tpu.memref_squeeze %dma_start3A_101 : memref<1x80xi32, #tpu.memory_space<vmem>> -> memref<80xi32, #tpu.memory_space<vmem>>
    %dma_start3A_103 = arith.constant 0 : i32
    %dma_start3A_104 = arith.constant 0 : i32
    %dma_start3A_105 = tpu.memref_slice %arg2[%dma_start3A_103, %dma_start3A_104] : memref<40000x128xf32, #tpu.memory_space<hbm>> -> memref<40000x128xf32, #tpu.memory_space<hbm>>
    tpu.enqueue_indirect_dma source(%dma_start3A_105 : memref<40000x128xf32, #tpu.memory_space<hbm>>) target(%arg14 : memref<80x128xf32, #tpu.memory_space<vmem>>) offsets(%dma_start3A_102 : memref<80xi32, #tpu.memory_space<vmem>>) semaphore(%arg20 : memref<!tpu.dma_semaphore, #tpu.memory_space<semaphore_mem>>)
    %dma_start3A_106 = arith.constant 2 : i32
    %dma_start3A_107 = arith.constant 0 : i32
    %dma_start3A_108 = tpu.memref_slice %arg9[%dma_start3A_106, %dma_start3A_107] : memref<25x80xi32, #tpu.memory_space<vmem>> -> memref<1x80xi32, #tpu.memory_space<vmem>>
    %dma_start3A_109 = tpu.memref_squeeze %dma_start3A_108 : memref<1x80xi32, #tpu.memory_space<vmem>> -> memref<80xi32, #tpu.memory_space<vmem>>
    %dma_start3A_110 = arith.constant 0 : i32
    %dma_start3A_111 = arith.constant 0 : i32
    %dma_start3A_112 = tpu.memref_slice %arg2[%dma_start3A_110, %dma_start3A_111] : memref<40000x128xf32, #tpu.memory_space<hbm>> -> memref<40000x128xf32, #tpu.memory_space<hbm>>
    tpu.enqueue_indirect_dma source(%dma_start3A_112 : memref<40000x128xf32, #tpu.memory_space<hbm>>) target(%arg15 : memref<80x128xf32, #tpu.memory_space<vmem>>) offsets(%dma_start3A_109 : memref<80xi32, #tpu.memory_space<vmem>>) semaphore(%arg21 : memref<!tpu.dma_semaphore, #tpu.memory_space<semaphore_mem>>)
    %dma_wait3A_113 = arith.constant 0 : i32
    %dma_wait3A_114 = arith.constant 0 : i32
    %dma_wait3A_115 = tpu.memref_slice %arg9[%dma_wait3A_113, %dma_wait3A_114] : memref<25x80xi32, #tpu.memory_space<vmem>> -> memref<1x80xi32, #tpu.memory_space<vmem>>
    %dma_wait3A_116 = tpu.memref_squeeze %dma_wait3A_115 : memref<1x80xi32, #tpu.memory_space<vmem>> -> memref<80xi32, #tpu.memory_space<vmem>>
    %dma_wait3A_117 = arith.constant 0 : i32
    %dma_wait3A_118 = arith.constant 0 : i32
    %dma_wait3A_119 = tpu.memref_slice %arg2[%dma_wait3A_117, %dma_wait3A_118] : memref<40000x128xf32, #tpu.memory_space<hbm>> -> memref<40000x128xf32, #tpu.memory_space<hbm>>
    tpu.wait_indirect_dma semaphore(%arg19 : memref<!tpu.dma_semaphore, #tpu.memory_space<semaphore_mem>>) src(%dma_wait3A_119 : memref<40000x128xf32, #tpu.memory_space<hbm>>) dst(%arg13 : memref<80x128xf32, #tpu.memory_space<vmem>>)
    %dma_start3A_120 = arith.constant 0 : i32
    %dma_start3A_121 = arith.constant 0 : i32
    %dma_start3A_122 = tpu.memref_slice %arg11[%dma_start3A_120, %dma_start3A_121] : memref<25x80xi32, #tpu.memory_space<vmem>> -> memref<1x80xi32, #tpu.memory_space<vmem>>
    %dma_start3A_123 = tpu.memref_squeeze %dma_start3A_122 : memref<1x80xi32, #tpu.memory_space<vmem>> -> memref<80xi32, #tpu.memory_space<vmem>>
    %dma_start3A_124 = arith.constant 0 : i32
    %dma_start3A_125 = arith.constant 0 : i32
    %dma_start3A_126 = tpu.memref_slice %arg17[%dma_start3A_124, %dma_start3A_125] : memref<10000x128xf32, #tpu.memory_space<vmem_shared>> -> memref<10000x128xf32, #tpu.memory_space<vmem_shared>>
    tpu.enqueue_indirect_dma source(%arg13 : memref<80x128xf32, #tpu.memory_space<vmem>>) target(%dma_start3A_126 : memref<10000x128xf32, #tpu.memory_space<vmem_shared>>) offsets(%dma_start3A_123 : memref<80xi32, #tpu.memory_space<vmem>>) semaphore(%arg22 : memref<!tpu.dma_semaphore, #tpu.memory_space<semaphore_mem>>) {add = true}
    %dma_start3A_127 = arith.constant 0 : i32
    %dma_start3A_128 = arith.constant 0 : i32
    %dma_start3A_129 = tpu.memref_slice %arg11[%dma_start3A_127, %dma_start3A_128] : memref<25x80xi32, #tpu.memory_space<vmem>> -> memref<1x80xi32, #tpu.memory_space<vmem>>
    %dma_start3A_130 = tpu.memref_squeeze %dma_start3A_129 : memref<1x80xi32, #tpu.memory_space<vmem>> -> memref<80xi32, #tpu.memory_space<vmem>>
    %dma_start3A_131 = arith.constant 0 : i32
    %dma_start3A_132 = tpu.memref_slice %arg18[%dma_start3A_131] : memref<10000xf32, #tpu.memory_space<vmem_shared>> -> memref<10000xf32, #tpu.memory_space<vmem_shared>>
    tpu.enqueue_indirect_dma source(%arg16 : memref<80xf32, #tpu.memory_space<vmem>>) target(%dma_start3A_132 : memref<10000xf32, #tpu.memory_space<vmem_shared>>) offsets(%dma_start3A_130 : memref<80xi32, #tpu.memory_space<vmem>>) semaphore(%arg25 : memref<!tpu.dma_semaphore, #tpu.memory_space<semaphore_mem>>) {add = true}
    %scan3A = arith.constant 0 : i32
    %scan3A_133 = arith.constant 0 : i32
    %scan3A_134 = arith.constant 8 : i32
    %scan3A_135 = arith.addi %scan3A_133, %scan3A_134 : i32
    %scan3A_136 = arith.constant 1 : i32
    scf.for %scan3A_535 = %scan3A_133 to %scan3A_135 step %scan3A_136  : i32 {
      %mul3A_536 = arith.constant 3 : i32
      %mul3A_537 = arith.muli %scan3A_535, %mul3A_536 : i32
      %add3A_538 = arith.constant 1 : i32
      %add3A_539 = arith.addi %mul3A_537, %add3A_538 : i32
      %add3A_540 = arith.constant 0 : i32
      %add3A_541 = arith.addi %add3A_539, %add3A_540 : i32
      %sub3A = arith.constant 1 : i32
      %sub3A_542 = arith.subi %add3A_541, %sub3A : i32
      %dma_wait3A_543 = arith.constant 0 : i32
      %dma_wait3A_544 = tpu.memref_slice %arg11[%sub3A_542, %dma_wait3A_543] : memref<25x80xi32, #tpu.memory_space<vmem>> -> memref<1x80xi32, #tpu.memory_space<vmem>>
      %dma_wait3A_545 = tpu.memref_squeeze %dma_wait3A_544 : memref<1x80xi32, #tpu.memory_space<vmem>> -> memref<80xi32, #tpu.memory_space<vmem>>
      %dma_wait3A_546 = arith.constant 0 : i32
      %dma_wait3A_547 = arith.constant 0 : i32
      %dma_wait3A_548 = tpu.memref_slice %arg17[%dma_wait3A_546, %dma_wait3A_547] : memref<10000x128xf32, #tpu.memory_space<vmem_shared>> -> memref<10000x128xf32, #tpu.memory_space<vmem_shared>>
      tpu.wait_indirect_dma semaphore(%arg22 : memref<!tpu.dma_semaphore, #tpu.memory_space<semaphore_mem>>) src(%arg13 : memref<80x128xf32, #tpu.memory_space<vmem>>) dst(%dma_wait3A_548 : memref<10000x128xf32, #tpu.memory_space<vmem_shared>>)
      %add3A_549 = arith.constant 2 : i32
      %add3A_550 = arith.addi %add3A_541, %add3A_549 : i32
      %lt3A_551 = arith.constant 25 : i32
      %lt3A_552 = arith.cmpi slt, %add3A_550, %lt3A_551 : i32
      %convert_element_type3A_553 = arith.extui %lt3A_552 : i1 to i32
      %cond3A_554 = arith.constant 0 : i32
      %cond3A_555 = arith.cmpi ne, %convert_element_type3A_553, %cond3A_554 : i32
      scf.if %cond3A_555 {
        %add3A_649 = arith.constant 2 : i32
        %add3A_650 = arith.addi %add3A_541, %add3A_649 : i32
        %dma_start3A_651 = arith.constant 0 : i32
        %dma_start3A_652 = tpu.memref_slice %arg9[%add3A_650, %dma_start3A_651] : memref<25x80xi32, #tpu.memory_space<vmem>> -> memref<1x80xi32, #tpu.memory_space<vmem>>
        %dma_start3A_653 = tpu.memref_squeeze %dma_start3A_652 : memref<1x80xi32, #tpu.memory_space<vmem>> -> memref<80xi32, #tpu.memory_space<vmem>>
        %dma_start3A_654 = arith.constant 0 : i32
        %dma_start3A_655 = arith.constant 0 : i32
        %dma_start3A_656 = tpu.memref_slice %arg2[%dma_start3A_654, %dma_start3A_655] : memref<40000x128xf32, #tpu.memory_space<hbm>> -> memref<40000x128xf32, #tpu.memory_space<hbm>>
        tpu.enqueue_indirect_dma source(%dma_start3A_656 : memref<40000x128xf32, #tpu.memory_space<hbm>>) target(%arg13 : memref<80x128xf32, #tpu.memory_space<vmem>>) offsets(%dma_start3A_653 : memref<80xi32, #tpu.memory_space<vmem>>) semaphore(%arg19 : memref<!tpu.dma_semaphore, #tpu.memory_space<semaphore_mem>>)
      } else {
      }
      %dma_wait3A_556 = arith.constant 0 : i32
      %dma_wait3A_557 = tpu.memref_slice %arg9[%add3A_541, %dma_wait3A_556] : memref<25x80xi32, #tpu.memory_space<vmem>> -> memref<1x80xi32, #tpu.memory_space<vmem>>
      %dma_wait3A_558 = tpu.memref_squeeze %dma_wait3A_557 : memref<1x80xi32, #tpu.memory_space<vmem>> -> memref<80xi32, #tpu.memory_space<vmem>>
      %dma_wait3A_559 = arith.constant 0 : i32
      %dma_wait3A_560 = arith.constant 0 : i32
      %dma_wait3A_561 = tpu.memref_slice %arg2[%dma_wait3A_559, %dma_wait3A_560] : memref<40000x128xf32, #tpu.memory_space<hbm>> -> memref<40000x128xf32, #tpu.memory_space<hbm>>
      tpu.wait_indirect_dma semaphore(%arg20 : memref<!tpu.dma_semaphore, #tpu.memory_space<semaphore_mem>>) src(%dma_wait3A_561 : memref<40000x128xf32, #tpu.memory_space<hbm>>) dst(%arg14 : memref<80x128xf32, #tpu.memory_space<vmem>>)
      %dma_start3A_562 = arith.constant 0 : i32
      %dma_start3A_563 = tpu.memref_slice %arg11[%add3A_541, %dma_start3A_562] : memref<25x80xi32, #tpu.memory_space<vmem>> -> memref<1x80xi32, #tpu.memory_space<vmem>>
      %dma_start3A_564 = tpu.memref_squeeze %dma_start3A_563 : memref<1x80xi32, #tpu.memory_space<vmem>> -> memref<80xi32, #tpu.memory_space<vmem>>
      %dma_start3A_565 = arith.constant 0 : i32
      %dma_start3A_566 = arith.constant 0 : i32
      %dma_start3A_567 = tpu.memref_slice %arg17[%dma_start3A_565, %dma_start3A_566] : memref<10000x128xf32, #tpu.memory_space<vmem_shared>> -> memref<10000x128xf32, #tpu.memory_space<vmem_shared>>
      tpu.enqueue_indirect_dma source(%arg14 : memref<80x128xf32, #tpu.memory_space<vmem>>) target(%dma_start3A_567 : memref<10000x128xf32, #tpu.memory_space<vmem_shared>>) offsets(%dma_start3A_564 : memref<80xi32, #tpu.memory_space<vmem>>) semaphore(%arg23 : memref<!tpu.dma_semaphore, #tpu.memory_space<semaphore_mem>>) {add = true}
      %dma_start3A_568 = arith.constant 0 : i32
      %dma_start3A_569 = tpu.memref_slice %arg11[%add3A_541, %dma_start3A_568] : memref<25x80xi32, #tpu.memory_space<vmem>> -> memref<1x80xi32, #tpu.memory_space<vmem>>
      %dma_start3A_570 = tpu.memref_squeeze %dma_start3A_569 : memref<1x80xi32, #tpu.memory_space<vmem>> -> memref<80xi32, #tpu.memory_space<vmem>>
      %dma_start3A_571 = arith.constant 0 : i32
      %dma_start3A_572 = tpu.memref_slice %arg18[%dma_start3A_571] : memref<10000xf32, #tpu.memory_space<vmem_shared>> -> memref<10000xf32, #tpu.memory_space<vmem_shared>>
      tpu.enqueue_indirect_dma source(%arg16 : memref<80xf32, #tpu.memory_space<vmem>>) target(%dma_start3A_572 : memref<10000xf32, #tpu.memory_space<vmem_shared>>) offsets(%dma_start3A_570 : memref<80xi32, #tpu.memory_space<vmem>>) semaphore(%arg25 : memref<!tpu.dma_semaphore, #tpu.memory_space<semaphore_mem>>) {add = true}
      %mul3A_573 = arith.constant 3 : i32
      %mul3A_574 = arith.muli %scan3A_535, %mul3A_573 : i32
      %add3A_575 = arith.constant 1 : i32
      %add3A_576 = arith.addi %mul3A_574, %add3A_575 : i32
      %add3A_577 = arith.constant 1 : i32
      %add3A_578 = arith.addi %add3A_576, %add3A_577 : i32
      %sub3A_579 = arith.constant 1 : i32
      %sub3A_580 = arith.subi %add3A_578, %sub3A_579 : i32
      %dma_wait3A_581 = arith.constant 0 : i32
      %dma_wait3A_582 = tpu.memref_slice %arg11[%sub3A_580, %dma_wait3A_581] : memref<25x80xi32, #tpu.memory_space<vmem>> -> memref<1x80xi32, #tpu.memory_space<vmem>>
      %dma_wait3A_583 = tpu.memref_squeeze %dma_wait3A_582 : memref<1x80xi32, #tpu.memory_space<vmem>> -> memref<80xi32, #tpu.memory_space<vmem>>
      %dma_wait3A_584 = arith.constant 0 : i32
      %dma_wait3A_585 = arith.constant 0 : i32
      %dma_wait3A_586 = tpu.memref_slice %arg17[%dma_wait3A_584, %dma_wait3A_585] : memref<10000x128xf32, #tpu.memory_space<vmem_shared>> -> memref<10000x128xf32, #tpu.memory_space<vmem_shared>>
      tpu.wait_indirect_dma semaphore(%arg23 : memref<!tpu.dma_semaphore, #tpu.memory_space<semaphore_mem>>) src(%arg14 : memref<80x128xf32, #tpu.memory_space<vmem>>) dst(%dma_wait3A_586 : memref<10000x128xf32, #tpu.memory_space<vmem_shared>>)
      %add3A_587 = arith.constant 2 : i32
      %add3A_588 = arith.addi %add3A_578, %add3A_587 : i32
      %lt3A_589 = arith.constant 25 : i32
      %lt3A_590 = arith.cmpi slt, %add3A_588, %lt3A_589 : i32
      %convert_element_type3A_591 = arith.extui %lt3A_590 : i1 to i32
      %cond3A_592 = arith.constant 0 : i32
      %cond3A_593 = arith.cmpi ne, %convert_element_type3A_591, %cond3A_592 : i32
      scf.if %cond3A_593 {
        %add3A_649 = arith.constant 2 : i32
        %add3A_650 = arith.addi %add3A_578, %add3A_649 : i32
        %dma_start3A_651 = arith.constant 0 : i32
        %dma_start3A_652 = tpu.memref_slice %arg9[%add3A_650, %dma_start3A_651] : memref<25x80xi32, #tpu.memory_space<vmem>> -> memref<1x80xi32, #tpu.memory_space<vmem>>
        %dma_start3A_653 = tpu.memref_squeeze %dma_start3A_652 : memref<1x80xi32, #tpu.memory_space<vmem>> -> memref<80xi32, #tpu.memory_space<vmem>>
        %dma_start3A_654 = arith.constant 0 : i32
        %dma_start3A_655 = arith.constant 0 : i32
        %dma_start3A_656 = tpu.memref_slice %arg2[%dma_start3A_654, %dma_start3A_655] : memref<40000x128xf32, #tpu.memory_space<hbm>> -> memref<40000x128xf32, #tpu.memory_space<hbm>>
        tpu.enqueue_indirect_dma source(%dma_start3A_656 : memref<40000x128xf32, #tpu.memory_space<hbm>>) target(%arg14 : memref<80x128xf32, #tpu.memory_space<vmem>>) offsets(%dma_start3A_653 : memref<80xi32, #tpu.memory_space<vmem>>) semaphore(%arg20 : memref<!tpu.dma_semaphore, #tpu.memory_space<semaphore_mem>>)
      } else {
      }
      %dma_wait3A_594 = arith.constant 0 : i32
      %dma_wait3A_595 = tpu.memref_slice %arg9[%add3A_578, %dma_wait3A_594] : memref<25x80xi32, #tpu.memory_space<vmem>> -> memref<1x80xi32, #tpu.memory_space<vmem>>
      %dma_wait3A_596 = tpu.memref_squeeze %dma_wait3A_595 : memref<1x80xi32, #tpu.memory_space<vmem>> -> memref<80xi32, #tpu.memory_space<vmem>>
      %dma_wait3A_597 = arith.constant 0 : i32
      %dma_wait3A_598 = arith.constant 0 : i32
      %dma_wait3A_599 = tpu.memref_slice %arg2[%dma_wait3A_597, %dma_wait3A_598] : memref<40000x128xf32, #tpu.memory_space<hbm>> -> memref<40000x128xf32, #tpu.memory_space<hbm>>
      tpu.wait_indirect_dma semaphore(%arg21 : memref<!tpu.dma_semaphore, #tpu.memory_space<semaphore_mem>>) src(%dma_wait3A_599 : memref<40000x128xf32, #tpu.memory_space<hbm>>) dst(%arg15 : memref<80x128xf32, #tpu.memory_space<vmem>>)
      %dma_start3A_600 = arith.constant 0 : i32
      %dma_start3A_601 = tpu.memref_slice %arg11[%add3A_578, %dma_start3A_600] : memref<25x80xi32, #tpu.memory_space<vmem>> -> memref<1x80xi32, #tpu.memory_space<vmem>>
      %dma_start3A_602 = tpu.memref_squeeze %dma_start3A_601 : memref<1x80xi32, #tpu.memory_space<vmem>> -> memref<80xi32, #tpu.memory_space<vmem>>
      %dma_start3A_603 = arith.constant 0 : i32
      %dma_start3A_604 = arith.constant 0 : i32
      %dma_start3A_605 = tpu.memref_slice %arg17[%dma_start3A_603, %dma_start3A_604] : memref<10000x128xf32, #tpu.memory_space<vmem_shared>> -> memref<10000x128xf32, #tpu.memory_space<vmem_shared>>
      tpu.enqueue_indirect_dma source(%arg15 : memref<80x128xf32, #tpu.memory_space<vmem>>) target(%dma_start3A_605 : memref<10000x128xf32, #tpu.memory_space<vmem_shared>>) offsets(%dma_start3A_602 : memref<80xi32, #tpu.memory_space<vmem>>) semaphore(%arg24 : memref<!tpu.dma_semaphore, #tpu.memory_space<semaphore_mem>>) {add = true}
      %dma_start3A_606 = arith.constant 0 : i32
      %dma_start3A_607 = tpu.memref_slice %arg11[%add3A_578, %dma_start3A_606] : memref<25x80xi32, #tpu.memory_space<vmem>> -> memref<1x80xi32, #tpu.memory_space<vmem>>
      %dma_start3A_608 = tpu.memref_squeeze %dma_start3A_607 : memref<1x80xi32, #tpu.memory_space<vmem>> -> memref<80xi32, #tpu.memory_space<vmem>>
      %dma_start3A_609 = arith.constant 0 : i32
      %dma_start3A_610 = tpu.memref_slice %arg18[%dma_start3A_609] : memref<10000xf32, #tpu.memory_space<vmem_shared>> -> memref<10000xf32, #tpu.memory_space<vmem_shared>>
      tpu.enqueue_indirect_dma source(%arg16 : memref<80xf32, #tpu.memory_space<vmem>>) target(%dma_start3A_610 : memref<10000xf32, #tpu.memory_space<vmem_shared>>) offsets(%dma_start3A_608 : memref<80xi32, #tpu.memory_space<vmem>>) semaphore(%arg25 : memref<!tpu.dma_semaphore, #tpu.memory_space<semaphore_mem>>) {add = true}
      %mul3A_611 = arith.constant 3 : i32
      %mul3A_612 = arith.muli %scan3A_535, %mul3A_611 : i32
      %add3A_613 = arith.constant 1 : i32
      %add3A_614 = arith.addi %mul3A_612, %add3A_613 : i32
      %add3A_615 = arith.constant 2 : i32
      %add3A_616 = arith.addi %add3A_614, %add3A_615 : i32
      %sub3A_617 = arith.constant 1 : i32
      %sub3A_618 = arith.subi %add3A_616, %sub3A_617 : i32
      %dma_wait3A_619 = arith.constant 0 : i32
      %dma_wait3A_620 = tpu.memref_slice %arg11[%sub3A_618, %dma_wait3A_619] : memref<25x80xi32, #tpu.memory_space<vmem>> -> memref<1x80xi32, #tpu.memory_space<vmem>>
      %dma_wait3A_621 = tpu.memref_squeeze %dma_wait3A_620 : memref<1x80xi32, #tpu.memory_space<vmem>> -> memref<80xi32, #tpu.memory_space<vmem>>
      %dma_wait3A_622 = arith.constant 0 : i32
      %dma_wait3A_623 = arith.constant 0 : i32
      %dma_wait3A_624 = tpu.memref_slice %arg17[%dma_wait3A_622, %dma_wait3A_623] : memref<10000x128xf32, #tpu.memory_space<vmem_shared>> -> memref<10000x128xf32, #tpu.memory_space<vmem_shared>>
      tpu.wait_indirect_dma semaphore(%arg24 : memref<!tpu.dma_semaphore, #tpu.memory_space<semaphore_mem>>) src(%arg15 : memref<80x128xf32, #tpu.memory_space<vmem>>) dst(%dma_wait3A_624 : memref<10000x128xf32, #tpu.memory_space<vmem_shared>>)
      %add3A_625 = arith.constant 2 : i32
      %add3A_626 = arith.addi %add3A_616, %add3A_625 : i32
      %lt3A_627 = arith.constant 25 : i32
      %lt3A_628 = arith.cmpi slt, %add3A_626, %lt3A_627 : i32
      %convert_element_type3A_629 = arith.extui %lt3A_628 : i1 to i32
      %cond3A_630 = arith.constant 0 : i32
      %cond3A_631 = arith.cmpi ne, %convert_element_type3A_629, %cond3A_630 : i32
      scf.if %cond3A_631 {
        %add3A_649 = arith.constant 2 : i32
        %add3A_650 = arith.addi %add3A_616, %add3A_649 : i32
        %dma_start3A_651 = arith.constant 0 : i32
        %dma_start3A_652 = tpu.memref_slice %arg9[%add3A_650, %dma_start3A_651] : memref<25x80xi32, #tpu.memory_space<vmem>> -> memref<1x80xi32, #tpu.memory_space<vmem>>
        %dma_start3A_653 = tpu.memref_squeeze %dma_start3A_652 : memref<1x80xi32, #tpu.memory_space<vmem>> -> memref<80xi32, #tpu.memory_space<vmem>>
        %dma_start3A_654 = arith.constant 0 : i32
        %dma_start3A_655 = arith.constant 0 : i32
        %dma_start3A_656 = tpu.memref_slice %arg2[%dma_start3A_654, %dma_start3A_655] : memref<40000x128xf32, #tpu.memory_space<hbm>> -> memref<40000x128xf32, #tpu.memory_space<hbm>>
        tpu.enqueue_indirect_dma source(%dma_start3A_656 : memref<40000x128xf32, #tpu.memory_space<hbm>>) target(%arg15 : memref<80x128xf32, #tpu.memory_space<vmem>>) offsets(%dma_start3A_653 : memref<80xi32, #tpu.memory_space<vmem>>) semaphore(%arg21 : memref<!tpu.dma_semaphore, #tpu.memory_space<semaphore_mem>>)
      } else {
      }
      %dma_wait3A_632 = arith.constant 0 : i32
      %dma_wait3A_633 = tpu.memref_slice %arg9[%add3A_616, %dma_wait3A_632] : memref<25x80xi32, #tpu.memory_space<vmem>> -> memref<1x80xi32, #tpu.memory_space<vmem>>
      %dma_wait3A_634 = tpu.memref_squeeze %dma_wait3A_633 : memref<1x80xi32, #tpu.memory_space<vmem>> -> memref<80xi32, #tpu.memory_space<vmem>>
      %dma_wait3A_635 = arith.constant 0 : i32
      %dma_wait3A_636 = arith.constant 0 : i32
      %dma_wait3A_637 = tpu.memref_slice %arg2[%dma_wait3A_635, %dma_wait3A_636] : memref<40000x128xf32, #tpu.memory_space<hbm>> -> memref<40000x128xf32, #tpu.memory_space<hbm>>
      tpu.wait_indirect_dma semaphore(%arg19 : memref<!tpu.dma_semaphore, #tpu.memory_space<semaphore_mem>>) src(%dma_wait3A_637 : memref<40000x128xf32, #tpu.memory_space<hbm>>) dst(%arg13 : memref<80x128xf32, #tpu.memory_space<vmem>>)
      %dma_start3A_638 = arith.constant 0 : i32
      %dma_start3A_639 = tpu.memref_slice %arg11[%add3A_616, %dma_start3A_638] : memref<25x80xi32, #tpu.memory_space<vmem>> -> memref<1x80xi32, #tpu.memory_space<vmem>>
      %dma_start3A_640 = tpu.memref_squeeze %dma_start3A_639 : memref<1x80xi32, #tpu.memory_space<vmem>> -> memref<80xi32, #tpu.memory_space<vmem>>
      %dma_start3A_641 = arith.constant 0 : i32
      %dma_start3A_642 = arith.constant 0 : i32
      %dma_start3A_643 = tpu.memref_slice %arg17[%dma_start3A_641, %dma_start3A_642] : memref<10000x128xf32, #tpu.memory_space<vmem_shared>> -> memref<10000x128xf32, #tpu.memory_space<vmem_shared>>
      tpu.enqueue_indirect_dma source(%arg13 : memref<80x128xf32, #tpu.memory_space<vmem>>) target(%dma_start3A_643 : memref<10000x128xf32, #tpu.memory_space<vmem_shared>>) offsets(%dma_start3A_640 : memref<80xi32, #tpu.memory_space<vmem>>) semaphore(%arg22 : memref<!tpu.dma_semaphore, #tpu.memory_space<semaphore_mem>>) {add = true}
      %dma_start3A_644 = arith.constant 0 : i32
      %dma_start3A_645 = tpu.memref_slice %arg11[%add3A_616, %dma_start3A_644] : memref<25x80xi32, #tpu.memory_space<vmem>> -> memref<1x80xi32, #tpu.memory_space<vmem>>
      %dma_start3A_646 = tpu.memref_squeeze %dma_start3A_645 : memref<1x80xi32, #tpu.memory_space<vmem>> -> memref<80xi32, #tpu.memory_space<vmem>>
      %dma_start3A_647 = arith.constant 0 : i32
      %dma_start3A_648 = tpu.memref_slice %arg18[%dma_start3A_647] : memref<10000xf32, #tpu.memory_space<vmem_shared>> -> memref<10000xf32, #tpu.memory_space<vmem_shared>>
      tpu.enqueue_indirect_dma source(%arg16 : memref<80xf32, #tpu.memory_space<vmem>>) target(%dma_start3A_648 : memref<10000xf32, #tpu.memory_space<vmem_shared>>) offsets(%dma_start3A_646 : memref<80xi32, #tpu.memory_space<vmem>>) semaphore(%arg25 : memref<!tpu.dma_semaphore, #tpu.memory_space<semaphore_mem>>) {add = true}
    }
    %scan3A_137 = arith.constant 8 : i32
    %dma_wait3A_138 = arith.constant 24 : i32
    %dma_wait3A_139 = arith.constant 0 : i32
    %dma_wait3A_140 = tpu.memref_slice %arg11[%dma_wait3A_138, %dma_wait3A_139] : memref<25x80xi32, #tpu.memory_space<vmem>> -> memref<1x80xi32, #tpu.memory_space<vmem>>
    %dma_wait3A_141 = tpu.memref_squeeze %dma_wait3A_140 : memref<1x80xi32, #tpu.memory_space<vmem>> -> memref<80xi32, #tpu.memory_space<vmem>>
    %dma_wait3A_142 = arith.constant 0 : i32
    %dma_wait3A_143 = arith.constant 0 : i32
    %dma_wait3A_144 = tpu.memref_slice %arg17[%dma_wait3A_142, %dma_wait3A_143] : memref<10000x128xf32, #tpu.memory_space<vmem_shared>> -> memref<10000x128xf32, #tpu.memory_space<vmem_shared>>
    tpu.wait_indirect_dma semaphore(%arg22 : memref<!tpu.dma_semaphore, #tpu.memory_space<semaphore_mem>>) src(%arg13 : memref<80x128xf32, #tpu.memory_space<vmem>>) dst(%dma_wait3A_144 : memref<10000x128xf32, #tpu.memory_space<vmem_shared>>)
    %scan3A_145 = arith.constant 0 : i32
    %scan3A_146 = arith.constant 0 : i32
    %scan3A_147 = arith.constant 25 : i32
    %scan3A_148 = arith.addi %scan3A_146, %scan3A_147 : i32
    %scan3A_149 = arith.constant 1 : i32
    scf.for %scan3A_535 = %scan3A_146 to %scan3A_148 step %scan3A_149  : i32 {
      %dma_wait3A_536 = arith.constant 0 : i32
      %dma_wait3A_537 = tpu.memref_slice %arg11[%scan3A_535, %dma_wait3A_536] : memref<25x80xi32, #tpu.memory_space<vmem>> -> memref<1x80xi32, #tpu.memory_space<vmem>>
      %dma_wait3A_538 = tpu.memref_squeeze %dma_wait3A_537 : memref<1x80xi32, #tpu.memory_space<vmem>> -> memref<80xi32, #tpu.memory_space<vmem>>
      %dma_wait3A_539 = arith.constant 0 : i32
      %dma_wait3A_540 = tpu.memref_slice %arg18[%dma_wait3A_539] : memref<10000xf32, #tpu.memory_space<vmem_shared>> -> memref<10000xf32, #tpu.memory_space<vmem_shared>>
      tpu.wait_indirect_dma semaphore(%arg25 : memref<!tpu.dma_semaphore, #tpu.memory_space<semaphore_mem>>) src(%arg16 : memref<80xf32, #tpu.memory_space<vmem>>) dst(%dma_wait3A_540 : memref<10000xf32, #tpu.memory_space<vmem_shared>>)
    }
    %scan3A_150 = arith.constant 25 : i32
    %dma_wait3A_151 = arith.constant 1 : i32
    %dma_wait3A_152 = arith.constant 0 : i32
    %dma_wait3A_153 = arith.constant 0 : i32
    %dma_wait3A_154 = tpu.memref_slice %arg3[%add3A, %dma_wait3A_151, %dma_wait3A_152, %dma_wait3A_153] : memref<32x5x25x80xi32, #tpu.memory_space<hbm>> -> memref<1x1x25x80xi32, #tpu.memory_space<hbm>>
    %dma_wait3A_155 = tpu.memref_squeeze %dma_wait3A_154 : memref<1x1x25x80xi32, #tpu.memory_space<hbm>> -> memref<25x80xi32, #tpu.memory_space<hbm>>
    %dma_wait3A_156 = arith.constant 0 : i32
    %dma_wait3A_157 = arith.constant 0 : i32
    %dma_wait3A_158 = tpu.memref_slice %arg3[%add3A, %dma_wait3A_151, %dma_wait3A_156, %dma_wait3A_157] : memref<32x5x25x80xi32, #tpu.memory_space<hbm>> -> memref<1x1x25x80xi32, #tpu.memory_space<hbm>>
    %dma_wait3A_159 = tpu.memref_squeeze %dma_wait3A_158 : memref<1x1x25x80xi32, #tpu.memory_space<hbm>> -> memref<25x80xi32, #tpu.memory_space<hbm>>
    tpu.wait_dma2 semaphore(%arg26 : memref<!tpu.dma_semaphore, #tpu.memory_space<semaphore_mem>>) src(%dma_wait3A_159 : memref<25x80xi32, #tpu.memory_space<hbm>>) dst(%arg10 : memref<25x80xi32, #tpu.memory_space<vmem>>)
    %dma_wait3A_160 = arith.constant 1 : i32
    %dma_wait3A_161 = arith.constant 1 : i32
    %dma_wait3A_162 = arith.constant 0 : i32
    %dma_wait3A_163 = arith.constant 0 : i32
    %dma_wait3A_164 = tpu.memref_slice %arg4[%dma_wait3A_160, %add3A, %dma_wait3A_161, %dma_wait3A_162, %dma_wait3A_163] : memref<2x32x5x25x80xi32, #tpu.memory_space<hbm>> -> memref<1x1x1x25x80xi32, #tpu.memory_space<hbm>>
    %dma_wait3A_165 = tpu.memref_squeeze %dma_wait3A_164 : memref<1x1x1x25x80xi32, #tpu.memory_space<hbm>> -> memref<25x80xi32, #tpu.memory_space<hbm>>
    %dma_wait3A_166 = arith.constant 0 : i32
    %dma_wait3A_167 = arith.constant 0 : i32
    %dma_wait3A_168 = tpu.memref_slice %arg4[%dma_wait3A_160, %add3A, %dma_wait3A_161, %dma_wait3A_166, %dma_wait3A_167] : memref<2x32x5x25x80xi32, #tpu.memory_space<hbm>> -> memref<1x1x1x25x80xi32, #tpu.memory_space<hbm>>
    %dma_wait3A_169 = tpu.memref_squeeze %dma_wait3A_168 : memref<1x1x1x25x80xi32, #tpu.memory_space<hbm>> -> memref<25x80xi32, #tpu.memory_space<hbm>>
    tpu.wait_dma2 semaphore(%arg26 : memref<!tpu.dma_semaphore, #tpu.memory_space<semaphore_mem>>) src(%dma_wait3A_169 : memref<25x80xi32, #tpu.memory_space<hbm>>) dst(%arg12 : memref<25x80xi32, #tpu.memory_space<vmem>>)
    %dma_start3A_170 = arith.constant 2 : i32
    %dma_start3A_171 = arith.constant 0 : i32
    %dma_start3A_172 = arith.constant 0 : i32
    %dma_start3A_173 = tpu.memref_slice %arg3[%add3A, %dma_start3A_170, %dma_start3A_171, %dma_start3A_172] : memref<32x5x25x80xi32, #tpu.memory_space<hbm>> -> memref<1x1x25x80xi32, #tpu.memory_space<hbm>>
    %dma_start3A_174 = tpu.memref_squeeze %dma_start3A_173 : memref<1x1x25x80xi32, #tpu.memory_space<hbm>> -> memref<25x80xi32, #tpu.memory_space<hbm>>
    %dma_start3A_175 = arith.constant 0 : i32
    %dma_start3A_176 = arith.constant 0 : i32
    %dma_start3A_177 = tpu.memref_slice %arg3[%add3A, %dma_start3A_170, %dma_start3A_175, %dma_start3A_176] : memref<32x5x25x80xi32, #tpu.memory_space<hbm>> -> memref<1x1x25x80xi32, #tpu.memory_space<hbm>>
    %dma_start3A_178 = tpu.memref_squeeze %dma_start3A_177 : memref<1x1x25x80xi32, #tpu.memory_space<hbm>> -> memref<25x80xi32, #tpu.memory_space<hbm>>
    tpu.enqueue_dma source(%dma_start3A_178 : memref<25x80xi32, #tpu.memory_space<hbm>>) target(%arg9 : memref<25x80xi32, #tpu.memory_space<vmem>>) target_semaphore(%arg26 : memref<!tpu.dma_semaphore, #tpu.memory_space<semaphore_mem>>)
    %dma_start3A_179 = arith.constant 1 : i32
    %dma_start3A_180 = arith.constant 2 : i32
    %dma_start3A_181 = arith.constant 0 : i32
    %dma_start3A_182 = arith.constant 0 : i32
    %dma_start3A_183 = tpu.memref_slice %arg4[%dma_start3A_179, %add3A, %dma_start3A_180, %dma_start3A_181, %dma_start3A_182] : memref<2x32x5x25x80xi32, #tpu.memory_space<hbm>> -> memref<1x1x1x25x80xi32, #tpu.memory_space<hbm>>
    %dma_start3A_184 = tpu.memref_squeeze %dma_start3A_183 : memref<1x1x1x25x80xi32, #tpu.memory_space<hbm>> -> memref<25x80xi32, #tpu.memory_space<hbm>>
    %dma_start3A_185 = arith.constant 0 : i32
    %dma_start3A_186 = arith.constant 0 : i32
    %dma_start3A_187 = tpu.memref_slice %arg4[%dma_start3A_179, %add3A, %dma_start3A_180, %dma_start3A_185, %dma_start3A_186] : memref<2x32x5x25x80xi32, #tpu.memory_space<hbm>> -> memref<1x1x1x25x80xi32, #tpu.memory_space<hbm>>
    %dma_start3A_188 = tpu.memref_squeeze %dma_start3A_187 : memref<1x1x1x25x80xi32, #tpu.memory_space<hbm>> -> memref<25x80xi32, #tpu.memory_space<hbm>>
    tpu.enqueue_dma source(%dma_start3A_188 : memref<25x80xi32, #tpu.memory_space<hbm>>) target(%arg11 : memref<25x80xi32, #tpu.memory_space<vmem>>) target_semaphore(%arg26 : memref<!tpu.dma_semaphore, #tpu.memory_space<semaphore_mem>>)
    %dma_start3A_189 = arith.constant 0 : i32
    %dma_start3A_190 = arith.constant 0 : i32
    %dma_start3A_191 = tpu.memref_slice %arg10[%dma_start3A_189, %dma_start3A_190] : memref<25x80xi32, #tpu.memory_space<vmem>> -> memref<1x80xi32, #tpu.memory_space<vmem>>
    %dma_start3A_192 = tpu.memref_squeeze %dma_start3A_191 : memref<1x80xi32, #tpu.memory_space<vmem>> -> memref<80xi32, #tpu.memory_space<vmem>>
    %dma_start3A_193 = arith.constant 0 : i32
    %dma_start3A_194 = arith.constant 0 : i32
    %dma_start3A_195 = tpu.memref_slice %arg2[%dma_start3A_193, %dma_start3A_194] : memref<40000x128xf32, #tpu.memory_space<hbm>> -> memref<40000x128xf32, #tpu.memory_space<hbm>>
    tpu.enqueue_indirect_dma source(%dma_start3A_195 : memref<40000x128xf32, #tpu.memory_space<hbm>>) target(%arg13 : memref<80x128xf32, #tpu.memory_space<vmem>>) offsets(%dma_start3A_192 : memref<80xi32, #tpu.memory_space<vmem>>) semaphore(%arg19 : memref<!tpu.dma_semaphore, #tpu.memory_space<semaphore_mem>>)
    %dma_start3A_196 = arith.constant 1 : i32
    %dma_start3A_197 = arith.constant 0 : i32
    %dma_start3A_198 = tpu.memref_slice %arg10[%dma_start3A_196, %dma_start3A_197] : memref<25x80xi32, #tpu.memory_space<vmem>> -> memref<1x80xi32, #tpu.memory_space<vmem>>
    %dma_start3A_199 = tpu.memref_squeeze %dma_start3A_198 : memref<1x80xi32, #tpu.memory_space<vmem>> -> memref<80xi32, #tpu.memory_space<vmem>>
    %dma_start3A_200 = arith.constant 0 : i32
    %dma_start3A_201 = arith.constant 0 : i32
    %dma_start3A_202 = tpu.memref_slice %arg2[%dma_start3A_200, %dma_start3A_201] : memref<40000x128xf32, #tpu.memory_space<hbm>> -> memref<40000x128xf32, #tpu.memory_space<hbm>>
    tpu.enqueue_indirect_dma source(%dma_start3A_202 : memref<40000x128xf32, #tpu.memory_space<hbm>>) target(%arg14 : memref<80x128xf32, #tpu.memory_space<vmem>>) offsets(%dma_start3A_199 : memref<80xi32, #tpu.memory_space<vmem>>) semaphore(%arg20 : memref<!tpu.dma_semaphore, #tpu.memory_space<semaphore_mem>>)
    %dma_start3A_203 = arith.constant 2 : i32
    %dma_start3A_204 = arith.constant 0 : i32
    %dma_start3A_205 = tpu.memref_slice %arg10[%dma_start3A_203, %dma_start3A_204] : memref<25x80xi32, #tpu.memory_space<vmem>> -> memref<1x80xi32, #tpu.memory_space<vmem>>
    %dma_start3A_206 = tpu.memref_squeeze %dma_start3A_205 : memref<1x80xi32, #tpu.memory_space<vmem>> -> memref<80xi32, #tpu.memory_space<vmem>>
    %dma_start3A_207 = arith.constant 0 : i32
    %dma_start3A_208 = arith.constant 0 : i32
    %dma_start3A_209 = tpu.memref_slice %arg2[%dma_start3A_207, %dma_start3A_208] : memref<40000x128xf32, #tpu.memory_space<hbm>> -> memref<40000x128xf32, #tpu.memory_space<hbm>>
    tpu.enqueue_indirect_dma source(%dma_start3A_209 : memref<40000x128xf32, #tpu.memory_space<hbm>>) target(%arg15 : memref<80x128xf32, #tpu.memory_space<vmem>>) offsets(%dma_start3A_206 : memref<80xi32, #tpu.memory_space<vmem>>) semaphore(%arg21 : memref<!tpu.dma_semaphore, #tpu.memory_space<semaphore_mem>>)
    %dma_wait3A_210 = arith.constant 0 : i32
    %dma_wait3A_211 = arith.constant 0 : i32
    %dma_wait3A_212 = tpu.memref_slice %arg10[%dma_wait3A_210, %dma_wait3A_211] : memref<25x80xi32, #tpu.memory_space<vmem>> -> memref<1x80xi32, #tpu.memory_space<vmem>>
    %dma_wait3A_213 = tpu.memref_squeeze %dma_wait3A_212 : memref<1x80xi32, #tpu.memory_space<vmem>> -> memref<80xi32, #tpu.memory_space<vmem>>
    %dma_wait3A_214 = arith.constant 0 : i32
    %dma_wait3A_215 = arith.constant 0 : i32
    %dma_wait3A_216 = tpu.memref_slice %arg2[%dma_wait3A_214, %dma_wait3A_215] : memref<40000x128xf32, #tpu.memory_space<hbm>> -> memref<40000x128xf32, #tpu.memory_space<hbm>>
    tpu.wait_indirect_dma semaphore(%arg19 : memref<!tpu.dma_semaphore, #tpu.memory_space<semaphore_mem>>) src(%dma_wait3A_216 : memref<40000x128xf32, #tpu.memory_space<hbm>>) dst(%arg13 : memref<80x128xf32, #tpu.memory_space<vmem>>)
    %dma_start3A_217 = arith.constant 0 : i32
    %dma_start3A_218 = arith.constant 0 : i32
    %dma_start3A_219 = tpu.memref_slice %arg12[%dma_start3A_217, %dma_start3A_218] : memref<25x80xi32, #tpu.memory_space<vmem>> -> memref<1x80xi32, #tpu.memory_space<vmem>>
    %dma_start3A_220 = tpu.memref_squeeze %dma_start3A_219 : memref<1x80xi32, #tpu.memory_space<vmem>> -> memref<80xi32, #tpu.memory_space<vmem>>
    %dma_start3A_221 = arith.constant 0 : i32
    %dma_start3A_222 = arith.constant 0 : i32
    %dma_start3A_223 = tpu.memref_slice %arg17[%dma_start3A_221, %dma_start3A_222] : memref<10000x128xf32, #tpu.memory_space<vmem_shared>> -> memref<10000x128xf32, #tpu.memory_space<vmem_shared>>
    tpu.enqueue_indirect_dma source(%arg13 : memref<80x128xf32, #tpu.memory_space<vmem>>) target(%dma_start3A_223 : memref<10000x128xf32, #tpu.memory_space<vmem_shared>>) offsets(%dma_start3A_220 : memref<80xi32, #tpu.memory_space<vmem>>) semaphore(%arg22 : memref<!tpu.dma_semaphore, #tpu.memory_space<semaphore_mem>>) {add = true}
    %dma_start3A_224 = arith.constant 0 : i32
    %dma_start3A_225 = arith.constant 0 : i32
    %dma_start3A_226 = tpu.memref_slice %arg12[%dma_start3A_224, %dma_start3A_225] : memref<25x80xi32, #tpu.memory_space<vmem>> -> memref<1x80xi32, #tpu.memory_space<vmem>>
    %dma_start3A_227 = tpu.memref_squeeze %dma_start3A_226 : memref<1x80xi32, #tpu.memory_space<vmem>> -> memref<80xi32, #tpu.memory_space<vmem>>
    %dma_start3A_228 = arith.constant 0 : i32
    %dma_start3A_229 = tpu.memref_slice %arg18[%dma_start3A_228] : memref<10000xf32, #tpu.memory_space<vmem_shared>> -> memref<10000xf32, #tpu.memory_space<vmem_shared>>
    tpu.enqueue_indirect_dma source(%arg16 : memref<80xf32, #tpu.memory_space<vmem>>) target(%dma_start3A_229 : memref<10000xf32, #tpu.memory_space<vmem_shared>>) offsets(%dma_start3A_227 : memref<80xi32, #tpu.memory_space<vmem>>) semaphore(%arg25 : memref<!tpu.dma_semaphore, #tpu.memory_space<semaphore_mem>>) {add = true}
    %scan3A_230 = arith.constant 0 : i32
    %scan3A_231 = arith.constant 0 : i32
    %scan3A_232 = arith.constant 8 : i32
    %scan3A_233 = arith.addi %scan3A_231, %scan3A_232 : i32
    %scan3A_234 = arith.constant 1 : i32
    scf.for %scan3A_535 = %scan3A_231 to %scan3A_233 step %scan3A_234  : i32 {
      %mul3A_536 = arith.constant 3 : i32
      %mul3A_537 = arith.muli %scan3A_535, %mul3A_536 : i32
      %add3A_538 = arith.constant 1 : i32
      %add3A_539 = arith.addi %mul3A_537, %add3A_538 : i32
      %add3A_540 = arith.constant 0 : i32
      %add3A_541 = arith.addi %add3A_539, %add3A_540 : i32
      %sub3A = arith.constant 1 : i32
      %sub3A_542 = arith.subi %add3A_541, %sub3A : i32
      %dma_wait3A_543 = arith.constant 0 : i32
      %dma_wait3A_544 = tpu.memref_slice %arg12[%sub3A_542, %dma_wait3A_543] : memref<25x80xi32, #tpu.memory_space<vmem>> -> memref<1x80xi32, #tpu.memory_space<vmem>>
      %dma_wait3A_545 = tpu.memref_squeeze %dma_wait3A_544 : memref<1x80xi32, #tpu.memory_space<vmem>> -> memref<80xi32, #tpu.memory_space<vmem>>
      %dma_wait3A_546 = arith.constant 0 : i32
      %dma_wait3A_547 = arith.constant 0 : i32
      %dma_wait3A_548 = tpu.memref_slice %arg17[%dma_wait3A_546, %dma_wait3A_547] : memref<10000x128xf32, #tpu.memory_space<vmem_shared>> -> memref<10000x128xf32, #tpu.memory_space<vmem_shared>>
      tpu.wait_indirect_dma semaphore(%arg22 : memref<!tpu.dma_semaphore, #tpu.memory_space<semaphore_mem>>) src(%arg13 : memref<80x128xf32, #tpu.memory_space<vmem>>) dst(%dma_wait3A_548 : memref<10000x128xf32, #tpu.memory_space<vmem_shared>>)
      %add3A_549 = arith.constant 2 : i32
      %add3A_550 = arith.addi %add3A_541, %add3A_549 : i32
      %lt3A_551 = arith.constant 25 : i32
      %lt3A_552 = arith.cmpi slt, %add3A_550, %lt3A_551 : i32
      %convert_element_type3A_553 = arith.extui %lt3A_552 : i1 to i32
      %cond3A_554 = arith.constant 0 : i32
      %cond3A_555 = arith.cmpi ne, %convert_element_type3A_553, %cond3A_554 : i32
      scf.if %cond3A_555 {
        %add3A_649 = arith.constant 2 : i32
        %add3A_650 = arith.addi %add3A_541, %add3A_649 : i32
        %dma_start3A_651 = arith.constant 0 : i32
        %dma_start3A_652 = tpu.memref_slice %arg10[%add3A_650, %dma_start3A_651] : memref<25x80xi32, #tpu.memory_space<vmem>> -> memref<1x80xi32, #tpu.memory_space<vmem>>
        %dma_start3A_653 = tpu.memref_squeeze %dma_start3A_652 : memref<1x80xi32, #tpu.memory_space<vmem>> -> memref<80xi32, #tpu.memory_space<vmem>>
        %dma_start3A_654 = arith.constant 0 : i32
        %dma_start3A_655 = arith.constant 0 : i32
        %dma_start3A_656 = tpu.memref_slice %arg2[%dma_start3A_654, %dma_start3A_655] : memref<40000x128xf32, #tpu.memory_space<hbm>> -> memref<40000x128xf32, #tpu.memory_space<hbm>>
        tpu.enqueue_indirect_dma source(%dma_start3A_656 : memref<40000x128xf32, #tpu.memory_space<hbm>>) target(%arg13 : memref<80x128xf32, #tpu.memory_space<vmem>>) offsets(%dma_start3A_653 : memref<80xi32, #tpu.memory_space<vmem>>) semaphore(%arg19 : memref<!tpu.dma_semaphore, #tpu.memory_space<semaphore_mem>>)
      } else {
      }
      %dma_wait3A_556 = arith.constant 0 : i32
      %dma_wait3A_557 = tpu.memref_slice %arg10[%add3A_541, %dma_wait3A_556] : memref<25x80xi32, #tpu.memory_space<vmem>> -> memref<1x80xi32, #tpu.memory_space<vmem>>
      %dma_wait3A_558 = tpu.memref_squeeze %dma_wait3A_557 : memref<1x80xi32, #tpu.memory_space<vmem>> -> memref<80xi32, #tpu.memory_space<vmem>>
      %dma_wait3A_559 = arith.constant 0 : i32
      %dma_wait3A_560 = arith.constant 0 : i32
      %dma_wait3A_561 = tpu.memref_slice %arg2[%dma_wait3A_559, %dma_wait3A_560] : memref<40000x128xf32, #tpu.memory_space<hbm>> -> memref<40000x128xf32, #tpu.memory_space<hbm>>
      tpu.wait_indirect_dma semaphore(%arg20 : memref<!tpu.dma_semaphore, #tpu.memory_space<semaphore_mem>>) src(%dma_wait3A_561 : memref<40000x128xf32, #tpu.memory_space<hbm>>) dst(%arg14 : memref<80x128xf32, #tpu.memory_space<vmem>>)
      %dma_start3A_562 = arith.constant 0 : i32
      %dma_start3A_563 = tpu.memref_slice %arg12[%add3A_541, %dma_start3A_562] : memref<25x80xi32, #tpu.memory_space<vmem>> -> memref<1x80xi32, #tpu.memory_space<vmem>>
      %dma_start3A_564 = tpu.memref_squeeze %dma_start3A_563 : memref<1x80xi32, #tpu.memory_space<vmem>> -> memref<80xi32, #tpu.memory_space<vmem>>
      %dma_start3A_565 = arith.constant 0 : i32
      %dma_start3A_566 = arith.constant 0 : i32
      %dma_start3A_567 = tpu.memref_slice %arg17[%dma_start3A_565, %dma_start3A_566] : memref<10000x128xf32, #tpu.memory_space<vmem_shared>> -> memref<10000x128xf32, #tpu.memory_space<vmem_shared>>
      tpu.enqueue_indirect_dma source(%arg14 : memref<80x128xf32, #tpu.memory_space<vmem>>) target(%dma_start3A_567 : memref<10000x128xf32, #tpu.memory_space<vmem_shared>>) offsets(%dma_start3A_564 : memref<80xi32, #tpu.memory_space<vmem>>) semaphore(%arg23 : memref<!tpu.dma_semaphore, #tpu.memory_space<semaphore_mem>>) {add = true}
      %dma_start3A_568 = arith.constant 0 : i32
      %dma_start3A_569 = tpu.memref_slice %arg12[%add3A_541, %dma_start3A_568] : memref<25x80xi32, #tpu.memory_space<vmem>> -> memref<1x80xi32, #tpu.memory_space<vmem>>
      %dma_start3A_570 = tpu.memref_squeeze %dma_start3A_569 : memref<1x80xi32, #tpu.memory_space<vmem>> -> memref<80xi32, #tpu.memory_space<vmem>>
      %dma_start3A_571 = arith.constant 0 : i32
      %dma_start3A_572 = tpu.memref_slice %arg18[%dma_start3A_571] : memref<10000xf32, #tpu.memory_space<vmem_shared>> -> memref<10000xf32, #tpu.memory_space<vmem_shared>>
      tpu.enqueue_indirect_dma source(%arg16 : memref<80xf32, #tpu.memory_space<vmem>>) target(%dma_start3A_572 : memref<10000xf32, #tpu.memory_space<vmem_shared>>) offsets(%dma_start3A_570 : memref<80xi32, #tpu.memory_space<vmem>>) semaphore(%arg25 : memref<!tpu.dma_semaphore, #tpu.memory_space<semaphore_mem>>) {add = true}
      %mul3A_573 = arith.constant 3 : i32
      %mul3A_574 = arith.muli %scan3A_535, %mul3A_573 : i32
      %add3A_575 = arith.constant 1 : i32
      %add3A_576 = arith.addi %mul3A_574, %add3A_575 : i32
      %add3A_577 = arith.constant 1 : i32
      %add3A_578 = arith.addi %add3A_576, %add3A_577 : i32
      %sub3A_579 = arith.constant 1 : i32
      %sub3A_580 = arith.subi %add3A_578, %sub3A_579 : i32
      %dma_wait3A_581 = arith.constant 0 : i32
      %dma_wait3A_582 = tpu.memref_slice %arg12[%sub3A_580, %dma_wait3A_581] : memref<25x80xi32, #tpu.memory_space<vmem>> -> memref<1x80xi32, #tpu.memory_space<vmem>>
      %dma_wait3A_583 = tpu.memref_squeeze %dma_wait3A_582 : memref<1x80xi32, #tpu.memory_space<vmem>> -> memref<80xi32, #tpu.memory_space<vmem>>
      %dma_wait3A_584 = arith.constant 0 : i32
      %dma_wait3A_585 = arith.constant 0 : i32
      %dma_wait3A_586 = tpu.memref_slice %arg17[%dma_wait3A_584, %dma_wait3A_585] : memref<10000x128xf32, #tpu.memory_space<vmem_shared>> -> memref<10000x128xf32, #tpu.memory_space<vmem_shared>>
      tpu.wait_indirect_dma semaphore(%arg23 : memref<!tpu.dma_semaphore, #tpu.memory_space<semaphore_mem>>) src(%arg14 : memref<80x128xf32, #tpu.memory_space<vmem>>) dst(%dma_wait3A_586 : memref<10000x128xf32, #tpu.memory_space<vmem_shared>>)
      %add3A_587 = arith.constant 2 : i32
      %add3A_588 = arith.addi %add3A_578, %add3A_587 : i32
      %lt3A_589 = arith.constant 25 : i32
      %lt3A_590 = arith.cmpi slt, %add3A_588, %lt3A_589 : i32
      %convert_element_type3A_591 = arith.extui %lt3A_590 : i1 to i32
      %cond3A_592 = arith.constant 0 : i32
      %cond3A_593 = arith.cmpi ne, %convert_element_type3A_591, %cond3A_592 : i32
      scf.if %cond3A_593 {
        %add3A_649 = arith.constant 2 : i32
        %add3A_650 = arith.addi %add3A_578, %add3A_649 : i32
        %dma_start3A_651 = arith.constant 0 : i32
        %dma_start3A_652 = tpu.memref_slice %arg10[%add3A_650, %dma_start3A_651] : memref<25x80xi32, #tpu.memory_space<vmem>> -> memref<1x80xi32, #tpu.memory_space<vmem>>
        %dma_start3A_653 = tpu.memref_squeeze %dma_start3A_652 : memref<1x80xi32, #tpu.memory_space<vmem>> -> memref<80xi32, #tpu.memory_space<vmem>>
        %dma_start3A_654 = arith.constant 0 : i32
        %dma_start3A_655 = arith.constant 0 : i32
        %dma_start3A_656 = tpu.memref_slice %arg2[%dma_start3A_654, %dma_start3A_655] : memref<40000x128xf32, #tpu.memory_space<hbm>> -> memref<40000x128xf32, #tpu.memory_space<hbm>>
        tpu.enqueue_indirect_dma source(%dma_start3A_656 : memref<40000x128xf32, #tpu.memory_space<hbm>>) target(%arg14 : memref<80x128xf32, #tpu.memory_space<vmem>>) offsets(%dma_start3A_653 : memref<80xi32, #tpu.memory_space<vmem>>) semaphore(%arg20 : memref<!tpu.dma_semaphore, #tpu.memory_space<semaphore_mem>>)
      } else {
      }
      %dma_wait3A_594 = arith.constant 0 : i32
      %dma_wait3A_595 = tpu.memref_slice %arg10[%add3A_578, %dma_wait3A_594] : memref<25x80xi32, #tpu.memory_space<vmem>> -> memref<1x80xi32, #tpu.memory_space<vmem>>
      %dma_wait3A_596 = tpu.memref_squeeze %dma_wait3A_595 : memref<1x80xi32, #tpu.memory_space<vmem>> -> memref<80xi32, #tpu.memory_space<vmem>>
      %dma_wait3A_597 = arith.constant 0 : i32
      %dma_wait3A_598 = arith.constant 0 : i32
      %dma_wait3A_599 = tpu.memref_slice %arg2[%dma_wait3A_597, %dma_wait3A_598] : memref<40000x128xf32, #tpu.memory_space<hbm>> -> memref<40000x128xf32, #tpu.memory_space<hbm>>
      tpu.wait_indirect_dma semaphore(%arg21 : memref<!tpu.dma_semaphore, #tpu.memory_space<semaphore_mem>>) src(%dma_wait3A_599 : memref<40000x128xf32, #tpu.memory_space<hbm>>) dst(%arg15 : memref<80x128xf32, #tpu.memory_space<vmem>>)
      %dma_start3A_600 = arith.constant 0 : i32
      %dma_start3A_601 = tpu.memref_slice %arg12[%add3A_578, %dma_start3A_600] : memref<25x80xi32, #tpu.memory_space<vmem>> -> memref<1x80xi32, #tpu.memory_space<vmem>>
      %dma_start3A_602 = tpu.memref_squeeze %dma_start3A_601 : memref<1x80xi32, #tpu.memory_space<vmem>> -> memref<80xi32, #tpu.memory_space<vmem>>
      %dma_start3A_603 = arith.constant 0 : i32
      %dma_start3A_604 = arith.constant 0 : i32
      %dma_start3A_605 = tpu.memref_slice %arg17[%dma_start3A_603, %dma_start3A_604] : memref<10000x128xf32, #tpu.memory_space<vmem_shared>> -> memref<10000x128xf32, #tpu.memory_space<vmem_shared>>
      tpu.enqueue_indirect_dma source(%arg15 : memref<80x128xf32, #tpu.memory_space<vmem>>) target(%dma_start3A_605 : memref<10000x128xf32, #tpu.memory_space<vmem_shared>>) offsets(%dma_start3A_602 : memref<80xi32, #tpu.memory_space<vmem>>) semaphore(%arg24 : memref<!tpu.dma_semaphore, #tpu.memory_space<semaphore_mem>>) {add = true}
      %dma_start3A_606 = arith.constant 0 : i32
      %dma_start3A_607 = tpu.memref_slice %arg12[%add3A_578, %dma_start3A_606] : memref<25x80xi32, #tpu.memory_space<vmem>> -> memref<1x80xi32, #tpu.memory_space<vmem>>
      %dma_start3A_608 = tpu.memref_squeeze %dma_start3A_607 : memref<1x80xi32, #tpu.memory_space<vmem>> -> memref<80xi32, #tpu.memory_space<vmem>>
      %dma_start3A_609 = arith.constant 0 : i32
      %dma_start3A_610 = tpu.memref_slice %arg18[%dma_start3A_609] : memref<10000xf32, #tpu.memory_space<vmem_shared>> -> memref<10000xf32, #tpu.memory_space<vmem_shared>>
      tpu.enqueue_indirect_dma source(%arg16 : memref<80xf32, #tpu.memory_space<vmem>>) target(%dma_start3A_610 : memref<10000xf32, #tpu.memory_space<vmem_shared>>) offsets(%dma_start3A_608 : memref<80xi32, #tpu.memory_space<vmem>>) semaphore(%arg25 : memref<!tpu.dma_semaphore, #tpu.memory_space<semaphore_mem>>) {add = true}
      %mul3A_611 = arith.constant 3 : i32
      %mul3A_612 = arith.muli %scan3A_535, %mul3A_611 : i32
      %add3A_613 = arith.constant 1 : i32
      %add3A_614 = arith.addi %mul3A_612, %add3A_613 : i32
      %add3A_615 = arith.constant 2 : i32
      %add3A_616 = arith.addi %add3A_614, %add3A_615 : i32
      %sub3A_617 = arith.constant 1 : i32
      %sub3A_618 = arith.subi %add3A_616, %sub3A_617 : i32
      %dma_wait3A_619 = arith.constant 0 : i32
      %dma_wait3A_620 = tpu.memref_slice %arg12[%sub3A_618, %dma_wait3A_619] : memref<25x80xi32, #tpu.memory_space<vmem>> -> memref<1x80xi32, #tpu.memory_space<vmem>>
      %dma_wait3A_621 = tpu.memref_squeeze %dma_wait3A_620 : memref<1x80xi32, #tpu.memory_space<vmem>> -> memref<80xi32, #tpu.memory_space<vmem>>
      %dma_wait3A_622 = arith.constant 0 : i32
      %dma_wait3A_623 = arith.constant 0 : i32
      %dma_wait3A_624 = tpu.memref_slice %arg17[%dma_wait3A_622, %dma_wait3A_623] : memref<10000x128xf32, #tpu.memory_space<vmem_shared>> -> memref<10000x128xf32, #tpu.memory_space<vmem_shared>>
      tpu.wait_indirect_dma semaphore(%arg24 : memref<!tpu.dma_semaphore, #tpu.memory_space<semaphore_mem>>) src(%arg15 : memref<80x128xf32, #tpu.memory_space<vmem>>) dst(%dma_wait3A_624 : memref<10000x128xf32, #tpu.memory_space<vmem_shared>>)
      %add3A_625 = arith.constant 2 : i32
      %add3A_626 = arith.addi %add3A_616, %add3A_625 : i32
      %lt3A_627 = arith.constant 25 : i32
      %lt3A_628 = arith.cmpi slt, %add3A_626, %lt3A_627 : i32
      %convert_element_type3A_629 = arith.extui %lt3A_628 : i1 to i32
      %cond3A_630 = arith.constant 0 : i32
      %cond3A_631 = arith.cmpi ne, %convert_element_type3A_629, %cond3A_630 : i32
      scf.if %cond3A_631 {
        %add3A_649 = arith.constant 2 : i32
        %add3A_650 = arith.addi %add3A_616, %add3A_649 : i32
        %dma_start3A_651 = arith.constant 0 : i32
        %dma_start3A_652 = tpu.memref_slice %arg10[%add3A_650, %dma_start3A_651] : memref<25x80xi32, #tpu.memory_space<vmem>> -> memref<1x80xi32, #tpu.memory_space<vmem>>
        %dma_start3A_653 = tpu.memref_squeeze %dma_start3A_652 : memref<1x80xi32, #tpu.memory_space<vmem>> -> memref<80xi32, #tpu.memory_space<vmem>>
        %dma_start3A_654 = arith.constant 0 : i32
        %dma_start3A_655 = arith.constant 0 : i32
        %dma_start3A_656 = tpu.memref_slice %arg2[%dma_start3A_654, %dma_start3A_655] : memref<40000x128xf32, #tpu.memory_space<hbm>> -> memref<40000x128xf32, #tpu.memory_space<hbm>>
        tpu.enqueue_indirect_dma source(%dma_start3A_656 : memref<40000x128xf32, #tpu.memory_space<hbm>>) target(%arg15 : memref<80x128xf32, #tpu.memory_space<vmem>>) offsets(%dma_start3A_653 : memref<80xi32, #tpu.memory_space<vmem>>) semaphore(%arg21 : memref<!tpu.dma_semaphore, #tpu.memory_space<semaphore_mem>>)
      } else {
      }
      %dma_wait3A_632 = arith.constant 0 : i32
      %dma_wait3A_633 = tpu.memref_slice %arg10[%add3A_616, %dma_wait3A_632] : memref<25x80xi32, #tpu.memory_space<vmem>> -> memref<1x80xi32, #tpu.memory_space<vmem>>
      %dma_wait3A_634 = tpu.memref_squeeze %dma_wait3A_633 : memref<1x80xi32, #tpu.memory_space<vmem>> -> memref<80xi32, #tpu.memory_space<vmem>>
      %dma_wait3A_635 = arith.constant 0 : i32
      %dma_wait3A_636 = arith.constant 0 : i32
      %dma_wait3A_637 = tpu.memref_slice %arg2[%dma_wait3A_635, %dma_wait3A_636] : memref<40000x128xf32, #tpu.memory_space<hbm>> -> memref<40000x128xf32, #tpu.memory_space<hbm>>
      tpu.wait_indirect_dma semaphore(%arg19 : memref<!tpu.dma_semaphore, #tpu.memory_space<semaphore_mem>>) src(%dma_wait3A_637 : memref<40000x128xf32, #tpu.memory_space<hbm>>) dst(%arg13 : memref<80x128xf32, #tpu.memory_space<vmem>>)
      %dma_start3A_638 = arith.constant 0 : i32
      %dma_start3A_639 = tpu.memref_slice %arg12[%add3A_616, %dma_start3A_638] : memref<25x80xi32, #tpu.memory_space<vmem>> -> memref<1x80xi32, #tpu.memory_space<vmem>>
      %dma_start3A_640 = tpu.memref_squeeze %dma_start3A_639 : memref<1x80xi32, #tpu.memory_space<vmem>> -> memref<80xi32, #tpu.memory_space<vmem>>
      %dma_start3A_641 = arith.constant 0 : i32
      %dma_start3A_642 = arith.constant 0 : i32
      %dma_start3A_643 = tpu.memref_slice %arg17[%dma_start3A_641, %dma_start3A_642] : memref<10000x128xf32, #tpu.memory_space<vmem_shared>> -> memref<10000x128xf32, #tpu.memory_space<vmem_shared>>
      tpu.enqueue_indirect_dma source(%arg13 : memref<80x128xf32, #tpu.memory_space<vmem>>) target(%dma_start3A_643 : memref<10000x128xf32, #tpu.memory_space<vmem_shared>>) offsets(%dma_start3A_640 : memref<80xi32, #tpu.memory_space<vmem>>) semaphore(%arg22 : memref<!tpu.dma_semaphore, #tpu.memory_space<semaphore_mem>>) {add = true}
      %dma_start3A_644 = arith.constant 0 : i32
      %dma_start3A_645 = tpu.memref_slice %arg12[%add3A_616, %dma_start3A_644] : memref<25x80xi32, #tpu.memory_space<vmem>> -> memref<1x80xi32, #tpu.memory_space<vmem>>
      %dma_start3A_646 = tpu.memref_squeeze %dma_start3A_645 : memref<1x80xi32, #tpu.memory_space<vmem>> -> memref<80xi32, #tpu.memory_space<vmem>>
      %dma_start3A_647 = arith.constant 0 : i32
      %dma_start3A_648 = tpu.memref_slice %arg18[%dma_start3A_647] : memref<10000xf32, #tpu.memory_space<vmem_shared>> -> memref<10000xf32, #tpu.memory_space<vmem_shared>>
      tpu.enqueue_indirect_dma source(%arg16 : memref<80xf32, #tpu.memory_space<vmem>>) target(%dma_start3A_648 : memref<10000xf32, #tpu.memory_space<vmem_shared>>) offsets(%dma_start3A_646 : memref<80xi32, #tpu.memory_space<vmem>>) semaphore(%arg25 : memref<!tpu.dma_semaphore, #tpu.memory_space<semaphore_mem>>) {add = true}
    }
    %scan3A_235 = arith.constant 8 : i32
    %dma_wait3A_236 = arith.constant 24 : i32
    %dma_wait3A_237 = arith.constant 0 : i32
    %dma_wait3A_238 = tpu.memref_slice %arg12[%dma_wait3A_236, %dma_wait3A_237] : memref<25x80xi32, #tpu.memory_space<vmem>> -> memref<1x80xi32, #tpu.memory_space<vmem>>
    %dma_wait3A_239 = tpu.memref_squeeze %dma_wait3A_238 : memref<1x80xi32, #tpu.memory_space<vmem>> -> memref<80xi32, #tpu.memory_space<vmem>>
    %dma_wait3A_240 = arith.constant 0 : i32
    %dma_wait3A_241 = arith.constant 0 : i32
    %dma_wait3A_242 = tpu.memref_slice %arg17[%dma_wait3A_240, %dma_wait3A_241] : memref<10000x128xf32, #tpu.memory_space<vmem_shared>> -> memref<10000x128xf32, #tpu.memory_space<vmem_shared>>
    tpu.wait_indirect_dma semaphore(%arg22 : memref<!tpu.dma_semaphore, #tpu.memory_space<semaphore_mem>>) src(%arg13 : memref<80x128xf32, #tpu.memory_space<vmem>>) dst(%dma_wait3A_242 : memref<10000x128xf32, #tpu.memory_space<vmem_shared>>)
    %scan3A_243 = arith.constant 0 : i32
    %scan3A_244 = arith.constant 0 : i32
    %scan3A_245 = arith.constant 25 : i32
    %scan3A_246 = arith.addi %scan3A_244, %scan3A_245 : i32
    %scan3A_247 = arith.constant 1 : i32
    scf.for %scan3A_535 = %scan3A_244 to %scan3A_246 step %scan3A_247  : i32 {
      %dma_wait3A_536 = arith.constant 0 : i32
      %dma_wait3A_537 = tpu.memref_slice %arg12[%scan3A_535, %dma_wait3A_536] : memref<25x80xi32, #tpu.memory_space<vmem>> -> memref<1x80xi32, #tpu.memory_space<vmem>>
      %dma_wait3A_538 = tpu.memref_squeeze %dma_wait3A_537 : memref<1x80xi32, #tpu.memory_space<vmem>> -> memref<80xi32, #tpu.memory_space<vmem>>
      %dma_wait3A_539 = arith.constant 0 : i32
      %dma_wait3A_540 = tpu.memref_slice %arg18[%dma_wait3A_539] : memref<10000xf32, #tpu.memory_space<vmem_shared>> -> memref<10000xf32, #tpu.memory_space<vmem_shared>>
      tpu.wait_indirect_dma semaphore(%arg25 : memref<!tpu.dma_semaphore, #tpu.memory_space<semaphore_mem>>) src(%arg16 : memref<80xf32, #tpu.memory_space<vmem>>) dst(%dma_wait3A_540 : memref<10000xf32, #tpu.memory_space<vmem_shared>>)
    }
    %scan3A_248 = arith.constant 25 : i32
    %dma_wait3A_249 = arith.constant 2 : i32
    %dma_wait3A_250 = arith.constant 0 : i32
    %dma_wait3A_251 = arith.constant 0 : i32
    %dma_wait3A_252 = tpu.memref_slice %arg3[%add3A, %dma_wait3A_249, %dma_wait3A_250, %dma_wait3A_251] : memref<32x5x25x80xi32, #tpu.memory_space<hbm>> -> memref<1x1x25x80xi32, #tpu.memory_space<hbm>>
    %dma_wait3A_253 = tpu.memref_squeeze %dma_wait3A_252 : memref<1x1x25x80xi32, #tpu.memory_space<hbm>> -> memref<25x80xi32, #tpu.memory_space<hbm>>
    %dma_wait3A_254 = arith.constant 0 : i32
    %dma_wait3A_255 = arith.constant 0 : i32
    %dma_wait3A_256 = tpu.memref_slice %arg3[%add3A, %dma_wait3A_249, %dma_wait3A_254, %dma_wait3A_255] : memref<32x5x25x80xi32, #tpu.memory_space<hbm>> -> memref<1x1x25x80xi32, #tpu.memory_space<hbm>>
    %dma_wait3A_257 = tpu.memref_squeeze %dma_wait3A_256 : memref<1x1x25x80xi32, #tpu.memory_space<hbm>> -> memref<25x80xi32, #tpu.memory_space<hbm>>
    tpu.wait_dma2 semaphore(%arg26 : memref<!tpu.dma_semaphore, #tpu.memory_space<semaphore_mem>>) src(%dma_wait3A_257 : memref<25x80xi32, #tpu.memory_space<hbm>>) dst(%arg9 : memref<25x80xi32, #tpu.memory_space<vmem>>)
    %dma_wait3A_258 = arith.constant 1 : i32
    %dma_wait3A_259 = arith.constant 2 : i32
    %dma_wait3A_260 = arith.constant 0 : i32
    %dma_wait3A_261 = arith.constant 0 : i32
    %dma_wait3A_262 = tpu.memref_slice %arg4[%dma_wait3A_258, %add3A, %dma_wait3A_259, %dma_wait3A_260, %dma_wait3A_261] : memref<2x32x5x25x80xi32, #tpu.memory_space<hbm>> -> memref<1x1x1x25x80xi32, #tpu.memory_space<hbm>>
    %dma_wait3A_263 = tpu.memref_squeeze %dma_wait3A_262 : memref<1x1x1x25x80xi32, #tpu.memory_space<hbm>> -> memref<25x80xi32, #tpu.memory_space<hbm>>
    %dma_wait3A_264 = arith.constant 0 : i32
    %dma_wait3A_265 = arith.constant 0 : i32
    %dma_wait3A_266 = tpu.memref_slice %arg4[%dma_wait3A_258, %add3A, %dma_wait3A_259, %dma_wait3A_264, %dma_wait3A_265] : memref<2x32x5x25x80xi32, #tpu.memory_space<hbm>> -> memref<1x1x1x25x80xi32, #tpu.memory_space<hbm>>
    %dma_wait3A_267 = tpu.memref_squeeze %dma_wait3A_266 : memref<1x1x1x25x80xi32, #tpu.memory_space<hbm>> -> memref<25x80xi32, #tpu.memory_space<hbm>>
    tpu.wait_dma2 semaphore(%arg26 : memref<!tpu.dma_semaphore, #tpu.memory_space<semaphore_mem>>) src(%dma_wait3A_267 : memref<25x80xi32, #tpu.memory_space<hbm>>) dst(%arg11 : memref<25x80xi32, #tpu.memory_space<vmem>>)
    %dma_start3A_268 = arith.constant 3 : i32
    %dma_start3A_269 = arith.constant 0 : i32
    %dma_start3A_270 = arith.constant 0 : i32
    %dma_start3A_271 = tpu.memref_slice %arg3[%add3A, %dma_start3A_268, %dma_start3A_269, %dma_start3A_270] : memref<32x5x25x80xi32, #tpu.memory_space<hbm>> -> memref<1x1x25x80xi32, #tpu.memory_space<hbm>>
    %dma_start3A_272 = tpu.memref_squeeze %dma_start3A_271 : memref<1x1x25x80xi32, #tpu.memory_space<hbm>> -> memref<25x80xi32, #tpu.memory_space<hbm>>
    %dma_start3A_273 = arith.constant 0 : i32
    %dma_start3A_274 = arith.constant 0 : i32
    %dma_start3A_275 = tpu.memref_slice %arg3[%add3A, %dma_start3A_268, %dma_start3A_273, %dma_start3A_274] : memref<32x5x25x80xi32, #tpu.memory_space<hbm>> -> memref<1x1x25x80xi32, #tpu.memory_space<hbm>>
    %dma_start3A_276 = tpu.memref_squeeze %dma_start3A_275 : memref<1x1x25x80xi32, #tpu.memory_space<hbm>> -> memref<25x80xi32, #tpu.memory_space<hbm>>
    tpu.enqueue_dma source(%dma_start3A_276 : memref<25x80xi32, #tpu.memory_space<hbm>>) target(%arg10 : memref<25x80xi32, #tpu.memory_space<vmem>>) target_semaphore(%arg26 : memref<!tpu.dma_semaphore, #tpu.memory_space<semaphore_mem>>)
    %dma_start3A_277 = arith.constant 1 : i32
    %dma_start3A_278 = arith.constant 3 : i32
    %dma_start3A_279 = arith.constant 0 : i32
    %dma_start3A_280 = arith.constant 0 : i32
    %dma_start3A_281 = tpu.memref_slice %arg4[%dma_start3A_277, %add3A, %dma_start3A_278, %dma_start3A_279, %dma_start3A_280] : memref<2x32x5x25x80xi32, #tpu.memory_space<hbm>> -> memref<1x1x1x25x80xi32, #tpu.memory_space<hbm>>
    %dma_start3A_282 = tpu.memref_squeeze %dma_start3A_281 : memref<1x1x1x25x80xi32, #tpu.memory_space<hbm>> -> memref<25x80xi32, #tpu.memory_space<hbm>>
    %dma_start3A_283 = arith.constant 0 : i32
    %dma_start3A_284 = arith.constant 0 : i32
    %dma_start3A_285 = tpu.memref_slice %arg4[%dma_start3A_277, %add3A, %dma_start3A_278, %dma_start3A_283, %dma_start3A_284] : memref<2x32x5x25x80xi32, #tpu.memory_space<hbm>> -> memref<1x1x1x25x80xi32, #tpu.memory_space<hbm>>
    %dma_start3A_286 = tpu.memref_squeeze %dma_start3A_285 : memref<1x1x1x25x80xi32, #tpu.memory_space<hbm>> -> memref<25x80xi32, #tpu.memory_space<hbm>>
    tpu.enqueue_dma source(%dma_start3A_286 : memref<25x80xi32, #tpu.memory_space<hbm>>) target(%arg12 : memref<25x80xi32, #tpu.memory_space<vmem>>) target_semaphore(%arg26 : memref<!tpu.dma_semaphore, #tpu.memory_space<semaphore_mem>>)
    %dma_start3A_287 = arith.constant 0 : i32
    %dma_start3A_288 = arith.constant 0 : i32
    %dma_start3A_289 = tpu.memref_slice %arg9[%dma_start3A_287, %dma_start3A_288] : memref<25x80xi32, #tpu.memory_space<vmem>> -> memref<1x80xi32, #tpu.memory_space<vmem>>
    %dma_start3A_290 = tpu.memref_squeeze %dma_start3A_289 : memref<1x80xi32, #tpu.memory_space<vmem>> -> memref<80xi32, #tpu.memory_space<vmem>>
    %dma_start3A_291 = arith.constant 0 : i32
    %dma_start3A_292 = arith.constant 0 : i32
    %dma_start3A_293 = tpu.memref_slice %arg2[%dma_start3A_291, %dma_start3A_292] : memref<40000x128xf32, #tpu.memory_space<hbm>> -> memref<40000x128xf32, #tpu.memory_space<hbm>>
    tpu.enqueue_indirect_dma source(%dma_start3A_293 : memref<40000x128xf32, #tpu.memory_space<hbm>>) target(%arg13 : memref<80x128xf32, #tpu.memory_space<vmem>>) offsets(%dma_start3A_290 : memref<80xi32, #tpu.memory_space<vmem>>) semaphore(%arg19 : memref<!tpu.dma_semaphore, #tpu.memory_space<semaphore_mem>>)
    %dma_start3A_294 = arith.constant 1 : i32
    %dma_start3A_295 = arith.constant 0 : i32
    %dma_start3A_296 = tpu.memref_slice %arg9[%dma_start3A_294, %dma_start3A_295] : memref<25x80xi32, #tpu.memory_space<vmem>> -> memref<1x80xi32, #tpu.memory_space<vmem>>
    %dma_start3A_297 = tpu.memref_squeeze %dma_start3A_296 : memref<1x80xi32, #tpu.memory_space<vmem>> -> memref<80xi32, #tpu.memory_space<vmem>>
    %dma_start3A_298 = arith.constant 0 : i32
    %dma_start3A_299 = arith.constant 0 : i32
    %dma_start3A_300 = tpu.memref_slice %arg2[%dma_start3A_298, %dma_start3A_299] : memref<40000x128xf32, #tpu.memory_space<hbm>> -> memref<40000x128xf32, #tpu.memory_space<hbm>>
    tpu.enqueue_indirect_dma source(%dma_start3A_300 : memref<40000x128xf32, #tpu.memory_space<hbm>>) target(%arg14 : memref<80x128xf32, #tpu.memory_space<vmem>>) offsets(%dma_start3A_297 : memref<80xi32, #tpu.memory_space<vmem>>) semaphore(%arg20 : memref<!tpu.dma_semaphore, #tpu.memory_space<semaphore_mem>>)
    %dma_start3A_301 = arith.constant 2 : i32
    %dma_start3A_302 = arith.constant 0 : i32
    %dma_start3A_303 = tpu.memref_slice %arg9[%dma_start3A_301, %dma_start3A_302] : memref<25x80xi32, #tpu.memory_space<vmem>> -> memref<1x80xi32, #tpu.memory_space<vmem>>
    %dma_start3A_304 = tpu.memref_squeeze %dma_start3A_303 : memref<1x80xi32, #tpu.memory_space<vmem>> -> memref<80xi32, #tpu.memory_space<vmem>>
    %dma_start3A_305 = arith.constant 0 : i32
    %dma_start3A_306 = arith.constant 0 : i32
    %dma_start3A_307 = tpu.memref_slice %arg2[%dma_start3A_305, %dma_start3A_306] : memref<40000x128xf32, #tpu.memory_space<hbm>> -> memref<40000x128xf32, #tpu.memory_space<hbm>>
    tpu.enqueue_indirect_dma source(%dma_start3A_307 : memref<40000x128xf32, #tpu.memory_space<hbm>>) target(%arg15 : memref<80x128xf32, #tpu.memory_space<vmem>>) offsets(%dma_start3A_304 : memref<80xi32, #tpu.memory_space<vmem>>) semaphore(%arg21 : memref<!tpu.dma_semaphore, #tpu.memory_space<semaphore_mem>>)
    %dma_wait3A_308 = arith.constant 0 : i32
    %dma_wait3A_309 = arith.constant 0 : i32
    %dma_wait3A_310 = tpu.memref_slice %arg9[%dma_wait3A_308, %dma_wait3A_309] : memref<25x80xi32, #tpu.memory_space<vmem>> -> memref<1x80xi32, #tpu.memory_space<vmem>>
    %dma_wait3A_311 = tpu.memref_squeeze %dma_wait3A_310 : memref<1x80xi32, #tpu.memory_space<vmem>> -> memref<80xi32, #tpu.memory_space<vmem>>
    %dma_wait3A_312 = arith.constant 0 : i32
    %dma_wait3A_313 = arith.constant 0 : i32
    %dma_wait3A_314 = tpu.memref_slice %arg2[%dma_wait3A_312, %dma_wait3A_313] : memref<40000x128xf32, #tpu.memory_space<hbm>> -> memref<40000x128xf32, #tpu.memory_space<hbm>>
    tpu.wait_indirect_dma semaphore(%arg19 : memref<!tpu.dma_semaphore, #tpu.memory_space<semaphore_mem>>) src(%dma_wait3A_314 : memref<40000x128xf32, #tpu.memory_space<hbm>>) dst(%arg13 : memref<80x128xf32, #tpu.memory_space<vmem>>)
    %dma_start3A_315 = arith.constant 0 : i32
    %dma_start3A_316 = arith.constant 0 : i32
    %dma_start3A_317 = tpu.memref_slice %arg11[%dma_start3A_315, %dma_start3A_316] : memref<25x80xi32, #tpu.memory_space<vmem>> -> memref<1x80xi32, #tpu.memory_space<vmem>>
    %dma_start3A_318 = tpu.memref_squeeze %dma_start3A_317 : memref<1x80xi32, #tpu.memory_space<vmem>> -> memref<80xi32, #tpu.memory_space<vmem>>
    %dma_start3A_319 = arith.constant 0 : i32
    %dma_start3A_320 = arith.constant 0 : i32
    %dma_start3A_321 = tpu.memref_slice %arg17[%dma_start3A_319, %dma_start3A_320] : memref<10000x128xf32, #tpu.memory_space<vmem_shared>> -> memref<10000x128xf32, #tpu.memory_space<vmem_shared>>
    tpu.enqueue_indirect_dma source(%arg13 : memref<80x128xf32, #tpu.memory_space<vmem>>) target(%dma_start3A_321 : memref<10000x128xf32, #tpu.memory_space<vmem_shared>>) offsets(%dma_start3A_318 : memref<80xi32, #tpu.memory_space<vmem>>) semaphore(%arg22 : memref<!tpu.dma_semaphore, #tpu.memory_space<semaphore_mem>>) {add = true}
    %dma_start3A_322 = arith.constant 0 : i32
    %dma_start3A_323 = arith.constant 0 : i32
    %dma_start3A_324 = tpu.memref_slice %arg11[%dma_start3A_322, %dma_start3A_323] : memref<25x80xi32, #tpu.memory_space<vmem>> -> memref<1x80xi32, #tpu.memory_space<vmem>>
    %dma_start3A_325 = tpu.memref_squeeze %dma_start3A_324 : memref<1x80xi32, #tpu.memory_space<vmem>> -> memref<80xi32, #tpu.memory_space<vmem>>
    %dma_start3A_326 = arith.constant 0 : i32
    %dma_start3A_327 = tpu.memref_slice %arg18[%dma_start3A_326] : memref<10000xf32, #tpu.memory_space<vmem_shared>> -> memref<10000xf32, #tpu.memory_space<vmem_shared>>
    tpu.enqueue_indirect_dma source(%arg16 : memref<80xf32, #tpu.memory_space<vmem>>) target(%dma_start3A_327 : memref<10000xf32, #tpu.memory_space<vmem_shared>>) offsets(%dma_start3A_325 : memref<80xi32, #tpu.memory_space<vmem>>) semaphore(%arg25 : memref<!tpu.dma_semaphore, #tpu.memory_space<semaphore_mem>>) {add = true}
    %scan3A_328 = arith.constant 0 : i32
    %scan3A_329 = arith.constant 0 : i32
    %scan3A_330 = arith.constant 8 : i32
    %scan3A_331 = arith.addi %scan3A_329, %scan3A_330 : i32
    %scan3A_332 = arith.constant 1 : i32
    scf.for %scan3A_535 = %scan3A_329 to %scan3A_331 step %scan3A_332  : i32 {
      %mul3A_536 = arith.constant 3 : i32
      %mul3A_537 = arith.muli %scan3A_535, %mul3A_536 : i32
      %add3A_538 = arith.constant 1 : i32
      %add3A_539 = arith.addi %mul3A_537, %add3A_538 : i32
      %add3A_540 = arith.constant 0 : i32
      %add3A_541 = arith.addi %add3A_539, %add3A_540 : i32
      %sub3A = arith.constant 1 : i32
      %sub3A_542 = arith.subi %add3A_541, %sub3A : i32
      %dma_wait3A_543 = arith.constant 0 : i32
      %dma_wait3A_544 = tpu.memref_slice %arg11[%sub3A_542, %dma_wait3A_543] : memref<25x80xi32, #tpu.memory_space<vmem>> -> memref<1x80xi32, #tpu.memory_space<vmem>>
      %dma_wait3A_545 = tpu.memref_squeeze %dma_wait3A_544 : memref<1x80xi32, #tpu.memory_space<vmem>> -> memref<80xi32, #tpu.memory_space<vmem>>
      %dma_wait3A_546 = arith.constant 0 : i32
      %dma_wait3A_547 = arith.constant 0 : i32
      %dma_wait3A_548 = tpu.memref_slice %arg17[%dma_wait3A_546, %dma_wait3A_547] : memref<10000x128xf32, #tpu.memory_space<vmem_shared>> -> memref<10000x128xf32, #tpu.memory_space<vmem_shared>>
      tpu.wait_indirect_dma semaphore(%arg22 : memref<!tpu.dma_semaphore, #tpu.memory_space<semaphore_mem>>) src(%arg13 : memref<80x128xf32, #tpu.memory_space<vmem>>) dst(%dma_wait3A_548 : memref<10000x128xf32, #tpu.memory_space<vmem_shared>>)
      %add3A_549 = arith.constant 2 : i32
      %add3A_550 = arith.addi %add3A_541, %add3A_549 : i32
      %lt3A_551 = arith.constant 25 : i32
      %lt3A_552 = arith.cmpi slt, %add3A_550, %lt3A_551 : i32
      %convert_element_type3A_553 = arith.extui %lt3A_552 : i1 to i32
      %cond3A_554 = arith.constant 0 : i32
      %cond3A_555 = arith.cmpi ne, %convert_element_type3A_553, %cond3A_554 : i32
      scf.if %cond3A_555 {
        %add3A_649 = arith.constant 2 : i32
        %add3A_650 = arith.addi %add3A_541, %add3A_649 : i32
        %dma_start3A_651 = arith.constant 0 : i32
        %dma_start3A_652 = tpu.memref_slice %arg9[%add3A_650, %dma_start3A_651] : memref<25x80xi32, #tpu.memory_space<vmem>> -> memref<1x80xi32, #tpu.memory_space<vmem>>
        %dma_start3A_653 = tpu.memref_squeeze %dma_start3A_652 : memref<1x80xi32, #tpu.memory_space<vmem>> -> memref<80xi32, #tpu.memory_space<vmem>>
        %dma_start3A_654 = arith.constant 0 : i32
        %dma_start3A_655 = arith.constant 0 : i32
        %dma_start3A_656 = tpu.memref_slice %arg2[%dma_start3A_654, %dma_start3A_655] : memref<40000x128xf32, #tpu.memory_space<hbm>> -> memref<40000x128xf32, #tpu.memory_space<hbm>>
        tpu.enqueue_indirect_dma source(%dma_start3A_656 : memref<40000x128xf32, #tpu.memory_space<hbm>>) target(%arg13 : memref<80x128xf32, #tpu.memory_space<vmem>>) offsets(%dma_start3A_653 : memref<80xi32, #tpu.memory_space<vmem>>) semaphore(%arg19 : memref<!tpu.dma_semaphore, #tpu.memory_space<semaphore_mem>>)
      } else {
      }
      %dma_wait3A_556 = arith.constant 0 : i32
      %dma_wait3A_557 = tpu.memref_slice %arg9[%add3A_541, %dma_wait3A_556] : memref<25x80xi32, #tpu.memory_space<vmem>> -> memref<1x80xi32, #tpu.memory_space<vmem>>
      %dma_wait3A_558 = tpu.memref_squeeze %dma_wait3A_557 : memref<1x80xi32, #tpu.memory_space<vmem>> -> memref<80xi32, #tpu.memory_space<vmem>>
      %dma_wait3A_559 = arith.constant 0 : i32
      %dma_wait3A_560 = arith.constant 0 : i32
      %dma_wait3A_561 = tpu.memref_slice %arg2[%dma_wait3A_559, %dma_wait3A_560] : memref<40000x128xf32, #tpu.memory_space<hbm>> -> memref<40000x128xf32, #tpu.memory_space<hbm>>
      tpu.wait_indirect_dma semaphore(%arg20 : memref<!tpu.dma_semaphore, #tpu.memory_space<semaphore_mem>>) src(%dma_wait3A_561 : memref<40000x128xf32, #tpu.memory_space<hbm>>) dst(%arg14 : memref<80x128xf32, #tpu.memory_space<vmem>>)
      %dma_start3A_562 = arith.constant 0 : i32
      %dma_start3A_563 = tpu.memref_slice %arg11[%add3A_541, %dma_start3A_562] : memref<25x80xi32, #tpu.memory_space<vmem>> -> memref<1x80xi32, #tpu.memory_space<vmem>>
      %dma_start3A_564 = tpu.memref_squeeze %dma_start3A_563 : memref<1x80xi32, #tpu.memory_space<vmem>> -> memref<80xi32, #tpu.memory_space<vmem>>
      %dma_start3A_565 = arith.constant 0 : i32
      %dma_start3A_566 = arith.constant 0 : i32
      %dma_start3A_567 = tpu.memref_slice %arg17[%dma_start3A_565, %dma_start3A_566] : memref<10000x128xf32, #tpu.memory_space<vmem_shared>> -> memref<10000x128xf32, #tpu.memory_space<vmem_shared>>
      tpu.enqueue_indirect_dma source(%arg14 : memref<80x128xf32, #tpu.memory_space<vmem>>) target(%dma_start3A_567 : memref<10000x128xf32, #tpu.memory_space<vmem_shared>>) offsets(%dma_start3A_564 : memref<80xi32, #tpu.memory_space<vmem>>) semaphore(%arg23 : memref<!tpu.dma_semaphore, #tpu.memory_space<semaphore_mem>>) {add = true}
      %dma_start3A_568 = arith.constant 0 : i32
      %dma_start3A_569 = tpu.memref_slice %arg11[%add3A_541, %dma_start3A_568] : memref<25x80xi32, #tpu.memory_space<vmem>> -> memref<1x80xi32, #tpu.memory_space<vmem>>
      %dma_start3A_570 = tpu.memref_squeeze %dma_start3A_569 : memref<1x80xi32, #tpu.memory_space<vmem>> -> memref<80xi32, #tpu.memory_space<vmem>>
      %dma_start3A_571 = arith.constant 0 : i32
      %dma_start3A_572 = tpu.memref_slice %arg18[%dma_start3A_571] : memref<10000xf32, #tpu.memory_space<vmem_shared>> -> memref<10000xf32, #tpu.memory_space<vmem_shared>>
      tpu.enqueue_indirect_dma source(%arg16 : memref<80xf32, #tpu.memory_space<vmem>>) target(%dma_start3A_572 : memref<10000xf32, #tpu.memory_space<vmem_shared>>) offsets(%dma_start3A_570 : memref<80xi32, #tpu.memory_space<vmem>>) semaphore(%arg25 : memref<!tpu.dma_semaphore, #tpu.memory_space<semaphore_mem>>) {add = true}
      %mul3A_573 = arith.constant 3 : i32
      %mul3A_574 = arith.muli %scan3A_535, %mul3A_573 : i32
      %add3A_575 = arith.constant 1 : i32
      %add3A_576 = arith.addi %mul3A_574, %add3A_575 : i32
      %add3A_577 = arith.constant 1 : i32
      %add3A_578 = arith.addi %add3A_576, %add3A_577 : i32
      %sub3A_579 = arith.constant 1 : i32
      %sub3A_580 = arith.subi %add3A_578, %sub3A_579 : i32
      %dma_wait3A_581 = arith.constant 0 : i32
      %dma_wait3A_582 = tpu.memref_slice %arg11[%sub3A_580, %dma_wait3A_581] : memref<25x80xi32, #tpu.memory_space<vmem>> -> memref<1x80xi32, #tpu.memory_space<vmem>>
      %dma_wait3A_583 = tpu.memref_squeeze %dma_wait3A_582 : memref<1x80xi32, #tpu.memory_space<vmem>> -> memref<80xi32, #tpu.memory_space<vmem>>
      %dma_wait3A_584 = arith.constant 0 : i32
      %dma_wait3A_585 = arith.constant 0 : i32
      %dma_wait3A_586 = tpu.memref_slice %arg17[%dma_wait3A_584, %dma_wait3A_585] : memref<10000x128xf32, #tpu.memory_space<vmem_shared>> -> memref<10000x128xf32, #tpu.memory_space<vmem_shared>>
      tpu.wait_indirect_dma semaphore(%arg23 : memref<!tpu.dma_semaphore, #tpu.memory_space<semaphore_mem>>) src(%arg14 : memref<80x128xf32, #tpu.memory_space<vmem>>) dst(%dma_wait3A_586 : memref<10000x128xf32, #tpu.memory_space<vmem_shared>>)
      %add3A_587 = arith.constant 2 : i32
      %add3A_588 = arith.addi %add3A_578, %add3A_587 : i32
      %lt3A_589 = arith.constant 25 : i32
      %lt3A_590 = arith.cmpi slt, %add3A_588, %lt3A_589 : i32
      %convert_element_type3A_591 = arith.extui %lt3A_590 : i1 to i32
      %cond3A_592 = arith.constant 0 : i32
      %cond3A_593 = arith.cmpi ne, %convert_element_type3A_591, %cond3A_592 : i32
      scf.if %cond3A_593 {
        %add3A_649 = arith.constant 2 : i32
        %add3A_650 = arith.addi %add3A_578, %add3A_649 : i32
        %dma_start3A_651 = arith.constant 0 : i32
        %dma_start3A_652 = tpu.memref_slice %arg9[%add3A_650, %dma_start3A_651] : memref<25x80xi32, #tpu.memory_space<vmem>> -> memref<1x80xi32, #tpu.memory_space<vmem>>
        %dma_start3A_653 = tpu.memref_squeeze %dma_start3A_652 : memref<1x80xi32, #tpu.memory_space<vmem>> -> memref<80xi32, #tpu.memory_space<vmem>>
        %dma_start3A_654 = arith.constant 0 : i32
        %dma_start3A_655 = arith.constant 0 : i32
        %dma_start3A_656 = tpu.memref_slice %arg2[%dma_start3A_654, %dma_start3A_655] : memref<40000x128xf32, #tpu.memory_space<hbm>> -> memref<40000x128xf32, #tpu.memory_space<hbm>>
        tpu.enqueue_indirect_dma source(%dma_start3A_656 : memref<40000x128xf32, #tpu.memory_space<hbm>>) target(%arg14 : memref<80x128xf32, #tpu.memory_space<vmem>>) offsets(%dma_start3A_653 : memref<80xi32, #tpu.memory_space<vmem>>) semaphore(%arg20 : memref<!tpu.dma_semaphore, #tpu.memory_space<semaphore_mem>>)
      } else {
      }
      %dma_wait3A_594 = arith.constant 0 : i32
      %dma_wait3A_595 = tpu.memref_slice %arg9[%add3A_578, %dma_wait3A_594] : memref<25x80xi32, #tpu.memory_space<vmem>> -> memref<1x80xi32, #tpu.memory_space<vmem>>
      %dma_wait3A_596 = tpu.memref_squeeze %dma_wait3A_595 : memref<1x80xi32, #tpu.memory_space<vmem>> -> memref<80xi32, #tpu.memory_space<vmem>>
      %dma_wait3A_597 = arith.constant 0 : i32
      %dma_wait3A_598 = arith.constant 0 : i32
      %dma_wait3A_599 = tpu.memref_slice %arg2[%dma_wait3A_597, %dma_wait3A_598] : memref<40000x128xf32, #tpu.memory_space<hbm>> -> memref<40000x128xf32, #tpu.memory_space<hbm>>
      tpu.wait_indirect_dma semaphore(%arg21 : memref<!tpu.dma_semaphore, #tpu.memory_space<semaphore_mem>>) src(%dma_wait3A_599 : memref<40000x128xf32, #tpu.memory_space<hbm>>) dst(%arg15 : memref<80x128xf32, #tpu.memory_space<vmem>>)
      %dma_start3A_600 = arith.constant 0 : i32
      %dma_start3A_601 = tpu.memref_slice %arg11[%add3A_578, %dma_start3A_600] : memref<25x80xi32, #tpu.memory_space<vmem>> -> memref<1x80xi32, #tpu.memory_space<vmem>>
      %dma_start3A_602 = tpu.memref_squeeze %dma_start3A_601 : memref<1x80xi32, #tpu.memory_space<vmem>> -> memref<80xi32, #tpu.memory_space<vmem>>
      %dma_start3A_603 = arith.constant 0 : i32
      %dma_start3A_604 = arith.constant 0 : i32
      %dma_start3A_605 = tpu.memref_slice %arg17[%dma_start3A_603, %dma_start3A_604] : memref<10000x128xf32, #tpu.memory_space<vmem_shared>> -> memref<10000x128xf32, #tpu.memory_space<vmem_shared>>
      tpu.enqueue_indirect_dma source(%arg15 : memref<80x128xf32, #tpu.memory_space<vmem>>) target(%dma_start3A_605 : memref<10000x128xf32, #tpu.memory_space<vmem_shared>>) offsets(%dma_start3A_602 : memref<80xi32, #tpu.memory_space<vmem>>) semaphore(%arg24 : memref<!tpu.dma_semaphore, #tpu.memory_space<semaphore_mem>>) {add = true}
      %dma_start3A_606 = arith.constant 0 : i32
      %dma_start3A_607 = tpu.memref_slice %arg11[%add3A_578, %dma_start3A_606] : memref<25x80xi32, #tpu.memory_space<vmem>> -> memref<1x80xi32, #tpu.memory_space<vmem>>
      %dma_start3A_608 = tpu.memref_squeeze %dma_start3A_607 : memref<1x80xi32, #tpu.memory_space<vmem>> -> memref<80xi32, #tpu.memory_space<vmem>>
      %dma_start3A_609 = arith.constant 0 : i32
      %dma_start3A_610 = tpu.memref_slice %arg18[%dma_start3A_609] : memref<10000xf32, #tpu.memory_space<vmem_shared>> -> memref<10000xf32, #tpu.memory_space<vmem_shared>>
      tpu.enqueue_indirect_dma source(%arg16 : memref<80xf32, #tpu.memory_space<vmem>>) target(%dma_start3A_610 : memref<10000xf32, #tpu.memory_space<vmem_shared>>) offsets(%dma_start3A_608 : memref<80xi32, #tpu.memory_space<vmem>>) semaphore(%arg25 : memref<!tpu.dma_semaphore, #tpu.memory_space<semaphore_mem>>) {add = true}
      %mul3A_611 = arith.constant 3 : i32
      %mul3A_612 = arith.muli %scan3A_535, %mul3A_611 : i32
      %add3A_613 = arith.constant 1 : i32
      %add3A_614 = arith.addi %mul3A_612, %add3A_613 : i32
      %add3A_615 = arith.constant 2 : i32
      %add3A_616 = arith.addi %add3A_614, %add3A_615 : i32
      %sub3A_617 = arith.constant 1 : i32
      %sub3A_618 = arith.subi %add3A_616, %sub3A_617 : i32
      %dma_wait3A_619 = arith.constant 0 : i32
      %dma_wait3A_620 = tpu.memref_slice %arg11[%sub3A_618, %dma_wait3A_619] : memref<25x80xi32, #tpu.memory_space<vmem>> -> memref<1x80xi32, #tpu.memory_space<vmem>>
      %dma_wait3A_621 = tpu.memref_squeeze %dma_wait3A_620 : memref<1x80xi32, #tpu.memory_space<vmem>> -> memref<80xi32, #tpu.memory_space<vmem>>
      %dma_wait3A_622 = arith.constant 0 : i32
      %dma_wait3A_623 = arith.constant 0 : i32
      %dma_wait3A_624 = tpu.memref_slice %arg17[%dma_wait3A_622, %dma_wait3A_623] : memref<10000x128xf32, #tpu.memory_space<vmem_shared>> -> memref<10000x128xf32, #tpu.memory_space<vmem_shared>>
      tpu.wait_indirect_dma semaphore(%arg24 : memref<!tpu.dma_semaphore, #tpu.memory_space<semaphore_mem>>) src(%arg15 : memref<80x128xf32, #tpu.memory_space<vmem>>) dst(%dma_wait3A_624 : memref<10000x128xf32, #tpu.memory_space<vmem_shared>>)
      %add3A_625 = arith.constant 2 : i32
      %add3A_626 = arith.addi %add3A_616, %add3A_625 : i32
      %lt3A_627 = arith.constant 25 : i32
      %lt3A_628 = arith.cmpi slt, %add3A_626, %lt3A_627 : i32
      %convert_element_type3A_629 = arith.extui %lt3A_628 : i1 to i32
      %cond3A_630 = arith.constant 0 : i32
      %cond3A_631 = arith.cmpi ne, %convert_element_type3A_629, %cond3A_630 : i32
      scf.if %cond3A_631 {
        %add3A_649 = arith.constant 2 : i32
        %add3A_650 = arith.addi %add3A_616, %add3A_649 : i32
        %dma_start3A_651 = arith.constant 0 : i32
        %dma_start3A_652 = tpu.memref_slice %arg9[%add3A_650, %dma_start3A_651] : memref<25x80xi32, #tpu.memory_space<vmem>> -> memref<1x80xi32, #tpu.memory_space<vmem>>
        %dma_start3A_653 = tpu.memref_squeeze %dma_start3A_652 : memref<1x80xi32, #tpu.memory_space<vmem>> -> memref<80xi32, #tpu.memory_space<vmem>>
        %dma_start3A_654 = arith.constant 0 : i32
        %dma_start3A_655 = arith.constant 0 : i32
        %dma_start3A_656 = tpu.memref_slice %arg2[%dma_start3A_654, %dma_start3A_655] : memref<40000x128xf32, #tpu.memory_space<hbm>> -> memref<40000x128xf32, #tpu.memory_space<hbm>>
        tpu.enqueue_indirect_dma source(%dma_start3A_656 : memref<40000x128xf32, #tpu.memory_space<hbm>>) target(%arg15 : memref<80x128xf32, #tpu.memory_space<vmem>>) offsets(%dma_start3A_653 : memref<80xi32, #tpu.memory_space<vmem>>) semaphore(%arg21 : memref<!tpu.dma_semaphore, #tpu.memory_space<semaphore_mem>>)
      } else {
      }
      %dma_wait3A_632 = arith.constant 0 : i32
      %dma_wait3A_633 = tpu.memref_slice %arg9[%add3A_616, %dma_wait3A_632] : memref<25x80xi32, #tpu.memory_space<vmem>> -> memref<1x80xi32, #tpu.memory_space<vmem>>
      %dma_wait3A_634 = tpu.memref_squeeze %dma_wait3A_633 : memref<1x80xi32, #tpu.memory_space<vmem>> -> memref<80xi32, #tpu.memory_space<vmem>>
      %dma_wait3A_635 = arith.constant 0 : i32
      %dma_wait3A_636 = arith.constant 0 : i32
      %dma_wait3A_637 = tpu.memref_slice %arg2[%dma_wait3A_635, %dma_wait3A_636] : memref<40000x128xf32, #tpu.memory_space<hbm>> -> memref<40000x128xf32, #tpu.memory_space<hbm>>
      tpu.wait_indirect_dma semaphore(%arg19 : memref<!tpu.dma_semaphore, #tpu.memory_space<semaphore_mem>>) src(%dma_wait3A_637 : memref<40000x128xf32, #tpu.memory_space<hbm>>) dst(%arg13 : memref<80x128xf32, #tpu.memory_space<vmem>>)
      %dma_start3A_638 = arith.constant 0 : i32
      %dma_start3A_639 = tpu.memref_slice %arg11[%add3A_616, %dma_start3A_638] : memref<25x80xi32, #tpu.memory_space<vmem>> -> memref<1x80xi32, #tpu.memory_space<vmem>>
      %dma_start3A_640 = tpu.memref_squeeze %dma_start3A_639 : memref<1x80xi32, #tpu.memory_space<vmem>> -> memref<80xi32, #tpu.memory_space<vmem>>
      %dma_start3A_641 = arith.constant 0 : i32
      %dma_start3A_642 = arith.constant 0 : i32
      %dma_start3A_643 = tpu.memref_slice %arg17[%dma_start3A_641, %dma_start3A_642] : memref<10000x128xf32, #tpu.memory_space<vmem_shared>> -> memref<10000x128xf32, #tpu.memory_space<vmem_shared>>
      tpu.enqueue_indirect_dma source(%arg13 : memref<80x128xf32, #tpu.memory_space<vmem>>) target(%dma_start3A_643 : memref<10000x128xf32, #tpu.memory_space<vmem_shared>>) offsets(%dma_start3A_640 : memref<80xi32, #tpu.memory_space<vmem>>) semaphore(%arg22 : memref<!tpu.dma_semaphore, #tpu.memory_space<semaphore_mem>>) {add = true}
      %dma_start3A_644 = arith.constant 0 : i32
      %dma_start3A_645 = tpu.memref_slice %arg11[%add3A_616, %dma_start3A_644] : memref<25x80xi32, #tpu.memory_space<vmem>> -> memref<1x80xi32, #tpu.memory_space<vmem>>
      %dma_start3A_646 = tpu.memref_squeeze %dma_start3A_645 : memref<1x80xi32, #tpu.memory_space<vmem>> -> memref<80xi32, #tpu.memory_space<vmem>>
      %dma_start3A_647 = arith.constant 0 : i32
      %dma_start3A_648 = tpu.memref_slice %arg18[%dma_start3A_647] : memref<10000xf32, #tpu.memory_space<vmem_shared>> -> memref<10000xf32, #tpu.memory_space<vmem_shared>>
      tpu.enqueue_indirect_dma source(%arg16 : memref<80xf32, #tpu.memory_space<vmem>>) target(%dma_start3A_648 : memref<10000xf32, #tpu.memory_space<vmem_shared>>) offsets(%dma_start3A_646 : memref<80xi32, #tpu.memory_space<vmem>>) semaphore(%arg25 : memref<!tpu.dma_semaphore, #tpu.memory_space<semaphore_mem>>) {add = true}
    }
    %scan3A_333 = arith.constant 8 : i32
    %dma_wait3A_334 = arith.constant 24 : i32
    %dma_wait3A_335 = arith.constant 0 : i32
    %dma_wait3A_336 = tpu.memref_slice %arg11[%dma_wait3A_334, %dma_wait3A_335] : memref<25x80xi32, #tpu.memory_space<vmem>> -> memref<1x80xi32, #tpu.memory_space<vmem>>
    %dma_wait3A_337 = tpu.memref_squeeze %dma_wait3A_336 : memref<1x80xi32, #tpu.memory_space<vmem>> -> memref<80xi32, #tpu.memory_space<vmem>>
    %dma_wait3A_338 = arith.constant 0 : i32
    %dma_wait3A_339 = arith.constant 0 : i32
    %dma_wait3A_340 = tpu.memref_slice %arg17[%dma_wait3A_338, %dma_wait3A_339] : memref<10000x128xf32, #tpu.memory_space<vmem_shared>> -> memref<10000x128xf32, #tpu.memory_space<vmem_shared>>
    tpu.wait_indirect_dma semaphore(%arg22 : memref<!tpu.dma_semaphore, #tpu.memory_space<semaphore_mem>>) src(%arg13 : memref<80x128xf32, #tpu.memory_space<vmem>>) dst(%dma_wait3A_340 : memref<10000x128xf32, #tpu.memory_space<vmem_shared>>)
    %scan3A_341 = arith.constant 0 : i32
    %scan3A_342 = arith.constant 0 : i32
    %scan3A_343 = arith.constant 25 : i32
    %scan3A_344 = arith.addi %scan3A_342, %scan3A_343 : i32
    %scan3A_345 = arith.constant 1 : i32
    scf.for %scan3A_535 = %scan3A_342 to %scan3A_344 step %scan3A_345  : i32 {
      %dma_wait3A_536 = arith.constant 0 : i32
      %dma_wait3A_537 = tpu.memref_slice %arg11[%scan3A_535, %dma_wait3A_536] : memref<25x80xi32, #tpu.memory_space<vmem>> -> memref<1x80xi32, #tpu.memory_space<vmem>>
      %dma_wait3A_538 = tpu.memref_squeeze %dma_wait3A_537 : memref<1x80xi32, #tpu.memory_space<vmem>> -> memref<80xi32, #tpu.memory_space<vmem>>
      %dma_wait3A_539 = arith.constant 0 : i32
      %dma_wait3A_540 = tpu.memref_slice %arg18[%dma_wait3A_539] : memref<10000xf32, #tpu.memory_space<vmem_shared>> -> memref<10000xf32, #tpu.memory_space<vmem_shared>>
      tpu.wait_indirect_dma semaphore(%arg25 : memref<!tpu.dma_semaphore, #tpu.memory_space<semaphore_mem>>) src(%arg16 : memref<80xf32, #tpu.memory_space<vmem>>) dst(%dma_wait3A_540 : memref<10000xf32, #tpu.memory_space<vmem_shared>>)
    }
    %scan3A_346 = arith.constant 25 : i32
    %dma_wait3A_347 = arith.constant 3 : i32
    %dma_wait3A_348 = arith.constant 0 : i32
    %dma_wait3A_349 = arith.constant 0 : i32
    %dma_wait3A_350 = tpu.memref_slice %arg3[%add3A, %dma_wait3A_347, %dma_wait3A_348, %dma_wait3A_349] : memref<32x5x25x80xi32, #tpu.memory_space<hbm>> -> memref<1x1x25x80xi32, #tpu.memory_space<hbm>>
    %dma_wait3A_351 = tpu.memref_squeeze %dma_wait3A_350 : memref<1x1x25x80xi32, #tpu.memory_space<hbm>> -> memref<25x80xi32, #tpu.memory_space<hbm>>
    %dma_wait3A_352 = arith.constant 0 : i32
    %dma_wait3A_353 = arith.constant 0 : i32
    %dma_wait3A_354 = tpu.memref_slice %arg3[%add3A, %dma_wait3A_347, %dma_wait3A_352, %dma_wait3A_353] : memref<32x5x25x80xi32, #tpu.memory_space<hbm>> -> memref<1x1x25x80xi32, #tpu.memory_space<hbm>>
    %dma_wait3A_355 = tpu.memref_squeeze %dma_wait3A_354 : memref<1x1x25x80xi32, #tpu.memory_space<hbm>> -> memref<25x80xi32, #tpu.memory_space<hbm>>
    tpu.wait_dma2 semaphore(%arg26 : memref<!tpu.dma_semaphore, #tpu.memory_space<semaphore_mem>>) src(%dma_wait3A_355 : memref<25x80xi32, #tpu.memory_space<hbm>>) dst(%arg10 : memref<25x80xi32, #tpu.memory_space<vmem>>)
    %dma_wait3A_356 = arith.constant 1 : i32
    %dma_wait3A_357 = arith.constant 3 : i32
    %dma_wait3A_358 = arith.constant 0 : i32
    %dma_wait3A_359 = arith.constant 0 : i32
    %dma_wait3A_360 = tpu.memref_slice %arg4[%dma_wait3A_356, %add3A, %dma_wait3A_357, %dma_wait3A_358, %dma_wait3A_359] : memref<2x32x5x25x80xi32, #tpu.memory_space<hbm>> -> memref<1x1x1x25x80xi32, #tpu.memory_space<hbm>>
    %dma_wait3A_361 = tpu.memref_squeeze %dma_wait3A_360 : memref<1x1x1x25x80xi32, #tpu.memory_space<hbm>> -> memref<25x80xi32, #tpu.memory_space<hbm>>
    %dma_wait3A_362 = arith.constant 0 : i32
    %dma_wait3A_363 = arith.constant 0 : i32
    %dma_wait3A_364 = tpu.memref_slice %arg4[%dma_wait3A_356, %add3A, %dma_wait3A_357, %dma_wait3A_362, %dma_wait3A_363] : memref<2x32x5x25x80xi32, #tpu.memory_space<hbm>> -> memref<1x1x1x25x80xi32, #tpu.memory_space<hbm>>
    %dma_wait3A_365 = tpu.memref_squeeze %dma_wait3A_364 : memref<1x1x1x25x80xi32, #tpu.memory_space<hbm>> -> memref<25x80xi32, #tpu.memory_space<hbm>>
    tpu.wait_dma2 semaphore(%arg26 : memref<!tpu.dma_semaphore, #tpu.memory_space<semaphore_mem>>) src(%dma_wait3A_365 : memref<25x80xi32, #tpu.memory_space<hbm>>) dst(%arg12 : memref<25x80xi32, #tpu.memory_space<vmem>>)
    %dma_start3A_366 = arith.constant 4 : i32
    %dma_start3A_367 = arith.constant 0 : i32
    %dma_start3A_368 = arith.constant 0 : i32
    %dma_start3A_369 = tpu.memref_slice %arg3[%add3A, %dma_start3A_366, %dma_start3A_367, %dma_start3A_368] : memref<32x5x25x80xi32, #tpu.memory_space<hbm>> -> memref<1x1x25x80xi32, #tpu.memory_space<hbm>>
    %dma_start3A_370 = tpu.memref_squeeze %dma_start3A_369 : memref<1x1x25x80xi32, #tpu.memory_space<hbm>> -> memref<25x80xi32, #tpu.memory_space<hbm>>
    %dma_start3A_371 = arith.constant 0 : i32
    %dma_start3A_372 = arith.constant 0 : i32
    %dma_start3A_373 = tpu.memref_slice %arg3[%add3A, %dma_start3A_366, %dma_start3A_371, %dma_start3A_372] : memref<32x5x25x80xi32, #tpu.memory_space<hbm>> -> memref<1x1x25x80xi32, #tpu.memory_space<hbm>>
    %dma_start3A_374 = tpu.memref_squeeze %dma_start3A_373 : memref<1x1x25x80xi32, #tpu.memory_space<hbm>> -> memref<25x80xi32, #tpu.memory_space<hbm>>
    tpu.enqueue_dma source(%dma_start3A_374 : memref<25x80xi32, #tpu.memory_space<hbm>>) target(%arg9 : memref<25x80xi32, #tpu.memory_space<vmem>>) target_semaphore(%arg26 : memref<!tpu.dma_semaphore, #tpu.memory_space<semaphore_mem>>)
    %dma_start3A_375 = arith.constant 1 : i32
    %dma_start3A_376 = arith.constant 4 : i32
    %dma_start3A_377 = arith.constant 0 : i32
    %dma_start3A_378 = arith.constant 0 : i32
    %dma_start3A_379 = tpu.memref_slice %arg4[%dma_start3A_375, %add3A, %dma_start3A_376, %dma_start3A_377, %dma_start3A_378] : memref<2x32x5x25x80xi32, #tpu.memory_space<hbm>> -> memref<1x1x1x25x80xi32, #tpu.memory_space<hbm>>
    %dma_start3A_380 = tpu.memref_squeeze %dma_start3A_379 : memref<1x1x1x25x80xi32, #tpu.memory_space<hbm>> -> memref<25x80xi32, #tpu.memory_space<hbm>>
    %dma_start3A_381 = arith.constant 0 : i32
    %dma_start3A_382 = arith.constant 0 : i32
    %dma_start3A_383 = tpu.memref_slice %arg4[%dma_start3A_375, %add3A, %dma_start3A_376, %dma_start3A_381, %dma_start3A_382] : memref<2x32x5x25x80xi32, #tpu.memory_space<hbm>> -> memref<1x1x1x25x80xi32, #tpu.memory_space<hbm>>
    %dma_start3A_384 = tpu.memref_squeeze %dma_start3A_383 : memref<1x1x1x25x80xi32, #tpu.memory_space<hbm>> -> memref<25x80xi32, #tpu.memory_space<hbm>>
    tpu.enqueue_dma source(%dma_start3A_384 : memref<25x80xi32, #tpu.memory_space<hbm>>) target(%arg11 : memref<25x80xi32, #tpu.memory_space<vmem>>) target_semaphore(%arg26 : memref<!tpu.dma_semaphore, #tpu.memory_space<semaphore_mem>>)
    %dma_start3A_385 = arith.constant 0 : i32
    %dma_start3A_386 = arith.constant 0 : i32
    %dma_start3A_387 = tpu.memref_slice %arg10[%dma_start3A_385, %dma_start3A_386] : memref<25x80xi32, #tpu.memory_space<vmem>> -> memref<1x80xi32, #tpu.memory_space<vmem>>
    %dma_start3A_388 = tpu.memref_squeeze %dma_start3A_387 : memref<1x80xi32, #tpu.memory_space<vmem>> -> memref<80xi32, #tpu.memory_space<vmem>>
    %dma_start3A_389 = arith.constant 0 : i32
    %dma_start3A_390 = arith.constant 0 : i32
    %dma_start3A_391 = tpu.memref_slice %arg2[%dma_start3A_389, %dma_start3A_390] : memref<40000x128xf32, #tpu.memory_space<hbm>> -> memref<40000x128xf32, #tpu.memory_space<hbm>>
    tpu.enqueue_indirect_dma source(%dma_start3A_391 : memref<40000x128xf32, #tpu.memory_space<hbm>>) target(%arg13 : memref<80x128xf32, #tpu.memory_space<vmem>>) offsets(%dma_start3A_388 : memref<80xi32, #tpu.memory_space<vmem>>) semaphore(%arg19 : memref<!tpu.dma_semaphore, #tpu.memory_space<semaphore_mem>>)
    %dma_start3A_392 = arith.constant 1 : i32
    %dma_start3A_393 = arith.constant 0 : i32
    %dma_start3A_394 = tpu.memref_slice %arg10[%dma_start3A_392, %dma_start3A_393] : memref<25x80xi32, #tpu.memory_space<vmem>> -> memref<1x80xi32, #tpu.memory_space<vmem>>
    %dma_start3A_395 = tpu.memref_squeeze %dma_start3A_394 : memref<1x80xi32, #tpu.memory_space<vmem>> -> memref<80xi32, #tpu.memory_space<vmem>>
    %dma_start3A_396 = arith.constant 0 : i32
    %dma_start3A_397 = arith.constant 0 : i32
    %dma_start3A_398 = tpu.memref_slice %arg2[%dma_start3A_396, %dma_start3A_397] : memref<40000x128xf32, #tpu.memory_space<hbm>> -> memref<40000x128xf32, #tpu.memory_space<hbm>>
    tpu.enqueue_indirect_dma source(%dma_start3A_398 : memref<40000x128xf32, #tpu.memory_space<hbm>>) target(%arg14 : memref<80x128xf32, #tpu.memory_space<vmem>>) offsets(%dma_start3A_395 : memref<80xi32, #tpu.memory_space<vmem>>) semaphore(%arg20 : memref<!tpu.dma_semaphore, #tpu.memory_space<semaphore_mem>>)
    %dma_start3A_399 = arith.constant 2 : i32
    %dma_start3A_400 = arith.constant 0 : i32
    %dma_start3A_401 = tpu.memref_slice %arg10[%dma_start3A_399, %dma_start3A_400] : memref<25x80xi32, #tpu.memory_space<vmem>> -> memref<1x80xi32, #tpu.memory_space<vmem>>
    %dma_start3A_402 = tpu.memref_squeeze %dma_start3A_401 : memref<1x80xi32, #tpu.memory_space<vmem>> -> memref<80xi32, #tpu.memory_space<vmem>>
    %dma_start3A_403 = arith.constant 0 : i32
    %dma_start3A_404 = arith.constant 0 : i32
    %dma_start3A_405 = tpu.memref_slice %arg2[%dma_start3A_403, %dma_start3A_404] : memref<40000x128xf32, #tpu.memory_space<hbm>> -> memref<40000x128xf32, #tpu.memory_space<hbm>>
    tpu.enqueue_indirect_dma source(%dma_start3A_405 : memref<40000x128xf32, #tpu.memory_space<hbm>>) target(%arg15 : memref<80x128xf32, #tpu.memory_space<vmem>>) offsets(%dma_start3A_402 : memref<80xi32, #tpu.memory_space<vmem>>) semaphore(%arg21 : memref<!tpu.dma_semaphore, #tpu.memory_space<semaphore_mem>>)
    %dma_wait3A_406 = arith.constant 0 : i32
    %dma_wait3A_407 = arith.constant 0 : i32
    %dma_wait3A_408 = tpu.memref_slice %arg10[%dma_wait3A_406, %dma_wait3A_407] : memref<25x80xi32, #tpu.memory_space<vmem>> -> memref<1x80xi32, #tpu.memory_space<vmem>>
    %dma_wait3A_409 = tpu.memref_squeeze %dma_wait3A_408 : memref<1x80xi32, #tpu.memory_space<vmem>> -> memref<80xi32, #tpu.memory_space<vmem>>
    %dma_wait3A_410 = arith.constant 0 : i32
    %dma_wait3A_411 = arith.constant 0 : i32
    %dma_wait3A_412 = tpu.memref_slice %arg2[%dma_wait3A_410, %dma_wait3A_411] : memref<40000x128xf32, #tpu.memory_space<hbm>> -> memref<40000x128xf32, #tpu.memory_space<hbm>>
    tpu.wait_indirect_dma semaphore(%arg19 : memref<!tpu.dma_semaphore, #tpu.memory_space<semaphore_mem>>) src(%dma_wait3A_412 : memref<40000x128xf32, #tpu.memory_space<hbm>>) dst(%arg13 : memref<80x128xf32, #tpu.memory_space<vmem>>)
    %dma_start3A_413 = arith.constant 0 : i32
    %dma_start3A_414 = arith.constant 0 : i32
    %dma_start3A_415 = tpu.memref_slice %arg12[%dma_start3A_413, %dma_start3A_414] : memref<25x80xi32, #tpu.memory_space<vmem>> -> memref<1x80xi32, #tpu.memory_space<vmem>>
    %dma_start3A_416 = tpu.memref_squeeze %dma_start3A_415 : memref<1x80xi32, #tpu.memory_space<vmem>> -> memref<80xi32, #tpu.memory_space<vmem>>
    %dma_start3A_417 = arith.constant 0 : i32
    %dma_start3A_418 = arith.constant 0 : i32
    %dma_start3A_419 = tpu.memref_slice %arg17[%dma_start3A_417, %dma_start3A_418] : memref<10000x128xf32, #tpu.memory_space<vmem_shared>> -> memref<10000x128xf32, #tpu.memory_space<vmem_shared>>
    tpu.enqueue_indirect_dma source(%arg13 : memref<80x128xf32, #tpu.memory_space<vmem>>) target(%dma_start3A_419 : memref<10000x128xf32, #tpu.memory_space<vmem_shared>>) offsets(%dma_start3A_416 : memref<80xi32, #tpu.memory_space<vmem>>) semaphore(%arg22 : memref<!tpu.dma_semaphore, #tpu.memory_space<semaphore_mem>>) {add = true}
    %dma_start3A_420 = arith.constant 0 : i32
    %dma_start3A_421 = arith.constant 0 : i32
    %dma_start3A_422 = tpu.memref_slice %arg12[%dma_start3A_420, %dma_start3A_421] : memref<25x80xi32, #tpu.memory_space<vmem>> -> memref<1x80xi32, #tpu.memory_space<vmem>>
    %dma_start3A_423 = tpu.memref_squeeze %dma_start3A_422 : memref<1x80xi32, #tpu.memory_space<vmem>> -> memref<80xi32, #tpu.memory_space<vmem>>
    %dma_start3A_424 = arith.constant 0 : i32
    %dma_start3A_425 = tpu.memref_slice %arg18[%dma_start3A_424] : memref<10000xf32, #tpu.memory_space<vmem_shared>> -> memref<10000xf32, #tpu.memory_space<vmem_shared>>
    tpu.enqueue_indirect_dma source(%arg16 : memref<80xf32, #tpu.memory_space<vmem>>) target(%dma_start3A_425 : memref<10000xf32, #tpu.memory_space<vmem_shared>>) offsets(%dma_start3A_423 : memref<80xi32, #tpu.memory_space<vmem>>) semaphore(%arg25 : memref<!tpu.dma_semaphore, #tpu.memory_space<semaphore_mem>>) {add = true}
    %scan3A_426 = arith.constant 0 : i32
    %scan3A_427 = arith.constant 0 : i32
    %scan3A_428 = arith.constant 8 : i32
    %scan3A_429 = arith.addi %scan3A_427, %scan3A_428 : i32
    %scan3A_430 = arith.constant 1 : i32
    scf.for %scan3A_535 = %scan3A_427 to %scan3A_429 step %scan3A_430  : i32 {
      %mul3A_536 = arith.constant 3 : i32
      %mul3A_537 = arith.muli %scan3A_535, %mul3A_536 : i32
      %add3A_538 = arith.constant 1 : i32
      %add3A_539 = arith.addi %mul3A_537, %add3A_538 : i32
      %add3A_540 = arith.constant 0 : i32
      %add3A_541 = arith.addi %add3A_539, %add3A_540 : i32
      %sub3A = arith.constant 1 : i32
      %sub3A_542 = arith.subi %add3A_541, %sub3A : i32
      %dma_wait3A_543 = arith.constant 0 : i32
      %dma_wait3A_544 = tpu.memref_slice %arg12[%sub3A_542, %dma_wait3A_543] : memref<25x80xi32, #tpu.memory_space<vmem>> -> memref<1x80xi32, #tpu.memory_space<vmem>>
      %dma_wait3A_545 = tpu.memref_squeeze %dma_wait3A_544 : memref<1x80xi32, #tpu.memory_space<vmem>> -> memref<80xi32, #tpu.memory_space<vmem>>
      %dma_wait3A_546 = arith.constant 0 : i32
      %dma_wait3A_547 = arith.constant 0 : i32
      %dma_wait3A_548 = tpu.memref_slice %arg17[%dma_wait3A_546, %dma_wait3A_547] : memref<10000x128xf32, #tpu.memory_space<vmem_shared>> -> memref<10000x128xf32, #tpu.memory_space<vmem_shared>>
      tpu.wait_indirect_dma semaphore(%arg22 : memref<!tpu.dma_semaphore, #tpu.memory_space<semaphore_mem>>) src(%arg13 : memref<80x128xf32, #tpu.memory_space<vmem>>) dst(%dma_wait3A_548 : memref<10000x128xf32, #tpu.memory_space<vmem_shared>>)
      %add3A_549 = arith.constant 2 : i32
      %add3A_550 = arith.addi %add3A_541, %add3A_549 : i32
      %lt3A_551 = arith.constant 25 : i32
      %lt3A_552 = arith.cmpi slt, %add3A_550, %lt3A_551 : i32
      %convert_element_type3A_553 = arith.extui %lt3A_552 : i1 to i32
      %cond3A_554 = arith.constant 0 : i32
      %cond3A_555 = arith.cmpi ne, %convert_element_type3A_553, %cond3A_554 : i32
      scf.if %cond3A_555 {
        %add3A_649 = arith.constant 2 : i32
        %add3A_650 = arith.addi %add3A_541, %add3A_649 : i32
        %dma_start3A_651 = arith.constant 0 : i32
        %dma_start3A_652 = tpu.memref_slice %arg10[%add3A_650, %dma_start3A_651] : memref<25x80xi32, #tpu.memory_space<vmem>> -> memref<1x80xi32, #tpu.memory_space<vmem>>
        %dma_start3A_653 = tpu.memref_squeeze %dma_start3A_652 : memref<1x80xi32, #tpu.memory_space<vmem>> -> memref<80xi32, #tpu.memory_space<vmem>>
        %dma_start3A_654 = arith.constant 0 : i32
        %dma_start3A_655 = arith.constant 0 : i32
        %dma_start3A_656 = tpu.memref_slice %arg2[%dma_start3A_654, %dma_start3A_655] : memref<40000x128xf32, #tpu.memory_space<hbm>> -> memref<40000x128xf32, #tpu.memory_space<hbm>>
        tpu.enqueue_indirect_dma source(%dma_start3A_656 : memref<40000x128xf32, #tpu.memory_space<hbm>>) target(%arg13 : memref<80x128xf32, #tpu.memory_space<vmem>>) offsets(%dma_start3A_653 : memref<80xi32, #tpu.memory_space<vmem>>) semaphore(%arg19 : memref<!tpu.dma_semaphore, #tpu.memory_space<semaphore_mem>>)
      } else {
      }
      %dma_wait3A_556 = arith.constant 0 : i32
      %dma_wait3A_557 = tpu.memref_slice %arg10[%add3A_541, %dma_wait3A_556] : memref<25x80xi32, #tpu.memory_space<vmem>> -> memref<1x80xi32, #tpu.memory_space<vmem>>
      %dma_wait3A_558 = tpu.memref_squeeze %dma_wait3A_557 : memref<1x80xi32, #tpu.memory_space<vmem>> -> memref<80xi32, #tpu.memory_space<vmem>>
      %dma_wait3A_559 = arith.constant 0 : i32
      %dma_wait3A_560 = arith.constant 0 : i32
      %dma_wait3A_561 = tpu.memref_slice %arg2[%dma_wait3A_559, %dma_wait3A_560] : memref<40000x128xf32, #tpu.memory_space<hbm>> -> memref<40000x128xf32, #tpu.memory_space<hbm>>
      tpu.wait_indirect_dma semaphore(%arg20 : memref<!tpu.dma_semaphore, #tpu.memory_space<semaphore_mem>>) src(%dma_wait3A_561 : memref<40000x128xf32, #tpu.memory_space<hbm>>) dst(%arg14 : memref<80x128xf32, #tpu.memory_space<vmem>>)
      %dma_start3A_562 = arith.constant 0 : i32
      %dma_start3A_563 = tpu.memref_slice %arg12[%add3A_541, %dma_start3A_562] : memref<25x80xi32, #tpu.memory_space<vmem>> -> memref<1x80xi32, #tpu.memory_space<vmem>>
      %dma_start3A_564 = tpu.memref_squeeze %dma_start3A_563 : memref<1x80xi32, #tpu.memory_space<vmem>> -> memref<80xi32, #tpu.memory_space<vmem>>
      %dma_start3A_565 = arith.constant 0 : i32
      %dma_start3A_566 = arith.constant 0 : i32
      %dma_start3A_567 = tpu.memref_slice %arg17[%dma_start3A_565, %dma_start3A_566] : memref<10000x128xf32, #tpu.memory_space<vmem_shared>> -> memref<10000x128xf32, #tpu.memory_space<vmem_shared>>
      tpu.enqueue_indirect_dma source(%arg14 : memref<80x128xf32, #tpu.memory_space<vmem>>) target(%dma_start3A_567 : memref<10000x128xf32, #tpu.memory_space<vmem_shared>>) offsets(%dma_start3A_564 : memref<80xi32, #tpu.memory_space<vmem>>) semaphore(%arg23 : memref<!tpu.dma_semaphore, #tpu.memory_space<semaphore_mem>>) {add = true}
      %dma_start3A_568 = arith.constant 0 : i32
      %dma_start3A_569 = tpu.memref_slice %arg12[%add3A_541, %dma_start3A_568] : memref<25x80xi32, #tpu.memory_space<vmem>> -> memref<1x80xi32, #tpu.memory_space<vmem>>
      %dma_start3A_570 = tpu.memref_squeeze %dma_start3A_569 : memref<1x80xi32, #tpu.memory_space<vmem>> -> memref<80xi32, #tpu.memory_space<vmem>>
      %dma_start3A_571 = arith.constant 0 : i32
      %dma_start3A_572 = tpu.memref_slice %arg18[%dma_start3A_571] : memref<10000xf32, #tpu.memory_space<vmem_shared>> -> memref<10000xf32, #tpu.memory_space<vmem_shared>>
      tpu.enqueue_indirect_dma source(%arg16 : memref<80xf32, #tpu.memory_space<vmem>>) target(%dma_start3A_572 : memref<10000xf32, #tpu.memory_space<vmem_shared>>) offsets(%dma_start3A_570 : memref<80xi32, #tpu.memory_space<vmem>>) semaphore(%arg25 : memref<!tpu.dma_semaphore, #tpu.memory_space<semaphore_mem>>) {add = true}
      %mul3A_573 = arith.constant 3 : i32
      %mul3A_574 = arith.muli %scan3A_535, %mul3A_573 : i32
      %add3A_575 = arith.constant 1 : i32
      %add3A_576 = arith.addi %mul3A_574, %add3A_575 : i32
      %add3A_577 = arith.constant 1 : i32
      %add3A_578 = arith.addi %add3A_576, %add3A_577 : i32
      %sub3A_579 = arith.constant 1 : i32
      %sub3A_580 = arith.subi %add3A_578, %sub3A_579 : i32
      %dma_wait3A_581 = arith.constant 0 : i32
      %dma_wait3A_582 = tpu.memref_slice %arg12[%sub3A_580, %dma_wait3A_581] : memref<25x80xi32, #tpu.memory_space<vmem>> -> memref<1x80xi32, #tpu.memory_space<vmem>>
      %dma_wait3A_583 = tpu.memref_squeeze %dma_wait3A_582 : memref<1x80xi32, #tpu.memory_space<vmem>> -> memref<80xi32, #tpu.memory_space<vmem>>
      %dma_wait3A_584 = arith.constant 0 : i32
      %dma_wait3A_585 = arith.constant 0 : i32
      %dma_wait3A_586 = tpu.memref_slice %arg17[%dma_wait3A_584, %dma_wait3A_585] : memref<10000x128xf32, #tpu.memory_space<vmem_shared>> -> memref<10000x128xf32, #tpu.memory_space<vmem_shared>>
      tpu.wait_indirect_dma semaphore(%arg23 : memref<!tpu.dma_semaphore, #tpu.memory_space<semaphore_mem>>) src(%arg14 : memref<80x128xf32, #tpu.memory_space<vmem>>) dst(%dma_wait3A_586 : memref<10000x128xf32, #tpu.memory_space<vmem_shared>>)
      %add3A_587 = arith.constant 2 : i32
      %add3A_588 = arith.addi %add3A_578, %add3A_587 : i32
      %lt3A_589 = arith.constant 25 : i32
      %lt3A_590 = arith.cmpi slt, %add3A_588, %lt3A_589 : i32
      %convert_element_type3A_591 = arith.extui %lt3A_590 : i1 to i32
      %cond3A_592 = arith.constant 0 : i32
      %cond3A_593 = arith.cmpi ne, %convert_element_type3A_591, %cond3A_592 : i32
      scf.if %cond3A_593 {
        %add3A_649 = arith.constant 2 : i32
        %add3A_650 = arith.addi %add3A_578, %add3A_649 : i32
        %dma_start3A_651 = arith.constant 0 : i32
        %dma_start3A_652 = tpu.memref_slice %arg10[%add3A_650, %dma_start3A_651] : memref<25x80xi32, #tpu.memory_space<vmem>> -> memref<1x80xi32, #tpu.memory_space<vmem>>
        %dma_start3A_653 = tpu.memref_squeeze %dma_start3A_652 : memref<1x80xi32, #tpu.memory_space<vmem>> -> memref<80xi32, #tpu.memory_space<vmem>>
        %dma_start3A_654 = arith.constant 0 : i32
        %dma_start3A_655 = arith.constant 0 : i32
        %dma_start3A_656 = tpu.memref_slice %arg2[%dma_start3A_654, %dma_start3A_655] : memref<40000x128xf32, #tpu.memory_space<hbm>> -> memref<40000x128xf32, #tpu.memory_space<hbm>>
        tpu.enqueue_indirect_dma source(%dma_start3A_656 : memref<40000x128xf32, #tpu.memory_space<hbm>>) target(%arg14 : memref<80x128xf32, #tpu.memory_space<vmem>>) offsets(%dma_start3A_653 : memref<80xi32, #tpu.memory_space<vmem>>) semaphore(%arg20 : memref<!tpu.dma_semaphore, #tpu.memory_space<semaphore_mem>>)
      } else {
      }
      %dma_wait3A_594 = arith.constant 0 : i32
      %dma_wait3A_595 = tpu.memref_slice %arg10[%add3A_578, %dma_wait3A_594] : memref<25x80xi32, #tpu.memory_space<vmem>> -> memref<1x80xi32, #tpu.memory_space<vmem>>
      %dma_wait3A_596 = tpu.memref_squeeze %dma_wait3A_595 : memref<1x80xi32, #tpu.memory_space<vmem>> -> memref<80xi32, #tpu.memory_space<vmem>>
      %dma_wait3A_597 = arith.constant 0 : i32
      %dma_wait3A_598 = arith.constant 0 : i32
      %dma_wait3A_599 = tpu.memref_slice %arg2[%dma_wait3A_597, %dma_wait3A_598] : memref<40000x128xf32, #tpu.memory_space<hbm>> -> memref<40000x128xf32, #tpu.memory_space<hbm>>
      tpu.wait_indirect_dma semaphore(%arg21 : memref<!tpu.dma_semaphore, #tpu.memory_space<semaphore_mem>>) src(%dma_wait3A_599 : memref<40000x128xf32, #tpu.memory_space<hbm>>) dst(%arg15 : memref<80x128xf32, #tpu.memory_space<vmem>>)
      %dma_start3A_600 = arith.constant 0 : i32
      %dma_start3A_601 = tpu.memref_slice %arg12[%add3A_578, %dma_start3A_600] : memref<25x80xi32, #tpu.memory_space<vmem>> -> memref<1x80xi32, #tpu.memory_space<vmem>>
      %dma_start3A_602 = tpu.memref_squeeze %dma_start3A_601 : memref<1x80xi32, #tpu.memory_space<vmem>> -> memref<80xi32, #tpu.memory_space<vmem>>
      %dma_start3A_603 = arith.constant 0 : i32
      %dma_start3A_604 = arith.constant 0 : i32
      %dma_start3A_605 = tpu.memref_slice %arg17[%dma_start3A_603, %dma_start3A_604] : memref<10000x128xf32, #tpu.memory_space<vmem_shared>> -> memref<10000x128xf32, #tpu.memory_space<vmem_shared>>
      tpu.enqueue_indirect_dma source(%arg15 : memref<80x128xf32, #tpu.memory_space<vmem>>) target(%dma_start3A_605 : memref<10000x128xf32, #tpu.memory_space<vmem_shared>>) offsets(%dma_start3A_602 : memref<80xi32, #tpu.memory_space<vmem>>) semaphore(%arg24 : memref<!tpu.dma_semaphore, #tpu.memory_space<semaphore_mem>>) {add = true}
      %dma_start3A_606 = arith.constant 0 : i32
      %dma_start3A_607 = tpu.memref_slice %arg12[%add3A_578, %dma_start3A_606] : memref<25x80xi32, #tpu.memory_space<vmem>> -> memref<1x80xi32, #tpu.memory_space<vmem>>
      %dma_start3A_608 = tpu.memref_squeeze %dma_start3A_607 : memref<1x80xi32, #tpu.memory_space<vmem>> -> memref<80xi32, #tpu.memory_space<vmem>>
      %dma_start3A_609 = arith.constant 0 : i32
      %dma_start3A_610 = tpu.memref_slice %arg18[%dma_start3A_609] : memref<10000xf32, #tpu.memory_space<vmem_shared>> -> memref<10000xf32, #tpu.memory_space<vmem_shared>>
      tpu.enqueue_indirect_dma source(%arg16 : memref<80xf32, #tpu.memory_space<vmem>>) target(%dma_start3A_610 : memref<10000xf32, #tpu.memory_space<vmem_shared>>) offsets(%dma_start3A_608 : memref<80xi32, #tpu.memory_space<vmem>>) semaphore(%arg25 : memref<!tpu.dma_semaphore, #tpu.memory_space<semaphore_mem>>) {add = true}
      %mul3A_611 = arith.constant 3 : i32
      %mul3A_612 = arith.muli %scan3A_535, %mul3A_611 : i32
      %add3A_613 = arith.constant 1 : i32
      %add3A_614 = arith.addi %mul3A_612, %add3A_613 : i32
      %add3A_615 = arith.constant 2 : i32
      %add3A_616 = arith.addi %add3A_614, %add3A_615 : i32
      %sub3A_617 = arith.constant 1 : i32
      %sub3A_618 = arith.subi %add3A_616, %sub3A_617 : i32
      %dma_wait3A_619 = arith.constant 0 : i32
      %dma_wait3A_620 = tpu.memref_slice %arg12[%sub3A_618, %dma_wait3A_619] : memref<25x80xi32, #tpu.memory_space<vmem>> -> memref<1x80xi32, #tpu.memory_space<vmem>>
      %dma_wait3A_621 = tpu.memref_squeeze %dma_wait3A_620 : memref<1x80xi32, #tpu.memory_space<vmem>> -> memref<80xi32, #tpu.memory_space<vmem>>
      %dma_wait3A_622 = arith.constant 0 : i32
      %dma_wait3A_623 = arith.constant 0 : i32
      %dma_wait3A_624 = tpu.memref_slice %arg17[%dma_wait3A_622, %dma_wait3A_623] : memref<10000x128xf32, #tpu.memory_space<vmem_shared>> -> memref<10000x128xf32, #tpu.memory_space<vmem_shared>>
      tpu.wait_indirect_dma semaphore(%arg24 : memref<!tpu.dma_semaphore, #tpu.memory_space<semaphore_mem>>) src(%arg15 : memref<80x128xf32, #tpu.memory_space<vmem>>) dst(%dma_wait3A_624 : memref<10000x128xf32, #tpu.memory_space<vmem_shared>>)
      %add3A_625 = arith.constant 2 : i32
      %add3A_626 = arith.addi %add3A_616, %add3A_625 : i32
      %lt3A_627 = arith.constant 25 : i32
      %lt3A_628 = arith.cmpi slt, %add3A_626, %lt3A_627 : i32
      %convert_element_type3A_629 = arith.extui %lt3A_628 : i1 to i32
      %cond3A_630 = arith.constant 0 : i32
      %cond3A_631 = arith.cmpi ne, %convert_element_type3A_629, %cond3A_630 : i32
      scf.if %cond3A_631 {
        %add3A_649 = arith.constant 2 : i32
        %add3A_650 = arith.addi %add3A_616, %add3A_649 : i32
        %dma_start3A_651 = arith.constant 0 : i32
        %dma_start3A_652 = tpu.memref_slice %arg10[%add3A_650, %dma_start3A_651] : memref<25x80xi32, #tpu.memory_space<vmem>> -> memref<1x80xi32, #tpu.memory_space<vmem>>
        %dma_start3A_653 = tpu.memref_squeeze %dma_start3A_652 : memref<1x80xi32, #tpu.memory_space<vmem>> -> memref<80xi32, #tpu.memory_space<vmem>>
        %dma_start3A_654 = arith.constant 0 : i32
        %dma_start3A_655 = arith.constant 0 : i32
        %dma_start3A_656 = tpu.memref_slice %arg2[%dma_start3A_654, %dma_start3A_655] : memref<40000x128xf32, #tpu.memory_space<hbm>> -> memref<40000x128xf32, #tpu.memory_space<hbm>>
        tpu.enqueue_indirect_dma source(%dma_start3A_656 : memref<40000x128xf32, #tpu.memory_space<hbm>>) target(%arg15 : memref<80x128xf32, #tpu.memory_space<vmem>>) offsets(%dma_start3A_653 : memref<80xi32, #tpu.memory_space<vmem>>) semaphore(%arg21 : memref<!tpu.dma_semaphore, #tpu.memory_space<semaphore_mem>>)
      } else {
      }
      %dma_wait3A_632 = arith.constant 0 : i32
      %dma_wait3A_633 = tpu.memref_slice %arg10[%add3A_616, %dma_wait3A_632] : memref<25x80xi32, #tpu.memory_space<vmem>> -> memref<1x80xi32, #tpu.memory_space<vmem>>
      %dma_wait3A_634 = tpu.memref_squeeze %dma_wait3A_633 : memref<1x80xi32, #tpu.memory_space<vmem>> -> memref<80xi32, #tpu.memory_space<vmem>>
      %dma_wait3A_635 = arith.constant 0 : i32
      %dma_wait3A_636 = arith.constant 0 : i32
      %dma_wait3A_637 = tpu.memref_slice %arg2[%dma_wait3A_635, %dma_wait3A_636] : memref<40000x128xf32, #tpu.memory_space<hbm>> -> memref<40000x128xf32, #tpu.memory_space<hbm>>
      tpu.wait_indirect_dma semaphore(%arg19 : memref<!tpu.dma_semaphore, #tpu.memory_space<semaphore_mem>>) src(%dma_wait3A_637 : memref<40000x128xf32, #tpu.memory_space<hbm>>) dst(%arg13 : memref<80x128xf32, #tpu.memory_space<vmem>>)
      %dma_start3A_638 = arith.constant 0 : i32
      %dma_start3A_639 = tpu.memref_slice %arg12[%add3A_616, %dma_start3A_638] : memref<25x80xi32, #tpu.memory_space<vmem>> -> memref<1x80xi32, #tpu.memory_space<vmem>>
      %dma_start3A_640 = tpu.memref_squeeze %dma_start3A_639 : memref<1x80xi32, #tpu.memory_space<vmem>> -> memref<80xi32, #tpu.memory_space<vmem>>
      %dma_start3A_641 = arith.constant 0 : i32
      %dma_start3A_642 = arith.constant 0 : i32
      %dma_start3A_643 = tpu.memref_slice %arg17[%dma_start3A_641, %dma_start3A_642] : memref<10000x128xf32, #tpu.memory_space<vmem_shared>> -> memref<10000x128xf32, #tpu.memory_space<vmem_shared>>
      tpu.enqueue_indirect_dma source(%arg13 : memref<80x128xf32, #tpu.memory_space<vmem>>) target(%dma_start3A_643 : memref<10000x128xf32, #tpu.memory_space<vmem_shared>>) offsets(%dma_start3A_640 : memref<80xi32, #tpu.memory_space<vmem>>) semaphore(%arg22 : memref<!tpu.dma_semaphore, #tpu.memory_space<semaphore_mem>>) {add = true}
      %dma_start3A_644 = arith.constant 0 : i32
      %dma_start3A_645 = tpu.memref_slice %arg12[%add3A_616, %dma_start3A_644] : memref<25x80xi32, #tpu.memory_space<vmem>> -> memref<1x80xi32, #tpu.memory_space<vmem>>
      %dma_start3A_646 = tpu.memref_squeeze %dma_start3A_645 : memref<1x80xi32, #tpu.memory_space<vmem>> -> memref<80xi32, #tpu.memory_space<vmem>>
      %dma_start3A_647 = arith.constant 0 : i32
      %dma_start3A_648 = tpu.memref_slice %arg18[%dma_start3A_647] : memref<10000xf32, #tpu.memory_space<vmem_shared>> -> memref<10000xf32, #tpu.memory_space<vmem_shared>>
      tpu.enqueue_indirect_dma source(%arg16 : memref<80xf32, #tpu.memory_space<vmem>>) target(%dma_start3A_648 : memref<10000xf32, #tpu.memory_space<vmem_shared>>) offsets(%dma_start3A_646 : memref<80xi32, #tpu.memory_space<vmem>>) semaphore(%arg25 : memref<!tpu.dma_semaphore, #tpu.memory_space<semaphore_mem>>) {add = true}
    }
    %scan3A_431 = arith.constant 8 : i32
    %dma_wait3A_432 = arith.constant 24 : i32
    %dma_wait3A_433 = arith.constant 0 : i32
    %dma_wait3A_434 = tpu.memref_slice %arg12[%dma_wait3A_432, %dma_wait3A_433] : memref<25x80xi32, #tpu.memory_space<vmem>> -> memref<1x80xi32, #tpu.memory_space<vmem>>
    %dma_wait3A_435 = tpu.memref_squeeze %dma_wait3A_434 : memref<1x80xi32, #tpu.memory_space<vmem>> -> memref<80xi32, #tpu.memory_space<vmem>>
    %dma_wait3A_436 = arith.constant 0 : i32
    %dma_wait3A_437 = arith.constant 0 : i32
    %dma_wait3A_438 = tpu.memref_slice %arg17[%dma_wait3A_436, %dma_wait3A_437] : memref<10000x128xf32, #tpu.memory_space<vmem_shared>> -> memref<10000x128xf32, #tpu.memory_space<vmem_shared>>
    tpu.wait_indirect_dma semaphore(%arg22 : memref<!tpu.dma_semaphore, #tpu.memory_space<semaphore_mem>>) src(%arg13 : memref<80x128xf32, #tpu.memory_space<vmem>>) dst(%dma_wait3A_438 : memref<10000x128xf32, #tpu.memory_space<vmem_shared>>)
    %scan3A_439 = arith.constant 0 : i32
    %scan3A_440 = arith.constant 0 : i32
    %scan3A_441 = arith.constant 25 : i32
    %scan3A_442 = arith.addi %scan3A_440, %scan3A_441 : i32
    %scan3A_443 = arith.constant 1 : i32
    scf.for %scan3A_535 = %scan3A_440 to %scan3A_442 step %scan3A_443  : i32 {
      %dma_wait3A_536 = arith.constant 0 : i32
      %dma_wait3A_537 = tpu.memref_slice %arg12[%scan3A_535, %dma_wait3A_536] : memref<25x80xi32, #tpu.memory_space<vmem>> -> memref<1x80xi32, #tpu.memory_space<vmem>>
      %dma_wait3A_538 = tpu.memref_squeeze %dma_wait3A_537 : memref<1x80xi32, #tpu.memory_space<vmem>> -> memref<80xi32, #tpu.memory_space<vmem>>
      %dma_wait3A_539 = arith.constant 0 : i32
      %dma_wait3A_540 = tpu.memref_slice %arg18[%dma_wait3A_539] : memref<10000xf32, #tpu.memory_space<vmem_shared>> -> memref<10000xf32, #tpu.memory_space<vmem_shared>>
      tpu.wait_indirect_dma semaphore(%arg25 : memref<!tpu.dma_semaphore, #tpu.memory_space<semaphore_mem>>) src(%arg16 : memref<80xf32, #tpu.memory_space<vmem>>) dst(%dma_wait3A_540 : memref<10000xf32, #tpu.memory_space<vmem_shared>>)
    }
    %scan3A_444 = arith.constant 25 : i32
    %dma_wait3A_445 = arith.constant 4 : i32
    %dma_wait3A_446 = arith.constant 0 : i32
    %dma_wait3A_447 = arith.constant 0 : i32
    %dma_wait3A_448 = tpu.memref_slice %arg3[%add3A, %dma_wait3A_445, %dma_wait3A_446, %dma_wait3A_447] : memref<32x5x25x80xi32, #tpu.memory_space<hbm>> -> memref<1x1x25x80xi32, #tpu.memory_space<hbm>>
    %dma_wait3A_449 = tpu.memref_squeeze %dma_wait3A_448 : memref<1x1x25x80xi32, #tpu.memory_space<hbm>> -> memref<25x80xi32, #tpu.memory_space<hbm>>
    %dma_wait3A_450 = arith.constant 0 : i32
    %dma_wait3A_451 = arith.constant 0 : i32
    %dma_wait3A_452 = tpu.memref_slice %arg3[%add3A, %dma_wait3A_445, %dma_wait3A_450, %dma_wait3A_451] : memref<32x5x25x80xi32, #tpu.memory_space<hbm>> -> memref<1x1x25x80xi32, #tpu.memory_space<hbm>>
    %dma_wait3A_453 = tpu.memref_squeeze %dma_wait3A_452 : memref<1x1x25x80xi32, #tpu.memory_space<hbm>> -> memref<25x80xi32, #tpu.memory_space<hbm>>
    tpu.wait_dma2 semaphore(%arg26 : memref<!tpu.dma_semaphore, #tpu.memory_space<semaphore_mem>>) src(%dma_wait3A_453 : memref<25x80xi32, #tpu.memory_space<hbm>>) dst(%arg9 : memref<25x80xi32, #tpu.memory_space<vmem>>)
    %dma_wait3A_454 = arith.constant 1 : i32
    %dma_wait3A_455 = arith.constant 4 : i32
    %dma_wait3A_456 = arith.constant 0 : i32
    %dma_wait3A_457 = arith.constant 0 : i32
    %dma_wait3A_458 = tpu.memref_slice %arg4[%dma_wait3A_454, %add3A, %dma_wait3A_455, %dma_wait3A_456, %dma_wait3A_457] : memref<2x32x5x25x80xi32, #tpu.memory_space<hbm>> -> memref<1x1x1x25x80xi32, #tpu.memory_space<hbm>>
    %dma_wait3A_459 = tpu.memref_squeeze %dma_wait3A_458 : memref<1x1x1x25x80xi32, #tpu.memory_space<hbm>> -> memref<25x80xi32, #tpu.memory_space<hbm>>
    %dma_wait3A_460 = arith.constant 0 : i32
    %dma_wait3A_461 = arith.constant 0 : i32
    %dma_wait3A_462 = tpu.memref_slice %arg4[%dma_wait3A_454, %add3A, %dma_wait3A_455, %dma_wait3A_460, %dma_wait3A_461] : memref<2x32x5x25x80xi32, #tpu.memory_space<hbm>> -> memref<1x1x1x25x80xi32, #tpu.memory_space<hbm>>
    %dma_wait3A_463 = tpu.memref_squeeze %dma_wait3A_462 : memref<1x1x1x25x80xi32, #tpu.memory_space<hbm>> -> memref<25x80xi32, #tpu.memory_space<hbm>>
    tpu.wait_dma2 semaphore(%arg26 : memref<!tpu.dma_semaphore, #tpu.memory_space<semaphore_mem>>) src(%dma_wait3A_463 : memref<25x80xi32, #tpu.memory_space<hbm>>) dst(%arg11 : memref<25x80xi32, #tpu.memory_space<vmem>>)
    %dma_start3A_464 = arith.constant 0 : i32
    %dma_start3A_465 = arith.constant 0 : i32
    %dma_start3A_466 = tpu.memref_slice %arg9[%dma_start3A_464, %dma_start3A_465] : memref<25x80xi32, #tpu.memory_space<vmem>> -> memref<1x80xi32, #tpu.memory_space<vmem>>
    %dma_start3A_467 = tpu.memref_squeeze %dma_start3A_466 : memref<1x80xi32, #tpu.memory_space<vmem>> -> memref<80xi32, #tpu.memory_space<vmem>>
    %dma_start3A_468 = arith.constant 0 : i32
    %dma_start3A_469 = arith.constant 0 : i32
    %dma_start3A_470 = tpu.memref_slice %arg2[%dma_start3A_468, %dma_start3A_469] : memref<40000x128xf32, #tpu.memory_space<hbm>> -> memref<40000x128xf32, #tpu.memory_space<hbm>>
    tpu.enqueue_indirect_dma source(%dma_start3A_470 : memref<40000x128xf32, #tpu.memory_space<hbm>>) target(%arg13 : memref<80x128xf32, #tpu.memory_space<vmem>>) offsets(%dma_start3A_467 : memref<80xi32, #tpu.memory_space<vmem>>) semaphore(%arg19 : memref<!tpu.dma_semaphore, #tpu.memory_space<semaphore_mem>>)
    %dma_start3A_471 = arith.constant 1 : i32
    %dma_start3A_472 = arith.constant 0 : i32
    %dma_start3A_473 = tpu.memref_slice %arg9[%dma_start3A_471, %dma_start3A_472] : memref<25x80xi32, #tpu.memory_space<vmem>> -> memref<1x80xi32, #tpu.memory_space<vmem>>
    %dma_start3A_474 = tpu.memref_squeeze %dma_start3A_473 : memref<1x80xi32, #tpu.memory_space<vmem>> -> memref<80xi32, #tpu.memory_space<vmem>>
    %dma_start3A_475 = arith.constant 0 : i32
    %dma_start3A_476 = arith.constant 0 : i32
    %dma_start3A_477 = tpu.memref_slice %arg2[%dma_start3A_475, %dma_start3A_476] : memref<40000x128xf32, #tpu.memory_space<hbm>> -> memref<40000x128xf32, #tpu.memory_space<hbm>>
    tpu.enqueue_indirect_dma source(%dma_start3A_477 : memref<40000x128xf32, #tpu.memory_space<hbm>>) target(%arg14 : memref<80x128xf32, #tpu.memory_space<vmem>>) offsets(%dma_start3A_474 : memref<80xi32, #tpu.memory_space<vmem>>) semaphore(%arg20 : memref<!tpu.dma_semaphore, #tpu.memory_space<semaphore_mem>>)
    %dma_start3A_478 = arith.constant 2 : i32
    %dma_start3A_479 = arith.constant 0 : i32
    %dma_start3A_480 = tpu.memref_slice %arg9[%dma_start3A_478, %dma_start3A_479] : memref<25x80xi32, #tpu.memory_space<vmem>> -> memref<1x80xi32, #tpu.memory_space<vmem>>
    %dma_start3A_481 = tpu.memref_squeeze %dma_start3A_480 : memref<1x80xi32, #tpu.memory_space<vmem>> -> memref<80xi32, #tpu.memory_space<vmem>>
    %dma_start3A_482 = arith.constant 0 : i32
    %dma_start3A_483 = arith.constant 0 : i32
    %dma_start3A_484 = tpu.memref_slice %arg2[%dma_start3A_482, %dma_start3A_483] : memref<40000x128xf32, #tpu.memory_space<hbm>> -> memref<40000x128xf32, #tpu.memory_space<hbm>>
    tpu.enqueue_indirect_dma source(%dma_start3A_484 : memref<40000x128xf32, #tpu.memory_space<hbm>>) target(%arg15 : memref<80x128xf32, #tpu.memory_space<vmem>>) offsets(%dma_start3A_481 : memref<80xi32, #tpu.memory_space<vmem>>) semaphore(%arg21 : memref<!tpu.dma_semaphore, #tpu.memory_space<semaphore_mem>>)
    %dma_wait3A_485 = arith.constant 0 : i32
    %dma_wait3A_486 = arith.constant 0 : i32
    %dma_wait3A_487 = tpu.memref_slice %arg9[%dma_wait3A_485, %dma_wait3A_486] : memref<25x80xi32, #tpu.memory_space<vmem>> -> memref<1x80xi32, #tpu.memory_space<vmem>>
    %dma_wait3A_488 = tpu.memref_squeeze %dma_wait3A_487 : memref<1x80xi32, #tpu.memory_space<vmem>> -> memref<80xi32, #tpu.memory_space<vmem>>
    %dma_wait3A_489 = arith.constant 0 : i32
    %dma_wait3A_490 = arith.constant 0 : i32
    %dma_wait3A_491 = tpu.memref_slice %arg2[%dma_wait3A_489, %dma_wait3A_490] : memref<40000x128xf32, #tpu.memory_space<hbm>> -> memref<40000x128xf32, #tpu.memory_space<hbm>>
    tpu.wait_indirect_dma semaphore(%arg19 : memref<!tpu.dma_semaphore, #tpu.memory_space<semaphore_mem>>) src(%dma_wait3A_491 : memref<40000x128xf32, #tpu.memory_space<hbm>>) dst(%arg13 : memref<80x128xf32, #tpu.memory_space<vmem>>)
    %dma_start3A_492 = arith.constant 0 : i32
    %dma_start3A_493 = arith.constant 0 : i32
    %dma_start3A_494 = tpu.memref_slice %arg11[%dma_start3A_492, %dma_start3A_493] : memref<25x80xi32, #tpu.memory_space<vmem>> -> memref<1x80xi32, #tpu.memory_space<vmem>>
    %dma_start3A_495 = tpu.memref_squeeze %dma_start3A_494 : memref<1x80xi32, #tpu.memory_space<vmem>> -> memref<80xi32, #tpu.memory_space<vmem>>
    %dma_start3A_496 = arith.constant 0 : i32
    %dma_start3A_497 = arith.constant 0 : i32
    %dma_start3A_498 = tpu.memref_slice %arg17[%dma_start3A_496, %dma_start3A_497] : memref<10000x128xf32, #tpu.memory_space<vmem_shared>> -> memref<10000x128xf32, #tpu.memory_space<vmem_shared>>
    tpu.enqueue_indirect_dma source(%arg13 : memref<80x128xf32, #tpu.memory_space<vmem>>) target(%dma_start3A_498 : memref<10000x128xf32, #tpu.memory_space<vmem_shared>>) offsets(%dma_start3A_495 : memref<80xi32, #tpu.memory_space<vmem>>) semaphore(%arg22 : memref<!tpu.dma_semaphore, #tpu.memory_space<semaphore_mem>>) {add = true}
    %dma_start3A_499 = arith.constant 0 : i32
    %dma_start3A_500 = arith.constant 0 : i32
    %dma_start3A_501 = tpu.memref_slice %arg11[%dma_start3A_499, %dma_start3A_500] : memref<25x80xi32, #tpu.memory_space<vmem>> -> memref<1x80xi32, #tpu.memory_space<vmem>>
    %dma_start3A_502 = tpu.memref_squeeze %dma_start3A_501 : memref<1x80xi32, #tpu.memory_space<vmem>> -> memref<80xi32, #tpu.memory_space<vmem>>
    %dma_start3A_503 = arith.constant 0 : i32
    %dma_start3A_504 = tpu.memref_slice %arg18[%dma_start3A_503] : memref<10000xf32, #tpu.memory_space<vmem_shared>> -> memref<10000xf32, #tpu.memory_space<vmem_shared>>
    tpu.enqueue_indirect_dma source(%arg16 : memref<80xf32, #tpu.memory_space<vmem>>) target(%dma_start3A_504 : memref<10000xf32, #tpu.memory_space<vmem_shared>>) offsets(%dma_start3A_502 : memref<80xi32, #tpu.memory_space<vmem>>) semaphore(%arg25 : memref<!tpu.dma_semaphore, #tpu.memory_space<semaphore_mem>>) {add = true}
    %scan3A_505 = arith.constant 0 : i32
    %scan3A_506 = arith.constant 0 : i32
    %scan3A_507 = arith.constant 8 : i32
    %scan3A_508 = arith.addi %scan3A_506, %scan3A_507 : i32
    %scan3A_509 = arith.constant 1 : i32
    scf.for %scan3A_535 = %scan3A_506 to %scan3A_508 step %scan3A_509  : i32 {
      %mul3A_536 = arith.constant 3 : i32
      %mul3A_537 = arith.muli %scan3A_535, %mul3A_536 : i32
      %add3A_538 = arith.constant 1 : i32
      %add3A_539 = arith.addi %mul3A_537, %add3A_538 : i32
      %add3A_540 = arith.constant 0 : i32
      %add3A_541 = arith.addi %add3A_539, %add3A_540 : i32
      %sub3A = arith.constant 1 : i32
      %sub3A_542 = arith.subi %add3A_541, %sub3A : i32
      %dma_wait3A_543 = arith.constant 0 : i32
      %dma_wait3A_544 = tpu.memref_slice %arg11[%sub3A_542, %dma_wait3A_543] : memref<25x80xi32, #tpu.memory_space<vmem>> -> memref<1x80xi32, #tpu.memory_space<vmem>>
      %dma_wait3A_545 = tpu.memref_squeeze %dma_wait3A_544 : memref<1x80xi32, #tpu.memory_space<vmem>> -> memref<80xi32, #tpu.memory_space<vmem>>
      %dma_wait3A_546 = arith.constant 0 : i32
      %dma_wait3A_547 = arith.constant 0 : i32
      %dma_wait3A_548 = tpu.memref_slice %arg17[%dma_wait3A_546, %dma_wait3A_547] : memref<10000x128xf32, #tpu.memory_space<vmem_shared>> -> memref<10000x128xf32, #tpu.memory_space<vmem_shared>>
      tpu.wait_indirect_dma semaphore(%arg22 : memref<!tpu.dma_semaphore, #tpu.memory_space<semaphore_mem>>) src(%arg13 : memref<80x128xf32, #tpu.memory_space<vmem>>) dst(%dma_wait3A_548 : memref<10000x128xf32, #tpu.memory_space<vmem_shared>>)
      %add3A_549 = arith.constant 2 : i32
      %add3A_550 = arith.addi %add3A_541, %add3A_549 : i32
      %lt3A_551 = arith.constant 25 : i32
      %lt3A_552 = arith.cmpi slt, %add3A_550, %lt3A_551 : i32
      %convert_element_type3A_553 = arith.extui %lt3A_552 : i1 to i32
      %cond3A_554 = arith.constant 0 : i32
      %cond3A_555 = arith.cmpi ne, %convert_element_type3A_553, %cond3A_554 : i32
      scf.if %cond3A_555 {
        %add3A_649 = arith.constant 2 : i32
        %add3A_650 = arith.addi %add3A_541, %add3A_649 : i32
        %dma_start3A_651 = arith.constant 0 : i32
        %dma_start3A_652 = tpu.memref_slice %arg9[%add3A_650, %dma_start3A_651] : memref<25x80xi32, #tpu.memory_space<vmem>> -> memref<1x80xi32, #tpu.memory_space<vmem>>
        %dma_start3A_653 = tpu.memref_squeeze %dma_start3A_652 : memref<1x80xi32, #tpu.memory_space<vmem>> -> memref<80xi32, #tpu.memory_space<vmem>>
        %dma_start3A_654 = arith.constant 0 : i32
        %dma_start3A_655 = arith.constant 0 : i32
        %dma_start3A_656 = tpu.memref_slice %arg2[%dma_start3A_654, %dma_start3A_655] : memref<40000x128xf32, #tpu.memory_space<hbm>> -> memref<40000x128xf32, #tpu.memory_space<hbm>>
        tpu.enqueue_indirect_dma source(%dma_start3A_656 : memref<40000x128xf32, #tpu.memory_space<hbm>>) target(%arg13 : memref<80x128xf32, #tpu.memory_space<vmem>>) offsets(%dma_start3A_653 : memref<80xi32, #tpu.memory_space<vmem>>) semaphore(%arg19 : memref<!tpu.dma_semaphore, #tpu.memory_space<semaphore_mem>>)
      } else {
      }
      %dma_wait3A_556 = arith.constant 0 : i32
      %dma_wait3A_557 = tpu.memref_slice %arg9[%add3A_541, %dma_wait3A_556] : memref<25x80xi32, #tpu.memory_space<vmem>> -> memref<1x80xi32, #tpu.memory_space<vmem>>
      %dma_wait3A_558 = tpu.memref_squeeze %dma_wait3A_557 : memref<1x80xi32, #tpu.memory_space<vmem>> -> memref<80xi32, #tpu.memory_space<vmem>>
      %dma_wait3A_559 = arith.constant 0 : i32
      %dma_wait3A_560 = arith.constant 0 : i32
      %dma_wait3A_561 = tpu.memref_slice %arg2[%dma_wait3A_559, %dma_wait3A_560] : memref<40000x128xf32, #tpu.memory_space<hbm>> -> memref<40000x128xf32, #tpu.memory_space<hbm>>
      tpu.wait_indirect_dma semaphore(%arg20 : memref<!tpu.dma_semaphore, #tpu.memory_space<semaphore_mem>>) src(%dma_wait3A_561 : memref<40000x128xf32, #tpu.memory_space<hbm>>) dst(%arg14 : memref<80x128xf32, #tpu.memory_space<vmem>>)
      %dma_start3A_562 = arith.constant 0 : i32
      %dma_start3A_563 = tpu.memref_slice %arg11[%add3A_541, %dma_start3A_562] : memref<25x80xi32, #tpu.memory_space<vmem>> -> memref<1x80xi32, #tpu.memory_space<vmem>>
      %dma_start3A_564 = tpu.memref_squeeze %dma_start3A_563 : memref<1x80xi32, #tpu.memory_space<vmem>> -> memref<80xi32, #tpu.memory_space<vmem>>
      %dma_start3A_565 = arith.constant 0 : i32
      %dma_start3A_566 = arith.constant 0 : i32
      %dma_start3A_567 = tpu.memref_slice %arg17[%dma_start3A_565, %dma_start3A_566] : memref<10000x128xf32, #tpu.memory_space<vmem_shared>> -> memref<10000x128xf32, #tpu.memory_space<vmem_shared>>
      tpu.enqueue_indirect_dma source(%arg14 : memref<80x128xf32, #tpu.memory_space<vmem>>) target(%dma_start3A_567 : memref<10000x128xf32, #tpu.memory_space<vmem_shared>>) offsets(%dma_start3A_564 : memref<80xi32, #tpu.memory_space<vmem>>) semaphore(%arg23 : memref<!tpu.dma_semaphore, #tpu.memory_space<semaphore_mem>>) {add = true}
      %dma_start3A_568 = arith.constant 0 : i32
      %dma_start3A_569 = tpu.memref_slice %arg11[%add3A_541, %dma_start3A_568] : memref<25x80xi32, #tpu.memory_space<vmem>> -> memref<1x80xi32, #tpu.memory_space<vmem>>
      %dma_start3A_570 = tpu.memref_squeeze %dma_start3A_569 : memref<1x80xi32, #tpu.memory_space<vmem>> -> memref<80xi32, #tpu.memory_space<vmem>>
      %dma_start3A_571 = arith.constant 0 : i32
      %dma_start3A_572 = tpu.memref_slice %arg18[%dma_start3A_571] : memref<10000xf32, #tpu.memory_space<vmem_shared>> -> memref<10000xf32, #tpu.memory_space<vmem_shared>>
      tpu.enqueue_indirect_dma source(%arg16 : memref<80xf32, #tpu.memory_space<vmem>>) target(%dma_start3A_572 : memref<10000xf32, #tpu.memory_space<vmem_shared>>) offsets(%dma_start3A_570 : memref<80xi32, #tpu.memory_space<vmem>>) semaphore(%arg25 : memref<!tpu.dma_semaphore, #tpu.memory_space<semaphore_mem>>) {add = true}
      %mul3A_573 = arith.constant 3 : i32
      %mul3A_574 = arith.muli %scan3A_535, %mul3A_573 : i32
      %add3A_575 = arith.constant 1 : i32
      %add3A_576 = arith.addi %mul3A_574, %add3A_575 : i32
      %add3A_577 = arith.constant 1 : i32
      %add3A_578 = arith.addi %add3A_576, %add3A_577 : i32
      %sub3A_579 = arith.constant 1 : i32
      %sub3A_580 = arith.subi %add3A_578, %sub3A_579 : i32
      %dma_wait3A_581 = arith.constant 0 : i32
      %dma_wait3A_582 = tpu.memref_slice %arg11[%sub3A_580, %dma_wait3A_581] : memref<25x80xi32, #tpu.memory_space<vmem>> -> memref<1x80xi32, #tpu.memory_space<vmem>>
      %dma_wait3A_583 = tpu.memref_squeeze %dma_wait3A_582 : memref<1x80xi32, #tpu.memory_space<vmem>> -> memref<80xi32, #tpu.memory_space<vmem>>
      %dma_wait3A_584 = arith.constant 0 : i32
      %dma_wait3A_585 = arith.constant 0 : i32
      %dma_wait3A_586 = tpu.memref_slice %arg17[%dma_wait3A_584, %dma_wait3A_585] : memref<10000x128xf32, #tpu.memory_space<vmem_shared>> -> memref<10000x128xf32, #tpu.memory_space<vmem_shared>>
      tpu.wait_indirect_dma semaphore(%arg23 : memref<!tpu.dma_semaphore, #tpu.memory_space<semaphore_mem>>) src(%arg14 : memref<80x128xf32, #tpu.memory_space<vmem>>) dst(%dma_wait3A_586 : memref<10000x128xf32, #tpu.memory_space<vmem_shared>>)
      %add3A_587 = arith.constant 2 : i32
      %add3A_588 = arith.addi %add3A_578, %add3A_587 : i32
      %lt3A_589 = arith.constant 25 : i32
      %lt3A_590 = arith.cmpi slt, %add3A_588, %lt3A_589 : i32
      %convert_element_type3A_591 = arith.extui %lt3A_590 : i1 to i32
      %cond3A_592 = arith.constant 0 : i32
      %cond3A_593 = arith.cmpi ne, %convert_element_type3A_591, %cond3A_592 : i32
      scf.if %cond3A_593 {
        %add3A_649 = arith.constant 2 : i32
        %add3A_650 = arith.addi %add3A_578, %add3A_649 : i32
        %dma_start3A_651 = arith.constant 0 : i32
        %dma_start3A_652 = tpu.memref_slice %arg9[%add3A_650, %dma_start3A_651] : memref<25x80xi32, #tpu.memory_space<vmem>> -> memref<1x80xi32, #tpu.memory_space<vmem>>
        %dma_start3A_653 = tpu.memref_squeeze %dma_start3A_652 : memref<1x80xi32, #tpu.memory_space<vmem>> -> memref<80xi32, #tpu.memory_space<vmem>>
        %dma_start3A_654 = arith.constant 0 : i32
        %dma_start3A_655 = arith.constant 0 : i32
        %dma_start3A_656 = tpu.memref_slice %arg2[%dma_start3A_654, %dma_start3A_655] : memref<40000x128xf32, #tpu.memory_space<hbm>> -> memref<40000x128xf32, #tpu.memory_space<hbm>>
        tpu.enqueue_indirect_dma source(%dma_start3A_656 : memref<40000x128xf32, #tpu.memory_space<hbm>>) target(%arg14 : memref<80x128xf32, #tpu.memory_space<vmem>>) offsets(%dma_start3A_653 : memref<80xi32, #tpu.memory_space<vmem>>) semaphore(%arg20 : memref<!tpu.dma_semaphore, #tpu.memory_space<semaphore_mem>>)
      } else {
      }
      %dma_wait3A_594 = arith.constant 0 : i32
      %dma_wait3A_595 = tpu.memref_slice %arg9[%add3A_578, %dma_wait3A_594] : memref<25x80xi32, #tpu.memory_space<vmem>> -> memref<1x80xi32, #tpu.memory_space<vmem>>
      %dma_wait3A_596 = tpu.memref_squeeze %dma_wait3A_595 : memref<1x80xi32, #tpu.memory_space<vmem>> -> memref<80xi32, #tpu.memory_space<vmem>>
      %dma_wait3A_597 = arith.constant 0 : i32
      %dma_wait3A_598 = arith.constant 0 : i32
      %dma_wait3A_599 = tpu.memref_slice %arg2[%dma_wait3A_597, %dma_wait3A_598] : memref<40000x128xf32, #tpu.memory_space<hbm>> -> memref<40000x128xf32, #tpu.memory_space<hbm>>
      tpu.wait_indirect_dma semaphore(%arg21 : memref<!tpu.dma_semaphore, #tpu.memory_space<semaphore_mem>>) src(%dma_wait3A_599 : memref<40000x128xf32, #tpu.memory_space<hbm>>) dst(%arg15 : memref<80x128xf32, #tpu.memory_space<vmem>>)
      %dma_start3A_600 = arith.constant 0 : i32
      %dma_start3A_601 = tpu.memref_slice %arg11[%add3A_578, %dma_start3A_600] : memref<25x80xi32, #tpu.memory_space<vmem>> -> memref<1x80xi32, #tpu.memory_space<vmem>>
      %dma_start3A_602 = tpu.memref_squeeze %dma_start3A_601 : memref<1x80xi32, #tpu.memory_space<vmem>> -> memref<80xi32, #tpu.memory_space<vmem>>
      %dma_start3A_603 = arith.constant 0 : i32
      %dma_start3A_604 = arith.constant 0 : i32
      %dma_start3A_605 = tpu.memref_slice %arg17[%dma_start3A_603, %dma_start3A_604] : memref<10000x128xf32, #tpu.memory_space<vmem_shared>> -> memref<10000x128xf32, #tpu.memory_space<vmem_shared>>
      tpu.enqueue_indirect_dma source(%arg15 : memref<80x128xf32, #tpu.memory_space<vmem>>) target(%dma_start3A_605 : memref<10000x128xf32, #tpu.memory_space<vmem_shared>>) offsets(%dma_start3A_602 : memref<80xi32, #tpu.memory_space<vmem>>) semaphore(%arg24 : memref<!tpu.dma_semaphore, #tpu.memory_space<semaphore_mem>>) {add = true}
      %dma_start3A_606 = arith.constant 0 : i32
      %dma_start3A_607 = tpu.memref_slice %arg11[%add3A_578, %dma_start3A_606] : memref<25x80xi32, #tpu.memory_space<vmem>> -> memref<1x80xi32, #tpu.memory_space<vmem>>
      %dma_start3A_608 = tpu.memref_squeeze %dma_start3A_607 : memref<1x80xi32, #tpu.memory_space<vmem>> -> memref<80xi32, #tpu.memory_space<vmem>>
      %dma_start3A_609 = arith.constant 0 : i32
      %dma_start3A_610 = tpu.memref_slice %arg18[%dma_start3A_609] : memref<10000xf32, #tpu.memory_space<vmem_shared>> -> memref<10000xf32, #tpu.memory_space<vmem_shared>>
      tpu.enqueue_indirect_dma source(%arg16 : memref<80xf32, #tpu.memory_space<vmem>>) target(%dma_start3A_610 : memref<10000xf32, #tpu.memory_space<vmem_shared>>) offsets(%dma_start3A_608 : memref<80xi32, #tpu.memory_space<vmem>>) semaphore(%arg25 : memref<!tpu.dma_semaphore, #tpu.memory_space<semaphore_mem>>) {add = true}
      %mul3A_611 = arith.constant 3 : i32
      %mul3A_612 = arith.muli %scan3A_535, %mul3A_611 : i32
      %add3A_613 = arith.constant 1 : i32
      %add3A_614 = arith.addi %mul3A_612, %add3A_613 : i32
      %add3A_615 = arith.constant 2 : i32
      %add3A_616 = arith.addi %add3A_614, %add3A_615 : i32
      %sub3A_617 = arith.constant 1 : i32
      %sub3A_618 = arith.subi %add3A_616, %sub3A_617 : i32
      %dma_wait3A_619 = arith.constant 0 : i32
      %dma_wait3A_620 = tpu.memref_slice %arg11[%sub3A_618, %dma_wait3A_619] : memref<25x80xi32, #tpu.memory_space<vmem>> -> memref<1x80xi32, #tpu.memory_space<vmem>>
      %dma_wait3A_621 = tpu.memref_squeeze %dma_wait3A_620 : memref<1x80xi32, #tpu.memory_space<vmem>> -> memref<80xi32, #tpu.memory_space<vmem>>
      %dma_wait3A_622 = arith.constant 0 : i32
      %dma_wait3A_623 = arith.constant 0 : i32
      %dma_wait3A_624 = tpu.memref_slice %arg17[%dma_wait3A_622, %dma_wait3A_623] : memref<10000x128xf32, #tpu.memory_space<vmem_shared>> -> memref<10000x128xf32, #tpu.memory_space<vmem_shared>>
      tpu.wait_indirect_dma semaphore(%arg24 : memref<!tpu.dma_semaphore, #tpu.memory_space<semaphore_mem>>) src(%arg15 : memref<80x128xf32, #tpu.memory_space<vmem>>) dst(%dma_wait3A_624 : memref<10000x128xf32, #tpu.memory_space<vmem_shared>>)
      %add3A_625 = arith.constant 2 : i32
      %add3A_626 = arith.addi %add3A_616, %add3A_625 : i32
      %lt3A_627 = arith.constant 25 : i32
      %lt3A_628 = arith.cmpi slt, %add3A_626, %lt3A_627 : i32
      %convert_element_type3A_629 = arith.extui %lt3A_628 : i1 to i32
      %cond3A_630 = arith.constant 0 : i32
      %cond3A_631 = arith.cmpi ne, %convert_element_type3A_629, %cond3A_630 : i32
      scf.if %cond3A_631 {
        %add3A_649 = arith.constant 2 : i32
        %add3A_650 = arith.addi %add3A_616, %add3A_649 : i32
        %dma_start3A_651 = arith.constant 0 : i32
        %dma_start3A_652 = tpu.memref_slice %arg9[%add3A_650, %dma_start3A_651] : memref<25x80xi32, #tpu.memory_space<vmem>> -> memref<1x80xi32, #tpu.memory_space<vmem>>
        %dma_start3A_653 = tpu.memref_squeeze %dma_start3A_652 : memref<1x80xi32, #tpu.memory_space<vmem>> -> memref<80xi32, #tpu.memory_space<vmem>>
        %dma_start3A_654 = arith.constant 0 : i32
        %dma_start3A_655 = arith.constant 0 : i32
        %dma_start3A_656 = tpu.memref_slice %arg2[%dma_start3A_654, %dma_start3A_655] : memref<40000x128xf32, #tpu.memory_space<hbm>> -> memref<40000x128xf32, #tpu.memory_space<hbm>>
        tpu.enqueue_indirect_dma source(%dma_start3A_656 : memref<40000x128xf32, #tpu.memory_space<hbm>>) target(%arg15 : memref<80x128xf32, #tpu.memory_space<vmem>>) offsets(%dma_start3A_653 : memref<80xi32, #tpu.memory_space<vmem>>) semaphore(%arg21 : memref<!tpu.dma_semaphore, #tpu.memory_space<semaphore_mem>>)
      } else {
      }
      %dma_wait3A_632 = arith.constant 0 : i32
      %dma_wait3A_633 = tpu.memref_slice %arg9[%add3A_616, %dma_wait3A_632] : memref<25x80xi32, #tpu.memory_space<vmem>> -> memref<1x80xi32, #tpu.memory_space<vmem>>
      %dma_wait3A_634 = tpu.memref_squeeze %dma_wait3A_633 : memref<1x80xi32, #tpu.memory_space<vmem>> -> memref<80xi32, #tpu.memory_space<vmem>>
      %dma_wait3A_635 = arith.constant 0 : i32
      %dma_wait3A_636 = arith.constant 0 : i32
      %dma_wait3A_637 = tpu.memref_slice %arg2[%dma_wait3A_635, %dma_wait3A_636] : memref<40000x128xf32, #tpu.memory_space<hbm>> -> memref<40000x128xf32, #tpu.memory_space<hbm>>
      tpu.wait_indirect_dma semaphore(%arg19 : memref<!tpu.dma_semaphore, #tpu.memory_space<semaphore_mem>>) src(%dma_wait3A_637 : memref<40000x128xf32, #tpu.memory_space<hbm>>) dst(%arg13 : memref<80x128xf32, #tpu.memory_space<vmem>>)
      %dma_start3A_638 = arith.constant 0 : i32
      %dma_start3A_639 = tpu.memref_slice %arg11[%add3A_616, %dma_start3A_638] : memref<25x80xi32, #tpu.memory_space<vmem>> -> memref<1x80xi32, #tpu.memory_space<vmem>>
      %dma_start3A_640 = tpu.memref_squeeze %dma_start3A_639 : memref<1x80xi32, #tpu.memory_space<vmem>> -> memref<80xi32, #tpu.memory_space<vmem>>
      %dma_start3A_641 = arith.constant 0 : i32
      %dma_start3A_642 = arith.constant 0 : i32
      %dma_start3A_643 = tpu.memref_slice %arg17[%dma_start3A_641, %dma_start3A_642] : memref<10000x128xf32, #tpu.memory_space<vmem_shared>> -> memref<10000x128xf32, #tpu.memory_space<vmem_shared>>
      tpu.enqueue_indirect_dma source(%arg13 : memref<80x128xf32, #tpu.memory_space<vmem>>) target(%dma_start3A_643 : memref<10000x128xf32, #tpu.memory_space<vmem_shared>>) offsets(%dma_start3A_640 : memref<80xi32, #tpu.memory_space<vmem>>) semaphore(%arg22 : memref<!tpu.dma_semaphore, #tpu.memory_space<semaphore_mem>>) {add = true}
      %dma_start3A_644 = arith.constant 0 : i32
      %dma_start3A_645 = tpu.memref_slice %arg11[%add3A_616, %dma_start3A_644] : memref<25x80xi32, #tpu.memory_space<vmem>> -> memref<1x80xi32, #tpu.memory_space<vmem>>
      %dma_start3A_646 = tpu.memref_squeeze %dma_start3A_645 : memref<1x80xi32, #tpu.memory_space<vmem>> -> memref<80xi32, #tpu.memory_space<vmem>>
      %dma_start3A_647 = arith.constant 0 : i32
      %dma_start3A_648 = tpu.memref_slice %arg18[%dma_start3A_647] : memref<10000xf32, #tpu.memory_space<vmem_shared>> -> memref<10000xf32, #tpu.memory_space<vmem_shared>>
      tpu.enqueue_indirect_dma source(%arg16 : memref<80xf32, #tpu.memory_space<vmem>>) target(%dma_start3A_648 : memref<10000xf32, #tpu.memory_space<vmem_shared>>) offsets(%dma_start3A_646 : memref<80xi32, #tpu.memory_space<vmem>>) semaphore(%arg25 : memref<!tpu.dma_semaphore, #tpu.memory_space<semaphore_mem>>) {add = true}
    }
    %scan3A_510 = arith.constant 8 : i32
    %dma_wait3A_511 = arith.constant 24 : i32
    %dma_wait3A_512 = arith.constant 0 : i32
    %dma_wait3A_513 = tpu.memref_slice %arg11[%dma_wait3A_511, %dma_wait3A_512] : memref<25x80xi32, #tpu.memory_space<vmem>> -> memref<1x80xi32, #tpu.memory_space<vmem>>
    %dma_wait3A_514 = tpu.memref_squeeze %dma_wait3A_513 : memref<1x80xi32, #tpu.memory_space<vmem>> -> memref<80xi32, #tpu.memory_space<vmem>>
    %dma_wait3A_515 = arith.constant 0 : i32
    %dma_wait3A_516 = arith.constant 0 : i32
    %dma_wait3A_517 = tpu.memref_slice %arg17[%dma_wait3A_515, %dma_wait3A_516] : memref<10000x128xf32, #tpu.memory_space<vmem_shared>> -> memref<10000x128xf32, #tpu.memory_space<vmem_shared>>
    tpu.wait_indirect_dma semaphore(%arg22 : memref<!tpu.dma_semaphore, #tpu.memory_space<semaphore_mem>>) src(%arg13 : memref<80x128xf32, #tpu.memory_space<vmem>>) dst(%dma_wait3A_517 : memref<10000x128xf32, #tpu.memory_space<vmem_shared>>)
    %scan3A_518 = arith.constant 0 : i32
    %scan3A_519 = arith.constant 0 : i32
    %scan3A_520 = arith.constant 25 : i32
    %scan3A_521 = arith.addi %scan3A_519, %scan3A_520 : i32
    %scan3A_522 = arith.constant 1 : i32
    scf.for %scan3A_535 = %scan3A_519 to %scan3A_521 step %scan3A_522  : i32 {
      %dma_wait3A_536 = arith.constant 0 : i32
      %dma_wait3A_537 = tpu.memref_slice %arg11[%scan3A_535, %dma_wait3A_536] : memref<25x80xi32, #tpu.memory_space<vmem>> -> memref<1x80xi32, #tpu.memory_space<vmem>>
      %dma_wait3A_538 = tpu.memref_squeeze %dma_wait3A_537 : memref<1x80xi32, #tpu.memory_space<vmem>> -> memref<80xi32, #tpu.memory_space<vmem>>
      %dma_wait3A_539 = arith.constant 0 : i32
      %dma_wait3A_540 = tpu.memref_slice %arg18[%dma_wait3A_539] : memref<10000xf32, #tpu.memory_space<vmem_shared>> -> memref<10000xf32, #tpu.memory_space<vmem_shared>>
      tpu.wait_indirect_dma semaphore(%arg25 : memref<!tpu.dma_semaphore, #tpu.memory_space<semaphore_mem>>) src(%arg16 : memref<80xf32, #tpu.memory_space<vmem>>) dst(%dma_wait3A_540 : memref<10000xf32, #tpu.memory_space<vmem_shared>>)
    }
    %scan3A_523 = arith.constant 25 : i32
    %barrier3A_524 = arith.constant 0 : index
    tpu.barrier barrier_id(%barrier3A_524)
    %lt3A_525 = arith.constant 10 : i32
    %lt3A_526 = arith.cmpi slt, %arg1, %lt3A_525 : i32
    %convert_element_type3A_527 = arith.extui %lt3A_526 : i1 to i32
    %cond3A_528 = arith.constant 0 : i32
    %cond3A_529 = arith.cmpi ne, %convert_element_type3A_527, %cond3A_528 : i32
    scf.if %cond3A_529 {
      "tpu.region"() ({
        %run_scoped3A = tpu.sem_alloc : memref<!tpu.dma_semaphore, #tpu.memory_space<semaphore_mem>>
        %dma_start3A_535 = arith.constant 0 : i32
        %dma_start3A_536 = tpu.memref_slice %arg7[%arg0, %multiple_of3A, %dma_start3A_535] : memref<2x10000x128xf32, #tpu.memory_space<hbm>> -> memref<1x1000x128xf32, #tpu.memory_space<hbm>>
        %dma_start3A_537 = tpu.memref_squeeze %dma_start3A_536 : memref<1x1000x128xf32, #tpu.memory_space<hbm>> -> memref<1000x128xf32, #tpu.memory_space<hbm>>
        %dma_start3A_538 = arith.constant 0 : i32
        %dma_start3A_539 = tpu.memref_slice %arg17[%multiple_of3A, %dma_start3A_538] : memref<10000x128xf32, #tpu.memory_space<vmem_shared>> -> memref<1000x128xf32, #tpu.memory_space<vmem_shared>>
        tpu.enqueue_dma source(%dma_start3A_539 : memref<1000x128xf32, #tpu.memory_space<vmem_shared>>) target(%dma_start3A_537 : memref<1000x128xf32, #tpu.memory_space<hbm>>) target_semaphore(%run_scoped3A : memref<!tpu.dma_semaphore, #tpu.memory_space<semaphore_mem>>)
        %dma_wait3A_540 = arith.constant 0 : i32
        %dma_wait3A_541 = tpu.memref_slice %arg7[%arg0, %multiple_of3A, %dma_wait3A_540] : memref<2x10000x128xf32, #tpu.memory_space<hbm>> -> memref<1x1000x128xf32, #tpu.memory_space<hbm>>
        %dma_wait3A_542 = tpu.memref_squeeze %dma_wait3A_541 : memref<1x1000x128xf32, #tpu.memory_space<hbm>> -> memref<1000x128xf32, #tpu.memory_space<hbm>>
        %dma_wait3A_543 = arith.constant 0 : i32
        %dma_wait3A_544 = tpu.memref_slice %arg17[%multiple_of3A, %dma_wait3A_543] : memref<10000x128xf32, #tpu.memory_space<vmem_shared>> -> memref<1000x128xf32, #tpu.memory_space<vmem_shared>>
        tpu.wait_dma2 semaphore(%run_scoped3A : memref<!tpu.dma_semaphore, #tpu.memory_space<semaphore_mem>>) src(%dma_wait3A_544 : memref<1000x128xf32, #tpu.memory_space<vmem_shared>>) dst(%dma_wait3A_542 : memref<1000x128xf32, #tpu.memory_space<hbm>>)
        tpu.yield
      }) : () -> ()
    } else {
    }
    %eq3A_530 = arith.constant 0 : i32
    %eq3A_531 = arith.cmpi eq, %arg1, %eq3A_530 : i32
    %convert_element_type3A_532 = arith.extui %eq3A_531 : i1 to i32
    %cond3A_533 = arith.constant 0 : i32
    %cond3A_534 = arith.cmpi ne, %convert_element_type3A_532, %cond3A_533 : i32
    scf.if %cond3A_534 {
      %run_scoped3A = arith.constant 0 : i32
      "tpu.region"() ({
        %run_scoped3A_535 = tpu.sem_alloc : memref<!tpu.dma_semaphore, #tpu.memory_space<semaphore_mem>>
        %dma_start3A_536 = arith.constant 0 : i32
        %dma_start3A_537 = tpu.memref_slice %arg8[%arg0, %run_scoped3A, %dma_start3A_536] : memref<2x1x10000xf32, #tpu.memory_space<hbm>> -> memref<1x1x10000xf32, #tpu.memory_space<hbm>>
        %dma_start3A_538 = tpu.memref_squeeze %dma_start3A_537 : memref<1x1x10000xf32, #tpu.memory_space<hbm>> -> memref<10000xf32, #tpu.memory_space<hbm>>
        tpu.enqueue_dma source(%arg18 : memref<10000xf32, #tpu.memory_space<vmem_shared>>) target(%dma_start3A_538 : memref<10000xf32, #tpu.memory_space<hbm>>) target_semaphore(%run_scoped3A_535 : memref<!tpu.dma_semaphore, #tpu.memory_space<semaphore_mem>>)
        %dma_wait3A_539 = arith.constant 0 : i32
        %dma_wait3A_540 = tpu.memref_slice %arg8[%arg0, %run_scoped3A, %dma_wait3A_539] : memref<2x1x10000xf32, #tpu.memory_space<hbm>> -> memref<1x1x10000xf32, #tpu.memory_space<hbm>>
        %dma_wait3A_541 = tpu.memref_squeeze %dma_wait3A_540 : memref<1x1x10000xf32, #tpu.memory_space<hbm>> -> memref<10000xf32, #tpu.memory_space<hbm>>
        tpu.wait_dma2 semaphore(%run_scoped3A_535 : memref<!tpu.dma_semaphore, #tpu.memory_space<semaphore_mem>>) src(%arg18 : memref<10000xf32, #tpu.memory_space<vmem_shared>>) dst(%dma_wait3A_541 : memref<10000xf32, #tpu.memory_space<hbm>>)
        tpu.yield
      }) : () -> ()
    } else {
    }
    return
  }
}

module attributes {stable_mosaic.version = 14 : i64} {
  func.func @_proj_body(%arg0: i32, %arg1: i32, %arg2: memref<10000x128xf32, #tpu.memory_space<vmem>>, %arg3: memref<1x128x128xf32, #tpu.memory_space<vmem>>, %arg4: memref<1x1x128xf32, #tpu.memory_space<vmem>>, %arg5: memref<10000x128xf32, #tpu.memory_space<vmem>>) attributes {dimension_semantics = [#tpu.dimension_semantics<arbitrary>, #tpu.dimension_semantics<arbitrary>], iteration_bounds = array<i64: 1, 4>, scalar_prefetch = 0 : i64, scratch_operands = 0 : i64, tpu.core_type = #tpu.core_type<tc>, window_params = [{transform_indices = @transform_0, window_bounds = array<i64: 10000, 128>}, {transform_indices = @transform_1, window_bounds = array<i64: 1, 128, 128>}, {transform_indices = @transform_2, window_bounds = array<i64: 1, 1, 128>}, {transform_indices = @transform_3, window_bounds = array<i64: 10000, 128>}]} {
    %get3A = arith.constant 0 : index
    %get3A_0 = arith.constant 0 : index
    %get3A_1 = vector.load %arg2[%get3A, %get3A_0] : memref<10000x128xf32, #tpu.memory_space<vmem>>, vector<10000x128xf32>
    %get3A_2 = arith.constant 0 : index
    %get3A_3 = arith.constant 0 : index
    %get3A_4 = arith.constant 0 : index
    %get3A_5 = vector.load %arg3[%get3A_2, %get3A_3, %get3A_4] : memref<1x128x128xf32, #tpu.memory_space<vmem>>, vector<1x128x128xf32>
    %get3A_6 = vector.shape_cast %get3A_5 : vector<1x128x128xf32> to vector<128x128xf32>
    %dot_general3A = arith.constant dense<0.000000e+00> : vector<10000x128xf32>
    %dot_general3A_7 = tpu.matmul %get3A_1, %get3A_6, %dot_general3A {dimension_numbers = #tpu.dot_dimension_numbers<[1], [1], [0], [0], [0, 0, 1, 0], [], []>, transpose_lhs_hint = false} : vector<10000x128xf32>, vector<128x128xf32>, vector<10000x128xf32> -> vector<10000x128xf32>
    %get3A_8 = arith.constant 0 : index
    %get3A_9 = arith.constant 0 : index
    %get3A_10 = arith.constant 0 : index
    %get3A_11 = vector.load %arg4[%get3A_8, %get3A_9, %get3A_10] : memref<1x1x128xf32, #tpu.memory_space<vmem>>, vector<1x1x128xf32>
    %get3A_12 = vector.shape_cast %get3A_11 : vector<1x1x128xf32> to vector<1x128xf32>
    %add3A = vector.broadcast %get3A_12 : vector<1x128xf32> to vector<10000x128xf32>
    %add3A_13 = arith.addf %dot_general3A_7, %add3A : vector<10000x128xf32>
    %swap3A = arith.constant 0 : index
    %swap3A_14 = arith.constant 0 : index
    %swap3A_15 = vector.load %arg5[%swap3A, %swap3A_14] : memref<10000x128xf32, #tpu.memory_space<vmem>>, vector<10000x128xf32>
    tpu.vector_store %arg5[%swap3A, %swap3A_14], %add3A_13 {strides = array<i32>} : memref<10000x128xf32, #tpu.memory_space<vmem>>, vector<10000x128xf32>,
    return
  }
  func.func @transform_0(%arg0: i32, %arg1: i32) -> (i32, i32) {
    %c0_i32 = arith.constant 0 : i32
    %c0_i32_0 = arith.constant 0 : i32
    return %arg0, %c0_i32 : i32, i32
  }
  func.func @transform_1(%arg0: i32, %arg1: i32) -> (i32, i32, i32) {
    %c0_i32 = arith.constant 0 : i32
    %c0_i32_0 = arith.constant 0 : i32
    %c0_i32_1 = arith.constant 0 : i32
    return %arg1, %c0_i32, %c0_i32_0 : i32, i32, i32
  }
  func.func @transform_2(%arg0: i32, %arg1: i32) -> (i32, i32, i32) {
    %c0_i32 = arith.constant 0 : i32
    %c0_i32_0 = arith.constant 0 : i32
    %c0_i32_1 = arith.constant 0 : i32
    return %arg1, %c0_i32, %c0_i32_0 : i32, i32, i32
  }
  func.func @transform_3(%arg0: i32, %arg1: i32) -> (i32, i32) {
    %mul3A = arith.constant 1 : i32
    %mul3A_0 = arith.muli %arg1, %mul3A : i32
    %add3A = arith.addi %mul3A_0, %arg0 : i32
    %c0_i32 = arith.constant 0 : i32
    %c0_i32_1 = arith.constant 0 : i32
    return %add3A, %c0_i32 : i32, i32
  }
}

module attributes {stable_mosaic.version = 14 : i64} {
  func.func @_gidx_body(%arg0: i32, %arg1: memref<2x8x5x25x80xi32, #tpu.memory_space<vmem>>, %arg2: memref<8x5x25x80xi32, #tpu.memory_space<vmem>>, %arg3: memref<8x5x25x80xi32, #tpu.memory_space<vmem>>) attributes {dimension_semantics = [#tpu.dimension_semantics<arbitrary>], iteration_bounds = array<i64: 4>, scalar_prefetch = 0 : i64, scratch_operands = 0 : i64, tpu.core_type = #tpu.core_type<tc>, window_params = [{transform_indices = @transform_0, window_bounds = array<i64: 2, 8, 5, 25, 80>}, {transform_indices = @transform_1, window_bounds = array<i64: 8, 5, 25, 80>}, {transform_indices = @transform_2, window_bounds = array<i64: 8, 5, 25, 80>}]} {
    %get3A = arith.constant 0 : index
    %get3A_0 = arith.constant 0 : index
    %get3A_1 = arith.constant 0 : index
    %get3A_2 = arith.constant 0 : index
    %get3A_3 = vector.load %arg2[%get3A, %get3A_0, %get3A_1, %get3A_2] : memref<8x5x25x80xi32, #tpu.memory_space<vmem>>, vector<8x5x25x80xi32>
    %mul3A = arith.constant 10000 : i32
    %mul3A_4 = vector.broadcast %mul3A : i32 to vector<8x5x25x80xi32>
    %mul3A_5 = arith.muli %get3A_3, %mul3A_4 : vector<8x5x25x80xi32>
    %get3A_6 = arith.constant 0 : index
    %get3A_7 = arith.constant 0 : index
    %get3A_8 = arith.constant 0 : index
    %get3A_9 = arith.constant 0 : index
    %get3A_10 = arith.constant 0 : index
    %get3A_11 = vector.load %arg1[%get3A_6, %get3A_7, %get3A_8, %get3A_9, %get3A_10] : memref<2x8x5x25x80xi32, #tpu.memory_space<vmem>>, vector<1x8x5x25x80xi32>
    %get3A_12 = vector.shape_cast %get3A_11 : vector<1x8x5x25x80xi32> to vector<8x5x25x80xi32>
    %add3A = arith.addi %mul3A_5, %get3A_12 : vector<8x5x25x80xi32>
    %swap3A = arith.constant 0 : index
    %swap3A_13 = arith.constant 0 : index
    %swap3A_14 = arith.constant 0 : index
    %swap3A_15 = arith.constant 0 : index
    %swap3A_16 = vector.load %arg3[%swap3A, %swap3A_13, %swap3A_14, %swap3A_15] : memref<8x5x25x80xi32, #tpu.memory_space<vmem>>, vector<8x5x25x80xi32>
    tpu.vector_store %arg3[%swap3A, %swap3A_13, %swap3A_14, %swap3A_15], %add3A {strides = array<i32>} : memref<8x5x25x80xi32, #tpu.memory_space<vmem>>, vector<8x5x25x80xi32>,
    return
  }
  func.func @transform_0(%arg0: i32) -> (i32, i32, i32, i32, i32) {
    %c0_i32 = arith.constant 0 : i32
    %c0_i32_0 = arith.constant 0 : i32
    %c0_i32_1 = arith.constant 0 : i32
    %c0_i32_2 = arith.constant 0 : i32
    %c0_i32_3 = arith.constant 0 : i32
    return %c0_i32, %arg0, %c0_i32_0, %c0_i32_1, %c0_i32_2 : i32, i32, i32, i32, i32
  }
  func.func @transform_1(%arg0: i32) -> (i32, i32, i32, i32) {
    %c0_i32 = arith.constant 0 : i32
    %c0_i32_0 = arith.constant 0 : i32
    %c0_i32_1 = arith.constant 0 : i32
    %c0_i32_2 = arith.constant 0 : i32
    return %arg0, %c0_i32, %c0_i32_0, %c0_i32_1 : i32, i32, i32, i32
  }
  func.func @transform_2(%arg0: i32) -> (i32, i32, i32, i32) {
    %c0_i32 = arith.constant 0 : i32
    %c0_i32_0 = arith.constant 0 : i32
    %c0_i32_1 = arith.constant 0 : i32
    %c0_i32_2 = arith.constant 0 : i32
    return %arg0, %c0_i32, %c0_i32_0, %c0_i32_1 : i32, i32, i32, i32
  }
}

module attributes {stable_mosaic.version = 14 : i64} {
  func.func @_tail_body(%arg0: i32, %arg1: memref<10000x128xf32, #tpu.memory_space<vmem>>, %arg2: memref<2x10000x128xf32, #tpu.memory_space<vmem>>, %arg3: memref<2x10000x1xf32, #tpu.memory_space<vmem>>, %arg4: memref<128x128xf32, #tpu.memory_space<vmem>>, %arg5: memref<1x128xf32, #tpu.memory_space<vmem>>, %arg6: memref<1x128xf32, #tpu.memory_space<vmem>>, %arg7: memref<1x128xf32, #tpu.memory_space<vmem>>, %arg8: memref<256x128xf32, #tpu.memory_space<vmem>>, %arg9: memref<1x256xf32, #tpu.memory_space<vmem>>, %arg10: memref<128x256xf32, #tpu.memory_space<vmem>>, %arg11: memref<1x128xf32, #tpu.memory_space<vmem>>, %arg12: memref<1x128xf32, #tpu.memory_space<vmem>>, %arg13: memref<1x128xf32, #tpu.memory_space<vmem>>, %arg14: memref<10000x128xf32, #tpu.memory_space<vmem>>) attributes {dimension_semantics = [#tpu.dimension_semantics<arbitrary>], iteration_bounds = array<i64: 1>, scalar_prefetch = 0 : i64, scratch_operands = 0 : i64, tpu.core_type = #tpu.core_type<tc>, window_params = [{transform_indices = @transform_0, window_bounds = array<i64: 10000, 128>}, {transform_indices = @transform_1, window_bounds = array<i64: 2, 10000, 128>}, {transform_indices = @transform_2, window_bounds = array<i64: 2, 10000, 1>}, {pipeline_mode = #tpu.pipeline_mode<synchronous>, transform_indices = @transform_3, window_bounds = array<i64: 128, 128>}, {pipeline_mode = #tpu.pipeline_mode<synchronous>, transform_indices = @transform_4, window_bounds = array<i64: 1, 128>}, {pipeline_mode = #tpu.pipeline_mode<synchronous>, transform_indices = @transform_5, window_bounds = array<i64: 1, 128>}, {pipeline_mode = #tpu.pipeline_mode<synchronous>, transform_indices = @transform_6, window_bounds = array<i64: 1, 128>}, {pipeline_mode = #tpu.pipeline_mode<synchronous>, transform_indices = @transform_7, window_bounds = array<i64: 256, 128>}, {pipeline_mode = #tpu.pipeline_mode<synchronous>, transform_indices = @transform_8, window_bounds = array<i64: 1, 256>}, {pipeline_mode = #tpu.pipeline_mode<synchronous>, transform_indices = @transform_9, window_bounds = array<i64: 128, 256>}, {pipeline_mode = #tpu.pipeline_mode<synchronous>, transform_indices = @transform_10, window_bounds = array<i64: 1, 128>}, {pipeline_mode = #tpu.pipeline_mode<synchronous>, transform_indices = @transform_11, window_bounds = array<i64: 1, 128>}, {pipeline_mode = #tpu.pipeline_mode<synchronous>, transform_indices = @transform_12, window_bounds = array<i64: 1, 128>}, {transform_indices = @transform_13, window_bounds = array<i64: 10000, 128>}]} {
    %get3A = arith.constant 0 : index
    %get3A_0 = arith.constant 0 : index
    %get3A_1 = vector.load %arg1[%get3A, %get3A_0] : memref<10000x128xf32, #tpu.memory_space<vmem>>, vector<10000x128xf32>
    %get3A_2 = arith.constant 0 : index
    %get3A_3 = arith.constant 0 : index
    %get3A_4 = arith.constant 0 : index
    %get3A_5 = vector.load %arg3[%get3A_2, %get3A_3, %get3A_4] : memref<2x10000x1xf32, #tpu.memory_space<vmem>>, vector<1x10000x1xf32>
    %get3A_6 = vector.shape_cast %get3A_5 : vector<1x10000x1xf32> to vector<10000x1xf32>
    %add3A = arith.constant 0.000000e+00 : f32
    %add3A_7 = vector.broadcast %add3A : f32 to vector<10000x1xf32>
    %add3A_8 = arith.addf %add3A_7, %get3A_6 : vector<10000x1xf32>
    %get3A_9 = arith.constant 1 : index
    %get3A_10 = arith.constant 0 : index
    %get3A_11 = arith.constant 0 : index
    %get3A_12 = vector.load %arg3[%get3A_9, %get3A_10, %get3A_11] : memref<2x10000x1xf32, #tpu.memory_space<vmem>>, vector<1x10000x1xf32>
    %get3A_13 = vector.shape_cast %get3A_12 : vector<1x10000x1xf32> to vector<10000x1xf32>
    %add3A_14 = arith.addf %add3A_8, %get3A_13 : vector<10000x1xf32>
    %max3A = arith.constant 1.000000e+00 : f32
    %max3A_15 = vector.broadcast %max3A : f32 to vector<10000x1xf32>
    %max3A_16 = arith.maximumf %add3A_14, %max3A_15 : vector<10000x1xf32>
    %get3A_17 = arith.constant 0 : index
    %get3A_18 = arith.constant 0 : index
    %get3A_19 = arith.constant 0 : index
    %get3A_20 = vector.load %arg2[%get3A_17, %get3A_18, %get3A_19] : memref<2x10000x128xf32, #tpu.memory_space<vmem>>, vector<1x10000x128xf32>
    %get3A_21 = vector.shape_cast %get3A_20 : vector<1x10000x128xf32> to vector<10000x128xf32>
    %add3A_22 = arith.constant 0.000000e+00 : f32
    %add3A_23 = vector.broadcast %add3A_22 : f32 to vector<10000x128xf32>
    %add3A_24 = arith.addf %add3A_23, %get3A_21 : vector<10000x128xf32>
    %get3A_25 = arith.constant 1 : index
    %get3A_26 = arith.constant 0 : index
    %get3A_27 = arith.constant 0 : index
    %get3A_28 = vector.load %arg2[%get3A_25, %get3A_26, %get3A_27] : memref<2x10000x128xf32, #tpu.memory_space<vmem>>, vector<1x10000x128xf32>
    %get3A_29 = vector.shape_cast %get3A_28 : vector<1x10000x128xf32> to vector<10000x128xf32>
    %add3A_30 = arith.addf %add3A_24, %get3A_29 : vector<10000x128xf32>
    %div3A = vector.broadcast %max3A_16 : vector<10000x1xf32> to vector<10000x128xf32>
    %div3A_31 = arith.divf %add3A_30, %div3A : vector<10000x128xf32>
    %get3A_32 = arith.constant 0 : index
    %get3A_33 = arith.constant 0 : index
    %get3A_34 = vector.load %arg4[%get3A_32, %get3A_33] : memref<128x128xf32, #tpu.memory_space<vmem>>, vector<128x128xf32>
    %dot_general3A = arith.constant dense<0.000000e+00> : vector<10000x128xf32>
    %dot_general3A_35 = tpu.matmul %get3A_1, %get3A_34, %dot_general3A {dimension_numbers = #tpu.dot_dimension_numbers<[1], [1], [0], [0], [0, 0, 1, 0], [], []>, transpose_lhs_hint = false} : vector<10000x128xf32>, vector<128x128xf32>, vector<10000x128xf32> -> vector<10000x128xf32>
    %get3A_36 = arith.constant 0 : index
    %get3A_37 = arith.constant 0 : index
    %get3A_38 = vector.load %arg5[%get3A_36, %get3A_37] : memref<1x128xf32, #tpu.memory_space<vmem>>, vector<1x128xf32>
    %add3A_39 = vector.broadcast %get3A_38 : vector<1x128xf32> to vector<10000x128xf32>
    %add3A_40 = arith.addf %dot_general3A_35, %add3A_39 : vector<10000x128xf32>
    %add3A_41 = arith.addf %add3A_40, %div3A_31 : vector<10000x128xf32>
    %add3A_42 = arith.addf %get3A_1, %add3A_41 : vector<10000x128xf32>
    %get3A_43 = arith.constant 0 : index
    %get3A_44 = arith.constant 0 : index
    %get3A_45 = vector.load %arg6[%get3A_43, %get3A_44] : memref<1x128xf32, #tpu.memory_space<vmem>>, vector<1x128xf32>
    %get3A_46 = arith.constant 0 : index
    %get3A_47 = arith.constant 0 : index
    %get3A_48 = vector.load %arg7[%get3A_46, %get3A_47] : memref<1x128xf32, #tpu.memory_space<vmem>>, vector<1x128xf32>
    %reduce_sum3A = arith.constant dense<0.000000e+00> : vector<10000xf32>
    %reduce_sum3A_49 = vector.multi_reduction <add>, %add3A_42, %reduce_sum3A [1] : vector<10000x128xf32> to vector<10000xf32>
    %broadcast_in_dim3A = vector.shape_cast %reduce_sum3A_49 : vector<10000xf32> to vector<10000x1xf32>
    %div3A_50 = arith.constant 1.280000e+02 : f32
    %div3A_51 = vector.broadcast %div3A_50 : f32 to vector<10000x1xf32>
    %div3A_52 = arith.divf %broadcast_in_dim3A, %div3A_51 : vector<10000x1xf32>
    %sub3A = vector.broadcast %div3A_52 : vector<10000x1xf32> to vector<10000x128xf32>
    %sub3A_53 = arith.subf %add3A_42, %sub3A : vector<10000x128xf32>
    %integer_pow3A = arith.mulf %sub3A_53, %sub3A_53 : vector<10000x128xf32>
    %reduce_sum3A_54 = arith.constant dense<0.000000e+00> : vector<10000xf32>
    %reduce_sum3A_55 = vector.multi_reduction <add>, %integer_pow3A, %reduce_sum3A_54 [1] : vector<10000x128xf32> to vector<10000xf32>
    %broadcast_in_dim3A_56 = vector.shape_cast %reduce_sum3A_55 : vector<10000xf32> to vector<10000x1xf32>
    %div3A_57 = arith.constant 1.280000e+02 : f32
    %div3A_58 = vector.broadcast %div3A_57 : f32 to vector<10000x1xf32>
    %div3A_59 = arith.divf %broadcast_in_dim3A_56, %div3A_58 : vector<10000x1xf32>
    %sub3A_60 = vector.broadcast %div3A_52 : vector<10000x1xf32> to vector<10000x128xf32>
    %sub3A_61 = arith.subf %add3A_42, %sub3A_60 : vector<10000x128xf32>
    %add3A_62 = arith.constant 9.99999974E-6 : f32
    %add3A_63 = vector.broadcast %add3A_62 : f32 to vector<10000x1xf32>
    %add3A_64 = arith.addf %div3A_59, %add3A_63 : vector<10000x1xf32>
    %sqrt3A = math.sqrt %add3A_64 : vector<10000x1xf32>
    %div3A_65 = vector.broadcast %sqrt3A : vector<10000x1xf32> to vector<10000x128xf32>
    %div3A_66 = arith.divf %sub3A_61, %div3A_65 : vector<10000x128xf32>
    %mul3A = vector.broadcast %get3A_45 : vector<1x128xf32> to vector<10000x128xf32>
    %mul3A_67 = arith.mulf %div3A_66, %mul3A : vector<10000x128xf32>
    %add3A_68 = vector.broadcast %get3A_48 : vector<1x128xf32> to vector<10000x128xf32>
    %add3A_69 = arith.addf %mul3A_67, %add3A_68 : vector<10000x128xf32>
    %get3A_70 = arith.constant 0 : index
    %get3A_71 = arith.constant 0 : index
    %get3A_72 = vector.load %arg8[%get3A_70, %get3A_71] : memref<256x128xf32, #tpu.memory_space<vmem>>, vector<256x128xf32>
    %dot_general3A_73 = arith.constant dense<0.000000e+00> : vector<10000x256xf32>
    %dot_general3A_74 = tpu.matmul %add3A_69, %get3A_72, %dot_general3A_73 {dimension_numbers = #tpu.dot_dimension_numbers<[1], [1], [0], [0], [0, 0, 1, 0], [], []>, transpose_lhs_hint = false} : vector<10000x128xf32>, vector<256x128xf32>, vector<10000x256xf32> -> vector<10000x256xf32>
    %get3A_75 = arith.constant 0 : index
    %get3A_76 = arith.constant 0 : index
    %get3A_77 = vector.load %arg9[%get3A_75, %get3A_76] : memref<1x256xf32, #tpu.memory_space<vmem>>, vector<1x256xf32>
    %add3A_78 = vector.broadcast %get3A_77 : vector<1x256xf32> to vector<10000x256xf32>
    %add3A_79 = arith.addf %dot_general3A_74, %add3A_78 : vector<10000x256xf32>
    %mul3A_80 = arith.constant 5.000000e-01 : f32
    %mul3A_81 = vector.broadcast %mul3A_80 : f32 to vector<10000x256xf32>
    %mul3A_82 = arith.mulf %mul3A_81, %add3A_79 : vector<10000x256xf32>
    %mul3A_83 = arith.constant 0.707106769 : f32
    %mul3A_84 = vector.broadcast %mul3A_83 : f32 to vector<10000x256xf32>
    %mul3A_85 = arith.mulf %add3A_79, %mul3A_84 : vector<10000x256xf32>
    %erf3A = math.erf %mul3A_85 : vector<10000x256xf32>
    %add3A_86 = arith.constant 1.000000e+00 : f32
    %add3A_87 = vector.broadcast %add3A_86 : f32 to vector<10000x256xf32>
    %add3A_88 = arith.addf %add3A_87, %erf3A : vector<10000x256xf32>
    %mul3A_89 = arith.mulf %mul3A_82, %add3A_88 : vector<10000x256xf32>
    %get3A_90 = arith.constant 0 : index
    %get3A_91 = arith.constant 0 : index
    %get3A_92 = vector.load %arg10[%get3A_90, %get3A_91] : memref<128x256xf32, #tpu.memory_space<vmem>>, vector<128x256xf32>
    %dot_general3A_93 = arith.constant dense<0.000000e+00> : vector<10000x128xf32>
    %dot_general3A_94 = tpu.matmul %mul3A_89, %get3A_92, %dot_general3A_93 {dimension_numbers = #tpu.dot_dimension_numbers<[1], [1], [0], [0], [0, 0, 1, 0], [], []>, transpose_lhs_hint = false} : vector<10000x256xf32>, vector<128x256xf32>, vector<10000x128xf32> -> vector<10000x128xf32>
    %get3A_95 = arith.constant 0 : index
    %get3A_96 = arith.constant 0 : index
    %get3A_97 = vector.load %arg11[%get3A_95, %get3A_96] : memref<1x128xf32, #tpu.memory_space<vmem>>, vector<1x128xf32>
    %add3A_98 = vector.broadcast %get3A_97 : vector<1x128xf32> to vector<10000x128xf32>
    %add3A_99 = arith.addf %dot_general3A_94, %add3A_98 : vector<10000x128xf32>
    %add3A_100 = arith.addf %add3A_69, %add3A_99 : vector<10000x128xf32>
    %get3A_101 = arith.constant 0 : index
    %get3A_102 = arith.constant 0 : index
    %get3A_103 = vector.load %arg12[%get3A_101, %get3A_102] : memref<1x128xf32, #tpu.memory_space<vmem>>, vector<1x128xf32>
    %get3A_104 = arith.constant 0 : index
    %get3A_105 = arith.constant 0 : index
    %get3A_106 = vector.load %arg13[%get3A_104, %get3A_105] : memref<1x128xf32, #tpu.memory_space<vmem>>, vector<1x128xf32>
    %reduce_sum3A_107 = arith.constant dense<0.000000e+00> : vector<10000xf32>
    %reduce_sum3A_108 = vector.multi_reduction <add>, %add3A_100, %reduce_sum3A_107 [1] : vector<10000x128xf32> to vector<10000xf32>
    %broadcast_in_dim3A_109 = vector.shape_cast %reduce_sum3A_108 : vector<10000xf32> to vector<10000x1xf32>
    %div3A_110 = arith.constant 1.280000e+02 : f32
    %div3A_111 = vector.broadcast %div3A_110 : f32 to vector<10000x1xf32>
    %div3A_112 = arith.divf %broadcast_in_dim3A_109, %div3A_111 : vector<10000x1xf32>
    %sub3A_113 = vector.broadcast %div3A_112 : vector<10000x1xf32> to vector<10000x128xf32>
    %sub3A_114 = arith.subf %add3A_100, %sub3A_113 : vector<10000x128xf32>
    %integer_pow3A_115 = arith.mulf %sub3A_114, %sub3A_114 : vector<10000x128xf32>
    %reduce_sum3A_116 = arith.constant dense<0.000000e+00> : vector<10000xf32>
    %reduce_sum3A_117 = vector.multi_reduction <add>, %integer_pow3A_115, %reduce_sum3A_116 [1] : vector<10000x128xf32> to vector<10000xf32>
    %broadcast_in_dim3A_118 = vector.shape_cast %reduce_sum3A_117 : vector<10000xf32> to vector<10000x1xf32>
    %div3A_119 = arith.constant 1.280000e+02 : f32
    %div3A_120 = vector.broadcast %div3A_119 : f32 to vector<10000x1xf32>
    %div3A_121 = arith.divf %broadcast_in_dim3A_118, %div3A_120 : vector<10000x1xf32>
    %sub3A_122 = vector.broadcast %div3A_112 : vector<10000x1xf32> to vector<10000x128xf32>
    %sub3A_123 = arith.subf %add3A_100, %sub3A_122 : vector<10000x128xf32>
    %add3A_124 = arith.constant 9.99999974E-6 : f32
    %add3A_125 = vector.broadcast %add3A_124 : f32 to vector<10000x1xf32>
    %add3A_126 = arith.addf %div3A_121, %add3A_125 : vector<10000x1xf32>
    %sqrt3A_127 = math.sqrt %add3A_126 : vector<10000x1xf32>
    %div3A_128 = vector.broadcast %sqrt3A_127 : vector<10000x1xf32> to vector<10000x128xf32>
    %div3A_129 = arith.divf %sub3A_123, %div3A_128 : vector<10000x128xf32>
    %mul3A_130 = vector.broadcast %get3A_103 : vector<1x128xf32> to vector<10000x128xf32>
    %mul3A_131 = arith.mulf %div3A_129, %mul3A_130 : vector<10000x128xf32>
    %add3A_132 = vector.broadcast %get3A_106 : vector<1x128xf32> to vector<10000x128xf32>
    %add3A_133 = arith.addf %mul3A_131, %add3A_132 : vector<10000x128xf32>
    %swap3A = arith.constant 0 : index
    %swap3A_134 = arith.constant 0 : index
    %swap3A_135 = vector.load %arg14[%swap3A, %swap3A_134] : memref<10000x128xf32, #tpu.memory_space<vmem>>, vector<10000x128xf32>
    tpu.vector_store %arg14[%swap3A, %swap3A_134], %add3A_133 {strides = array<i32>} : memref<10000x128xf32, #tpu.memory_space<vmem>>, vector<10000x128xf32>,
    return
  }
  func.func @transform_0(%arg0: i32) -> (i32, i32) {
    %c0_i32 = arith.constant 0 : i32
    %c0_i32_0 = arith.constant 0 : i32
    return %arg0, %c0_i32 : i32, i32
  }
  func.func @transform_1(%arg0: i32) -> (i32, i32, i32) {
    %c0_i32 = arith.constant 0 : i32
    %c0_i32_0 = arith.constant 0 : i32
    %c0_i32_1 = arith.constant 0 : i32
    return %c0_i32, %arg0, %c0_i32_0 : i32, i32, i32
  }
  func.func @transform_2(%arg0: i32) -> (i32, i32, i32) {
    %c0_i32 = arith.constant 0 : i32
    %c0_i32_0 = arith.constant 0 : i32
    %c0_i32_1 = arith.constant 0 : i32
    return %c0_i32, %arg0, %c0_i32_0 : i32, i32, i32
  }
  func.func @transform_3(%arg0: i32) -> (i32, i32) {
    %c0_i32 = arith.constant 0 : i32
    %c0_i32_0 = arith.constant 0 : i32
    %c0_i32_1 = arith.constant 0 : i32
    return %c0_i32, %c0_i32_0 : i32, i32
  }
  func.func @transform_4(%arg0: i32) -> (i32, i32) {
    %c0_i32 = arith.constant 0 : i32
    %c0_i32_0 = arith.constant 0 : i32
    %c0_i32_1 = arith.constant 0 : i32
    return %c0_i32, %c0_i32_0 : i32, i32
  }
  func.func @transform_5(%arg0: i32) -> (i32, i32) {
    %c0_i32 = arith.constant 0 : i32
    %c0_i32_0 = arith.constant 0 : i32
    %c0_i32_1 = arith.constant 0 : i32
    return %c0_i32, %c0_i32_0 : i32, i32
  }
  func.func @transform_6(%arg0: i32) -> (i32, i32) {
    %c0_i32 = arith.constant 0 : i32
    %c0_i32_0 = arith.constant 0 : i32
    %c0_i32_1 = arith.constant 0 : i32
    return %c0_i32, %c0_i32_0 : i32, i32
  }
  func.func @transform_7(%arg0: i32) -> (i32, i32) {
    %c0_i32 = arith.constant 0 : i32
    %c0_i32_0 = arith.constant 0 : i32
    %c0_i32_1 = arith.constant 0 : i32
    return %c0_i32, %c0_i32_0 : i32, i32
  }
  func.func @transform_8(%arg0: i32) -> (i32, i32) {
    %c0_i32 = arith.constant 0 : i32
    %c0_i32_0 = arith.constant 0 : i32
    %c0_i32_1 = arith.constant 0 : i32
    return %c0_i32, %c0_i32_0 : i32, i32
  }
  func.func @transform_9(%arg0: i32) -> (i32, i32) {
    %c0_i32 = arith.constant 0 : i32
    %c0_i32_0 = arith.constant 0 : i32
    %c0_i32_1 = arith.constant 0 : i32
    return %c0_i32, %c0_i32_0 : i32, i32
  }
  func.func @transform_10(%arg0: i32) -> (i32, i32) {
    %c0_i32 = arith.constant 0 : i32
    %c0_i32_0 = arith.constant 0 : i32
    %c0_i32_1 = arith.constant 0 : i32
    return %c0_i32, %c0_i32_0 : i32, i32
  }
  func.func @transform_11(%arg0: i32) -> (i32, i32) {
    %c0_i32 = arith.constant 0 : i32
    %c0_i32_0 = arith.constant 0 : i32
    %c0_i32_1 = arith.constant 0 : i32
    return %c0_i32, %c0_i32_0 : i32, i32
  }
  func.func @transform_12(%arg0: i32) -> (i32, i32) {
    %c0_i32 = arith.constant 0 : i32
    %c0_i32_0 = arith.constant 0 : i32
    %c0_i32_1 = arith.constant 0 : i32
    return %c0_i32, %c0_i32_0 : i32, i32
  }
  func.func @transform_13(%arg0: i32) -> (i32, i32) {
    %c0_i32 = arith.constant 0 : i32
    %c0_i32_0 = arith.constant 0 : i32
    return %arg0, %c0_i32 : i32, i32
  }
}

</mosaic_0001>

<sc_bundles>
// kernel: kernel.6.cloned.1.call-start
scs
__scs_entry_jumppad:
0x0: {  	(pc) =	sbr.rel $0x88, $3  }
0x1: {  	(tag) =	ssettag $0x0;
	lr =	simm.s32 $0x1  }
0x2: {  	[smem:$0x3F92] =	sst lr;
	_ =	strace $0xD0000000  }
0x3: {  	_ = 	snop  }
0x4: {  	_ = 	snop  }
0x5: {  	_ = 	snop  }
0x6: {  	_ = 	snop  }
0x7: {  	_ = 	snop  }
__scs_overlays_trampoline_lowered:
0x8: {  	[smem:$0x3FA1] =	sst s0  }
0x9: {  	[smem:$0x3FA2] =	sst s1  }
0xa: {  	[smem:$0x3FA3] =	sst s2  }
0xb: {  	[smem:$0x3FA4] =	sst s3  }
0xc: {  	[smem:$0x3FA5] =	sst s4  }
0xd: {  	[smem:$0x3FA6] =	sst s5  }
0xe: {  	[smem:$0x3FA7] =	sst s6  }
0xf: {  	[smem:$0x3FA8] =	sst s7  }
0x10: {  	[smem:$0x3FA9] =	sst s8  }
0x11: {  	[smem:$0x3FAA] =	sst s9;
	s0 =	simm.s32 @!p0 $0x0  }
0x12: {  	s1 =	sld [smem:$0x3F90];
	s0 =	simm.s32 @p0 $0x1  }
0x13: {  	[smem:$0x3FAB] =	sst s0;
	s0 =	simm.s32 @!p1 $0x0  }
0x14: {  	s2 =	sld [smem:$0x3F8F];
	s0 =	simm.s32 @p1 $0x1  }
0x15: {  	[smem:$0x3FAC] =	sst s0;
	s0 =	simm.s32 @!p2 $0x0  }
0x16: {  	s3 =	sld [smem:$0x3FDB];
	s0 =	simm.s32 @p2 $0x1  }
0x17: {  	s4 =	simm.s32 $0x1BF5;
	[smem:$0x3FAE] =	sst s0  }
0x18: {  	s0 =	sld [smem:$0x3F91];
	_ =	swait.ge [sflag:s4], $0x0  }
0x19: {  	s7 =	sld [smem:$0x3F92]  }
0x1a: {  	s8 =	sadd.s32 $0xFFFFE003, lr  }
0x1b: {  	s9 =	sadd.s32 $0xFFFFFEF7, lr;
	s5 =	simm.s32 $0xFFFFFFFF;
	p2 =	slt.u32 s8, $0xFFFFF086  }
0x1c: {  	p1 =	slt.u32 s9, $0xF7A;
	s5 =	simm.s32 @!p2 $0x0  }
0x1d: {  	s5 =	simm.s32 @p1 $0x1;
	p0 =	seq.s32 s7, s2  }
0x1e: {  	s7 =	smul.u32 @!p0 $0xF7A, s2;
	p2 =	seq.s32 @!p0 s5, $0x0  }
0x1f: {  	s9 =	smul.u32 $0xF7A, s1;
	s8 =	simm.s32 @!p0 $0x1BF5;
	p2 =	por !p2, p0  }
0x20: {  	[sflag:s8] =	ssyncset.s32 @!p0 $0xFFFFF086;
	s6 =	sadd.s32 @!p0 s3, s7;
	s7 =	simm.s32 @!p0 $0x108  }
0x21: {  	s3 =	sadd.s32 s3, s9;
	s6 =	sadd.s32 @!p0 $0x88, s6;
	s7 =	simm.s32 @p2 $0x1082  }
0x22: {  	[simem:s7], [sflag:s8] =	dma.local @!p0 [hbm:s6], $0xF7A  }
0x23: {  	s9 =	sor.u32 $0xD0000000, s2;
	s6 =	simm.s32 $0x108;
	_ =	swait.ge @!p0 [sflag:s8], $0x0  }
0x24: {  	s3 =	sadd.s32 $0x88, s3;
	s6 =	simm.s32 @!p1 $0x1082;
	[sflag:s4] =	ssyncset.s32 $0xFFFFF086  }
0x25: {  	[simem:s6], [sflag:s4] =	dma.local [hbm:s3], $0xF7A  }
0x26: {  	[smem:$0x3F92] =	sst s1;
	(tag) =	ssettag s2;
	_ =	strace s9  }
0x27: {  	s1 =	sld [smem:$0x3FA2]  }
0x28: {  	s2 =	sld [smem:$0x3FA3]  }
0x29: {  	s4 =	sld [smem:$0x3FA5]  }
0x2a: {  	p0 =	seq.s32 s5, $0x0;
	s5 =	sld [smem:$0x3FA6]  }
0x2b: {  	s6 =	sld [smem:$0x3FA7]  }
0x2c: {  	s7 =	sld [smem:$0x3FA8]  }
0x2d: {  	s3 =	simm.s32 $0x108;
	s8 =	sld [smem:$0x3FA9]  }
0x2e: {  	s3 =	simm.s32 @!p0 $0x1082;
	s9 =	sld [smem:$0x3FAA]  }
0x2f: {  	lr =	sadd.s32 s0, s3;
	s0 =	sld [smem:$0x3FA1]  }
0x30: {  	s3 =	sld [smem:$0x3FA4]  }
0x31: {  	[smem:$0x3FAD] =	sst s10  }
0x32: {  	s10 =	sld [smem:$0x3FAB];
	_ =	sdelay $0x3  }
0x33: {  	p0 =	seq.s32 s10, $0x1;
	s10 =	sld [smem:$0x3FAD];
	_ =	sdelay $0x3  }
0x34: {  	[smem:$0x3FAD] =	sst s10  }
0x35: {  	s10 =	sld [smem:$0x3FAC];
	_ =	sdelay $0x3  }
0x36: {  	p1 =	seq.s32 s10, $0x1;
	s10 =	sld [smem:$0x3FAD];
	_ =	sdelay $0x3  }
0x37: {  	[smem:$0x3FAD] =	sst s10  }
0x38: {  	s10 =	sld [smem:$0x3FAE]  }
0x39: {  	_ = 	snop;
	(pc) =	sbr.ind lr, $3  }
0x3a: {  	_ = 	snop  }
0x3b: {  	_ = 	snop  }
0x3c: {  	p2 =	seq.s32 s10, $0x1;
	s10 =	sld [smem:$0x3FAD]  }
0x3d: {  	_ =	shalt  }
0x3e: {  	_ =	shalt  }
0x3f: {  	_ =	shalt  }
0x40: {  	_ =	shalt  }
0x41: {  	_ =	shalt  }
0x42: {  	_ =	shalt  }
0x43: {  	_ =	shalt  }
0x44: {  	_ =	shalt  }
0x45: {  	_ =	shalt  }
0x46: {  	_ =	shalt  }
0x47: {  	_ =	shalt  }
0x48: {  	_ =	shalt  }
0x49: {  	_ =	shalt  }
0x4a: {  	_ =	shalt  }
0x4b: {  	_ =	shalt  }
0x4c: {  	_ =	shalt  }
0x4d: {  	_ =	shalt  }
0x4e: {  	_ =	shalt  }
0x4f: {  	_ =	shalt  }
0x50: {  	_ =	shalt  }
0x51: {  	_ =	shalt  }
0x52: {  	_ =	shalt  }
0x53: {  	_ =	shalt  }
0x54: {  	_ =	shalt  }
0x55: {  	_ =	shalt  }
0x56: {  	_ =	shalt  }
0x57: {  	_ =	shalt  }
0x58: {  	_ =	shalt  }
0x59: {  	_ =	shalt  }
0x5a: {  	_ =	shalt  }
0x5b: {  	_ =	shalt  }
0x5c: {  	_ =	shalt  }
0x5d: {  	_ =	shalt  }
0x5e: {  	_ =	shalt  }
0x5f: {  	_ =	shalt  }
0x60: {  	_ =	shalt  }
0x61: {  	_ =	shalt  }
0x62: {  	_ =	shalt  }
0x63: {  	_ =	shalt  }
0x64: {  	_ =	shalt  }
0x65: {  	_ =	shalt  }
0x66: {  	_ =	shalt  }
0x67: {  	_ =	shalt  }
0x68: {  	_ =	shalt  }
0x69: {  	_ =	shalt  }
0x6a: {  	_ =	shalt  }
0x6b: {  	_ =	shalt  }
0x6c: {  	_ =	shalt  }
0x6d: {  	_ =	shalt  }
0x6e: {  	_ =	shalt  }
0x6f: {  	_ =	shalt  }
0x70: {  	_ =	shalt  }
0x71: {  	_ =	shalt  }
0x72: {  	_ =	shalt  }
0x73: {  	_ =	shalt  }
0x74: {  	_ =	shalt  }
0x75: {  	_ =	shalt  }
0x76: {  	_ =	shalt  }
0x77: {  	_ =	shalt  }
0x78: {  	_ =	shalt  }
0x79: {  	_ =	shalt  }
0x7a: {  	_ =	shalt  }
0x7b: {  	_ =	shalt  }
0x7c: {  	_ =	shalt  }
0x7d: {  	_ =	shalt  }
0x7e: {  	_ =	shalt  }
0x7f: {  	_ =	shalt  }
0x80: {  	_ =	shalt  }
0x81: {  	_ =	shalt  }
0x82: {  	_ =	shalt  }
0x83: {  	_ =	shalt  }
0x84: {  	_ =	shalt  }
0x85: {  	_ =	shalt  }
0x86: {  	_ =	shalt  }
0x87: {  	_ =	shalt  }
.Lfunc_end0:
.L_simem_size_0:
called_computation_lowered:
.L_overlay_start_0:
0x88: {  	s2 =	sld [smem:$0x3FD9]  }
0x89: {  	s3 =	sld [smem:$0x3FFE];
	_ =	sdelay $0x1  }
0x8a: {  	s1 =	srdreg.scid  }
0x8b: {  	s0 =	sand.u32 $0x1, s1  }
0x8c: {  	s17 =	sshll.u32 s0, $0xA;
	s2 =	sadd.s32 s3, s2  }
0x8d: {  	s2 =	sadd.s32 s2, s17  }
0x8e: {  	[smem:$0x3FB9] =	sst s2  }
0x8f: {  	_ = 	snop  }
0x90: {  	s2 =	sld [smem:$0x3FD0];
	(tm) =	ssettm $0x1  }
0x91: {  	s18 =	sld [smem:$0x3FFB];
	_ =	sdelay $0x3  }
0x92: {  	_ =	strace s18  }
0x93: {  	s3 =	sld [smem:$0x3FFC];
	_ =	sdelay $0x3  }
0x94: {  	_ =	strace s3  }
0x95: {  	s3 =	sld [smem:$0x3FFD];
	_ =	sdelay $0x3  }
0x96: {  	_ =	strace s3  }
0x97: {  	_ =	strace $0x8FFFFFFF  }
0x98: {  	s19 =	sld [smem:$0x3FDB];
	_ =	sdelay $0x1  }
0x99: {  	s4 =	simm.s32 $_scs_section_size  }
0x9a: {  	s5 =	simm.s32 $_size__tile_overlayer_lowered;
	s6 =	simm.s32 $_tile_overlayer_lowered  }
0x9b: {  	s22 =	simm.s32 $0x1BFF;
	s21 =	sshll.u32 s6, $0x1;
	s3 =	sadd.s32 s4, s19  }
0x9c: {  	s7 =	simm.s32 $0x0;
	s20 =	sshll.u32 s5, $0x1;
	s5 =	sadd.s32 s21, s3  }
0x9d: {  	[timem:s7], [sflag:s22] =	dma.local [hbm:s5], s20  }
0x9e: {  	_ =	swait.ge [sflag:s22], s20  }
0x9f: {  	s4 =	ssub.s32 $0x0, s20;
	[sflag:s22] =	ssyncset.done $0x0  }
0xa0: {  	[sflag:s22] =	ssyncadd.s32 s4;
	_ =	sdelay $0x1  }
0xa1: {  	s23 =	simm.s32 $0x1B8B  }
0xa2: {  	_ =	swait.ge [sflag:s23], $0x1  }
0xa3: {  	[sflag:s23] =	ssyncset.done $0x0  }
0xa4: {  	s25 =	simm.s32 $0x1B8E;
	s24 =	sld [smem:$0x3FFE];
	[sflag:s23] =	ssyncadd.s32 $0xFFFFFFFF  }
0xa5: {  	s26 =	simm.s32 $execute0_lowered;
	[smem:$0x3FD2] =	sst s25  }
0xa6: {  	s5 =	sshll.u32 s26, $0x1;
	_ =	strace $0x80000046;
	[dreg:$0x1] =	wrdreg $0xFFFFFFFF  }
0xa7: {  	s28 =	simm.s32 $_size_execute0_lowered;
	s3 =	sadd.s32 s3, s5;
	[dreg:$0x0] =	wrdreg $0x0  }
0xa8: {  	s5 =	sshll.u32 s28, $0x1;
	[dreg:$0x2] =	wrdreg s3  }
0xa9: {  	[dreg:$0x3] =	wrdreg s5  }
0xaa: {  	[dreg:$0x4] =	wrdreg $0xC0  }
0xab: {  	_ =	task [dreg:s7], $0x5FFFF  }
0xac: {  	[dreg:$0x1] =	wrdreg $0xFFFFFFFF  }
0xad: {  	[dreg:$0x0] =	wrdreg $0x60  }
0xae: {  	[dreg:$0x2] =	wrdreg s24  }
0xaf: {  	[dreg:$0x3] =	wrdreg s2  }
0xb0: {  	[dreg:$0x4] =	wrdreg $0xB8800  }
0xb1: {  	[dreg:$0x5] =	wrdreg $0x1F1000  }
0xb2: {  	[dreg:$0x6] =	wrdreg $0x9  }
0xb3: {  	_ =	task.clear_ibuf [dreg:s7], $0x7FFFF;
	_ =	strace $0x90000046  }
0xb4: {  	s29 =	simm.s32 $0x9;
	_ =	strace $0x80000048  }
0xb5: {  	_ =	swait.ge [sflag:s29], $0x1  }
0xb6: {  	[sflag:s29] =	ssyncadd.s32 $0xFFFFFFFF  }
0xb7: {  	_ =	strace $0x90000048  }
0xb8: {  	_ =	sfence  }
0xb9: {  	s30 =	sld [smem:$0x0];
	_ =	sdelay $0x2  }
0xba: {  	s31 =	sshll.u32 s1, $0xD;
	s1 =	sshrl.u32 s1, $0x2  }
0xbb: {  	s3 =	sand.u32 $0x4000, s31;
	s1 =	sadd.s32 s1, s30  }
0xbc: {  	s0 =	sor.u32 s3, s0;
	s1 =	sshll.u32 s1, $0x11  }
0xbd: {  	s0 =	sor.u32 s1, s0  }
0xbe: {  	s0 =	sadd.s32 $0x8F2B, s0  }
0xbf: {  	[sflag:s0] =	ssyncadd.remote.s32 $0x1  }
0xc0: {  	_ =	sfence.sel $0xFFFF  }
0xc1: {  	[dreg:$0x0] =	wrdreg $0xFFFFFFFF;
	(pc) =	sbr.abs _section_cstart, $3  }
0xc2: {  	[dreg:$0x1] =	wrdreg $0xFFFFFFFF  }
0xc3: {  	_ =	task.clear_ibuf [dreg:s7], $0x2FFFF;
	_ =	strace $0x9FFFFFFF  }
0xc4: {  	(tm) =	ssettm $0x7FFFFFFF  }
0xc5: {  	_ =	shalt  }
tec
execute0_lowered:
.L_overlay_start_1:
0x0: {  	(tag) =	ssettag $0x1  }
0x1: {  	s1 =	rddreg [dreg:$0x0]  }
0x2: {  	s0 =	srdreg.scid;
	s6 =	rddreg [dreg:$0x1]  }
0x3: {  	s13 =	stileid.u32;
	s2 =	rddreg [dreg:$0x2];
	s28 =	simm.s32 $0x3000  }
0x4: {  	s29 =	simm.s32 $0x50;
	s30 =	simm.s32 $0x4000;
	s9 =	smul.u32 $0x1F400, s13  }
0x5: {  	s31 =	simm.s32 $0x0;
	s0 =	sand.u32 $0x1, s0;
	s15 =	smul.u32 $0x7D000, s13  }
0x6: {  	s11 =	sadd.s32 $0xC7600, s1;
	s12 =	sadd.s32 $0xC7000, s1;
	s7 =	smul.u32 $0x138800, s0  }
0x7: {  	p0 =	sgt.u32 s13, $0x9;
	s3 =	sshll.u32 s0, $0x4;
	s14 =	smul.u32 $0x4F0, s0  }
0x8: {  	s0 =	ssub.s32 $0x2, s0;
	p2 =	sne.s32 @!p0 s13, $0x0;
	s4 =	sor.u32 s13, s3  }
0x9: {  	s3 =	rddreg [dreg:$0x3];
	s16 =	sshrl.u32 s0, $0x1;
	s17 =	sshrl.u32 s15, $0x2  }
0xa: {  	p1 =	por p2, p0;
	p2 =	por !p2, p0;
	s5 =	smul.u32 $0x5000, s4  }
0xb: {  	s4 =	simm.s32 $0x0;
	s7 =	sadd.s32 s9, s7;
	s0 =	ssub.s32 s0, s16  }
0xc: {  	s9 =	sadd.s32 s17, s2;
	s16 =	simm.s32 $0x2B00;
	[smem:$0x7FF] =	sst s4  }
0xd: {  	s7 =	sshrl.u32 s7, $0x3;
	_ =	strace $0x80000047;
	[dreg:$0x5] =	wrdreg s11  }
0xe: {  	s0 =	smax.u32 s0, $0x1;
	s8 =	sshrl.u32 s5, $0x3;
	[dreg:$0x6] =	wrdreg s12  }
0xf: {  	s7 =	sadd.s32 s7, s1;
	[dreg:$0x13] =	wrdreg s0;
	s6 =	sadd.s32 s6, s8  }
0x10: {  	s10 =	sadd.s32 s8, s1;
	s26 =	sadd.s32 $0xCC000, s7;
	[dreg:$0x7] =	wrdreg s6  }
0x11: {  	s17 =	simm.s32 $0x2B80;
	s18 =	sadd.s32 $0x16C00, s10;
	[dreg:$0x11] =	wrdreg s26  }
0x12: {  	s5 =	sadd.s32 $0x2AC00, s1;
	s19 =	sadd.s32 $0x200, s6;
	[dreg:$0x8] =	wrdreg s18  }
0x13: {  	s0 =	sshll.u32 @!p0 s13, $0x6;
	s20 =	sadd.s32 $0x16E00, s10;
	[dreg:$0x9] =	wrdreg s19  }
0x14: {  	s11 =	simm.s32 $0x2;
	s21 =	sadd.s32 $0x400, s6;
	[dreg:$0xa] =	wrdreg s20  }
0x15: {  	s12 =	simm.s32 $0x5;
	s22 =	sadd.s32 $0x17000, s10;
	[dreg:$0xb] =	wrdreg s21  }
0x16: {  	s13 =	simm.s32 $0x3;
	s23 =	sadd.s32 $0x600, s6;
	[dreg:$0xc] =	wrdreg s22  }
0x17: {  	s1 =	sadd.s32 s14, s1;
	s24 =	sadd.s32 $0x17200, s10;
	[dreg:$0xd] =	wrdreg s23  }
0x18: {  	s7 =	simm.s32 $0x1;
	s6 =	sadd.s32 $0x800, s6;
	[dreg:$0xe] =	wrdreg s24  }
0x19: {  	s14 =	simm.s32 $0x6;
	s25 =	sadd.s32 $0x17400, s10;
	[dreg:$0xf] =	wrdreg s6  }
0x1a: {  	s8 =	simm.s32 $0x3C00;
	s1 =	sadd.s32 $0xCB600, s1;
	[dreg:$0x10] =	wrdreg s25  }
0x1b: {  	s10 =	simm.s32 $0x4;
	[dreg:$0x12] =	wrdreg s1;
	s21 =	sor.u32 @!p0 $0x1C09, s0  }
0x1c: {  	s22 =	sshrl.u32 @!p0 s9, $0x3;
	s0 =	sshrl.u32 @!p1 s3, $0x3;
	s24 =	simm.s32 $0x2000  }
0x1d: {  	s25 =	simm.s32 $0x8;
	s1 =	simm.s32 $0x6800;
	s6 =	simm.s32 $0x9000  }
0x1e: {  	s9 =	simm.s32 $0xB800;
	s18 =	simm.s32 $0x2C00;
	s19 =	simm.s32 $0x7  }
0x1f: {  	v0 =	vimm.f32 $1.000000000e+00;
	s23 =	simm.s32 $0x3B00;
	s20 =	simm.s32 $0x3B80;
	[dreg:$0x14] =	wrdreg s0  }
.LBB2_1:
0x20: {  	s0 =	rddreg [dreg:$0x5]  }
0x21: {  	[spmem:s22], [sflag:s21] =	dma.local @!p0 [hbm:s0], $0x3E80  }
0x22: {  	s0 =	simm.s32 @!p0 $0x9  }
0x23: {  	_ =	swait.ge @!p0 [sflag:s0], $0x3E80  }
0x24: {  	[sflag:s0] =	ssyncset.done @!p0 $0x0;
	s15 =	rddreg [dreg:$0x6]  }
0x25: {  	s26 =	rddreg [dreg:$0x14];
	[sflag:s0] =	ssyncadd.s32 @!p0 $0xFFFFC180;
	s0 =	simm.s32 @!p1 $0x1C09  }
0x26: {  	[spmem:s26], [sflag:s0] =	dma.local @!p1 [hbm:s15], $0x4F0  }
0x27: {  	s0 =	simm.s32 @!p1 $0x9  }
0x28: {  	_ =	swait.ge @!p1 [sflag:s0], $0x4F0  }
0x29: {  	[sflag:s0] =	ssyncset.done @!p1 $0x0  }
0x2a: {  	[sflag:s0] =	ssyncadd.s32 @!p1 $0xFFFFFB10  }
0x2b: {  	[tilespmem:$0xB800] =	vst v0  }
0x2c: {  	[tilespmem:$0xB810] =	vst v0  }
0x2d: {  	[tilespmem:$0xB820] =	vst v0  }
0x2e: {  	[tilespmem:$0xB830] =	vst v0  }
0x2f: {  	[tilespmem:$0xB840] =	vst v0  }
0x30: {  	[bflag:$0x0] =	sbarrier.arrive $0xFFFF  }
0x31: {  	s15 =	rddreg [dreg:$0x7]  }
0x32: {  	[tilespmem:s4], [sflag:$0x8] =	stream.linear.gather [hbm4b:s15+s4], $0xC80, $0x38;
	[tilespmem:$0x1F378] =	vst v63  }
0x33: {  	s26 =	rddreg [dreg:$0x8]  }
0x34: {  	[tilespmem:s24], [sflag:$0x8] =	stream.linear.gather [hbm4b:s26+s4], $0xC80, $0x38;
	[tilespmem:$0x1F378] =	vst v63  }
0x35: {  	_ =	swait.ge [sflag:s25], $0xC80  }
0x36: {  	[sflag:s25] =	ssyncset.done $0x0  }
0x37: {  	[sflag:s25] =	ssyncadd.s32 $0xFFFFF380  }
0x38: {  	_ =	swait.ge [sflag:s25], $0xC80  }
0x39: {  	[sflag:s25] =	ssyncset.done $0x0  }
0x3a: {  	s26 =	simm.s32 $0x1000;
	s15 =	rddreg [dreg:$0x9];
	[sflag:s25] =	ssyncadd.s32 $0xFFFFF380  }
0x3b: {  	[tilespmem:s26], [sflag:$0x8] =	stream.linear.gather [hbm4b:s15+s4], $0xC80, $0x38;
	[tilespmem:$0x1F378] =	vst v63  }
0x3c: {  	s15 =	rddreg [dreg:$0xa]  }
0x3d: {  	[tilespmem:s28], [sflag:$0x8] =	stream.linear.gather [hbm4b:s15+s4], $0xC80, $0x38;
	[tilespmem:$0x1F378] =	vst v63  }
0x3e: {  	_ = 	snop  }
0x3f: {  	[tilespmem:s30], [sflag:$0x1] =	stream.indirect.gather [hbm4b:s5+s29], $0x80, s4, s29, $0xb8;
	[tilespmem:$0x1F378] =	vst v63  }
0x40: {  	s26 =	simm.s32 $0x80  }
0x41: {  	[tilespmem:s1], [sflag:$0x2] =	stream.indirect.gather [hbm4b:s5+s29], $0x80, s26, s29, $0xb8;
	[tilespmem:$0x1F378] =	vst v63  }
0x42: {  	s15 =	simm.s32 $0x100  }
0x43: {  	[tilespmem:s6], [sflag:$0x3] =	stream.indirect.gather [hbm4b:s5+s29], $0x80, s15, s29, $0xb8;
	[tilespmem:$0x1F378] =	vst v63  }
0x44: {  	_ =	swait.ge [sflag:s7], $0x2800  }
0x45: {  	[sflag:s7] =	ssyncset.done $0x0  }
0x46: {  	[sflag:s7] =	ssyncadd.s32 $0xFFFFD800  }
0x47: {  	[spmem:s2] =	stream.indirect.scatter.add.f32 [tilespmem:s30], [sflag:$0x4], $0x80, s24, s29, $0xb8;
	[tilespmem:$0x1F378] =	vst v63  }
0x48: {  	_ = 	snop  }
0x49: {  	[spmem:s3] =	stream.indirect.scatter.add.f32 [tilespmem:s9], [sflag:$0x7], $0x1, s24, s29, $0xb8;
	[tilespmem:$0x1F378] =	vst v63  }
0x4a: {  	_ =	swait.ge [sflag:s10], $0x2800  }
0x4b: {  	[sflag:s10] =	ssyncset.done $0x0  }
0x4c: {  	s26 =	simm.s32 $0x180;
	[sflag:s10] =	ssyncadd.s32 $0xFFFFD800  }
0x4d: {  	[tilespmem:s30], [sflag:$0x1] =	stream.indirect.gather [hbm4b:s5+s29], $0x80, s26, s29, $0xb8;
	[tilespmem:$0x1F378] =	vst v63  }
0x4e: {  	_ =	swait.ge [sflag:s11], $0x2800  }
0x4f: {  	[sflag:s11] =	ssyncset.done $0x0  }
0x50: {  	s15 =	simm.s32 $0x2080;
	[sflag:s11] =	ssyncadd.s32 $0xFFFFD800  }
0x51: {  	[spmem:s2] =	stream.indirect.scatter.add.f32 [tilespmem:s1], [sflag:$0x5], $0x80, s15, s29, $0xb8;
	[tilespmem:$0x1F378] =	vst v63  }
0x52: {  	_ = 	snop  }
0x53: {  	[spmem:s3] =	stream.indirect.scatter.add.f32 [tilespmem:s9], [sflag:$0x7], $0x1, s15, s29, $0xb8;
	[tilespmem:$0x1F378] =	vst v63  }
0x54: {  	_ =	swait.ge [sflag:s12], $0x2800  }
0x55: {  	[sflag:s12] =	ssyncset.done $0x0  }
0x56: {  	s26 =	simm.s32 $0x200;
	[sflag:s12] =	ssyncadd.s32 $0xFFFFD800  }
0x57: {  	[tilespmem:s1], [sflag:$0x2] =	stream.indirect.gather [hbm4b:s5+s29], $0x80, s26, s29, $0xb8;
	[tilespmem:$0x1F378] =	vst v63  }
0x58: {  	_ =	swait.ge [sflag:s13], $0x2800  }
0x59: {  	[sflag:s13] =	ssyncset.done $0x0  }
0x5a: {  	s15 =	simm.s32 $0x2100;
	[sflag:s13] =	ssyncadd.s32 $0xFFFFD800  }
0x5b: {  	[spmem:s2] =	stream.indirect.scatter.add.f32 [tilespmem:s6], [sflag:$0x6], $0x80, s15, s29, $0xb8;
	[tilespmem:$0x1F378] =	vst v63  }
0x5c: {  	_ = 	snop  }
0x5d: {  	[spmem:s3] =	stream.indirect.scatter.add.f32 [tilespmem:s9], [sflag:$0x7], $0x1, s15, s29, $0xb8;
	[tilespmem:$0x1F378] =	vst v63  }
0x5e: {  	_ =	swait.ge [sflag:s14], $0x2800  }
0x5f: {  	p3 =	por @!p0 $0x0, $0x0;
	[sflag:s14] =	ssyncset.done $0x0  }
0x60: {  	p4 =	por @!p1 $0x1, $0x1;
	s26 =	simm.s32 $0x280;
	[sflag:s14] =	ssyncadd.s32 $0xFFFFD800  }
0x61: {  	[tilespmem:s6], [sflag:$0x3] =	stream.indirect.gather [hbm4b:s5+s29], $0x80, s26, s29, $0xb8;
	[tilespmem:$0x1F378] =	vst v63  }
0x62: {  	p4 =	por @!p2 p3, p3;
	p3 =	por $0x0, $0x0;
	_ =	swait.ge [sflag:s7], $0x2800  }
0x63: {  	p3 =	por @!p0 p4, p4;
	[sflag:s7] =	ssyncset.done $0x0  }
0x64: {  	s0 =	simm.s32 $0x600;
	s15 =	simm.s32 $0x2180;
	[sflag:s7] =	ssyncadd.s32 $0xFFFFD800  }
0x65: {  	[spmem:s2] =	stream.indirect.scatter.add.f32 [tilespmem:s30], [sflag:$0x4], $0x80, s15, s29, $0xb8;
	[tilespmem:$0x1F378] =	vst v63  }
.LBB2_2:
0x66: {  	[spmem:s3] =	stream.indirect.scatter.add.f32 [tilespmem:s9], [sflag:$0x7], $0x1, s15, s29, $0xb8;
	[tilespmem:$0x1F378] =	vst v63  }
0x67: {  	s15 =	smov.u32 s0  }
0x68: {  	p4 =	sne.s32 s0, $0x2400;
	s0 =	sadd.s32 $0x600, s0;
	_ =	swait.ge [sflag:s10], $0x2800  }
0x69: {  	s15 =	sshra.s32 s15, $0x2;
	[sflag:s10] =	ssyncset.done $0x0  }
0x6a: {  	s26 =	sadd.s32 $0x180, s15;
	[sflag:s10] =	ssyncadd.s32 $0xFFFFD800  }
0x6b: {  	[tilespmem:s30], [sflag:$0x1] =	stream.indirect.gather [hbm4b:s5+s29], $0x80, s26, s29, $0xb8;
	[tilespmem:$0x1F378] =	vst v63  }
0x6c: {  	_ =	swait.ge [sflag:s11], $0x2800  }
0x6d: {  	[sflag:s11] =	ssyncset.done $0x0  }
0x6e: {  	s26 =	sadd.s32 $0x2080, s15;
	[sflag:s11] =	ssyncadd.s32 $0xFFFFD800  }
0x6f: {  	[spmem:s2] =	stream.indirect.scatter.add.f32 [tilespmem:s1], [sflag:$0x5], $0x80, s26, s29, $0xb8;
	[tilespmem:$0x1F378] =	vst v63  }
0x70: {  	_ = 	snop  }
0x71: {  	[spmem:s3] =	stream.indirect.scatter.add.f32 [tilespmem:s9], [sflag:$0x7], $0x1, s26, s29, $0xb8;
	[tilespmem:$0x1F378] =	vst v63  }
0x72: {  	_ =	swait.ge [sflag:s12], $0x2800  }
0x73: {  	[sflag:s12] =	ssyncset.done $0x0  }
0x74: {  	s26 =	sadd.s32 $0x200, s15;
	[sflag:s12] =	ssyncadd.s32 $0xFFFFD800  }
0x75: {  	[tilespmem:s1], [sflag:$0x2] =	stream.indirect.gather [hbm4b:s5+s29], $0x80, s26, s29, $0xb8;
	[tilespmem:$0x1F378] =	vst v63  }
0x76: {  	_ =	swait.ge [sflag:s13], $0x2800  }
0x77: {  	[sflag:s13] =	ssyncset.done $0x0  }
0x78: {  	s26 =	sadd.s32 $0x2100, s15;
	[sflag:s13] =	ssyncadd.s32 $0xFFFFD800  }
0x79: {  	[spmem:s2] =	stream.indirect.scatter.add.f32 [tilespmem:s6], [sflag:$0x6], $0x80, s26, s29, $0xb8;
	[tilespmem:$0x1F378] =	vst v63  }
0x7a: {  	_ = 	snop  }
0x7b: {  	[spmem:s3] =	stream.indirect.scatter.add.f32 [tilespmem:s9], [sflag:$0x7], $0x1, s26, s29, $0xb8;
	[tilespmem:$0x1F378] =	vst v63  }
0x7c: {  	_ =	swait.ge [sflag:s14], $0x2800  }
0x7d: {  	[sflag:s14] =	ssyncset.done $0x0  }
0x7e: {  	s26 =	sadd.s32 $0x280, s15;
	[sflag:s14] =	ssyncadd.s32 $0xFFFFD800  }
0x7f: {  	[tilespmem:s6], [sflag:$0x3] =	stream.indirect.gather [hbm4b:s5+s29], $0x80, s26, s29, $0xb8;
	[tilespmem:$0x1F378] =	vst v63  }
.Ltmp0:
0x80: {  	_ = 	snop;
	(pc) =	sbr.rel @p4 .LBB2_2-.Ltmp0, $4  }
0x81: {  	_ =	swait.ge [sflag:s7], $0x2800  }
0x82: {  	[sflag:s7] =	ssyncset.done $0x0  }
0x83: {  	s15 =	sadd.s32 $0x2180, s15;
	[sflag:s7] =	ssyncadd.s32 $0xFFFFD800  }
0x84: {  	[spmem:s2] =	stream.indirect.scatter.add.f32 [tilespmem:s30], [sflag:$0x4], $0x80, s15, s29, $0xb8;
	[tilespmem:$0x1F378] =	vst v63  }
0x85: {  	[spmem:s3] =	stream.indirect.scatter.add.f32 [tilespmem:s9], [sflag:$0x7], $0x1, s15, s29, $0xb8;
	[tilespmem:$0x1F378] =	vst v63  }
0x86: {  	_ =	swait.ge [sflag:s10], $0x2800  }
0x87: {  	[sflag:s10] =	ssyncset.done $0x0  }
0x88: {  	s0 =	simm.s32 $0xC00;
	[sflag:s10] =	ssyncadd.s32 $0xFFFFD800  }
0x89: {  	[tilespmem:s30], [sflag:$0x1] =	stream.indirect.gather [hbm4b:s5+s29], $0x80, s0, s29, $0xb8;
	[tilespmem:$0x1F378] =	vst v63  }
0x8a: {  	_ =	swait.ge [sflag:s11], $0x2800  }
0x8b: {  	[sflag:s11] =	ssyncset.done $0x0  }
0x8c: {  	[sflag:s11] =	ssyncadd.s32 $0xFFFFD800  }
0x8d: {  	[spmem:s2] =	stream.indirect.scatter.add.f32 [tilespmem:s1], [sflag:$0x5], $0x80, s16, s29, $0xb8;
	[tilespmem:$0x1F378] =	vst v63  }
0x8e: {  	_ = 	snop  }
0x8f: {  	[spmem:s3] =	stream.indirect.scatter.add.f32 [tilespmem:s9], [sflag:$0x7], $0x1, s16, s29, $0xb8;
	[tilespmem:$0x1F378] =	vst v63  }
0x90: {  	_ =	swait.ge [sflag:s12], $0x2800  }
0x91: {  	[sflag:s12] =	ssyncset.done $0x0  }
0x92: {  	[sflag:s12] =	ssyncadd.s32 $0xFFFFD800  }
0x93: {  	_ =	swait.ge [sflag:s13], $0x2800  }
0x94: {  	[sflag:s13] =	ssyncset.done $0x0  }
0x95: {  	[sflag:s13] =	ssyncadd.s32 $0xFFFFD800  }
0x96: {  	[spmem:s2] =	stream.indirect.scatter.add.f32 [tilespmem:s6], [sflag:$0x6], $0x80, s17, s29, $0xb8;
	[tilespmem:$0x1F378] =	vst v63  }
0x97: {  	_ = 	snop  }
0x98: {  	[spmem:s3] =	stream.indirect.scatter.add.f32 [tilespmem:s9], [sflag:$0x7], $0x1, s17, s29, $0xb8;
	[tilespmem:$0x1F378] =	vst v63  }
0x99: {  	_ =	swait.ge [sflag:s14], $0x2800  }
0x9a: {  	[sflag:s14] =	ssyncset.done $0x0  }
0x9b: {  	[sflag:s14] =	ssyncadd.s32 $0xFFFFD800  }
0x9c: {  	_ =	swait.ge [sflag:s7], $0x2800  }
0x9d: {  	[sflag:s7] =	ssyncset.done $0x0  }
0x9e: {  	[sflag:s7] =	ssyncadd.s32 $0xFFFFD800  }
0x9f: {  	[spmem:s2] =	stream.indirect.scatter.add.f32 [tilespmem:s30], [sflag:$0x4], $0x80, s18, s29, $0xb8;
	[tilespmem:$0x1F378] =	vst v63  }
0xa0: {  	_ = 	snop  }
0xa1: {  	[spmem:s3] =	stream.indirect.scatter.add.f32 [tilespmem:s9], [sflag:$0x7], $0x1, s18, s29, $0xb8;
	[tilespmem:$0x1F378] =	vst v63  }
0xa2: {  	_ =	swait.ge [sflag:s10], $0x2800  }
0xa3: {  	[sflag:s10] =	ssyncset.done $0x0  }
0xa4: {  	[sflag:s10] =	ssyncadd.s32 $0xFFFFD800  }
0xa5: {  	_ =	swait.ge [sflag:s19], $0x50  }
0xa6: {  	[sflag:s19] =	ssyncset.done $0x0  }
0xa7: {  	[sflag:s19] =	ssyncadd.s32 $0xFFFFFFB0  }
0xa8: {  	_ =	swait.ge [sflag:s19], $0x50  }
0xa9: {  	[sflag:s19] =	ssyncset.done $0x0  }
0xaa: {  	[sflag:s19] =	ssyncadd.s32 $0xFFFFFFB0  }
0xab: {  	_ =	swait.ge [sflag:s19], $0x50  }
0xac: {  	[sflag:s19] =	ssyncset.done $0x0  }
0xad: {  	[sflag:s19] =	ssyncadd.s32 $0xFFFFFFB0  }
0xae: {  	_ =	swait.ge [sflag:s19], $0x50  }
0xaf: {  	[sflag:s19] =	ssyncset.done $0x0  }
0xb0: {  	[sflag:s19] =	ssyncadd.s32 $0xFFFFFFB0  }
0xb1: {  	_ =	swait.ge [sflag:s19], $0x50  }
0xb2: {  	[sflag:s19] =	ssyncset.done $0x0  }
0xb3: {  	[sflag:s19] =	ssyncadd.s32 $0xFFFFFFB0  }
0xb4: {  	_ =	swait.ge [sflag:s19], $0x50  }
0xb5: {  	[sflag:s19] =	ssyncset.done $0x0  }
0xb6: {  	[sflag:s19] =	ssyncadd.s32 $0xFFFFFFB0  }
0xb7: {  	_ =	swait.ge [sflag:s19], $0x50  }
0xb8: {  	[sflag:s19] =	ssyncset.done $0x0  }
0xb9: {  	[sflag:s19] =	ssyncadd.s32 $0xFFFFFFB0  }
0xba: {  	_ =	swait.ge [sflag:s19], $0x50  }
0xbb: {  	[sflag:s19] =	ssyncset.done $0x0  }
0xbc: {  	[sflag:s19] =	ssyncadd.s32 $0xFFFFFFB0  }
0xbd: {  	_ =	swait.ge [sflag:s19], $0x50  }
0xbe: {  	[sflag:s19] =	ssyncset.done $0x0  }
0xbf: {  	[sflag:s19] =	ssyncadd.s32 $0xFFFFFFB0  }
0xc0: {  	_ =	swait.ge [sflag:s19], $0x50  }
0xc1: {  	[sflag:s19] =	ssyncset.done $0x0  }
0xc2: {  	[sflag:s19] =	ssyncadd.s32 $0xFFFFFFB0  }
0xc3: {  	_ =	swait.ge [sflag:s19], $0x50  }
0xc4: {  	[sflag:s19] =	ssyncset.done $0x0  }
0xc5: {  	[sflag:s19] =	ssyncadd.s32 $0xFFFFFFB0  }
0xc6: {  	_ =	swait.ge [sflag:s19], $0x50  }
0xc7: {  	[sflag:s19] =	ssyncset.done $0x0  }
0xc8: {  	[sflag:s19] =	ssyncadd.s32 $0xFFFFFFB0  }
0xc9: {  	_ =	swait.ge [sflag:s19], $0x50  }
0xca: {  	[sflag:s19] =	ssyncset.done $0x0  }
0xcb: {  	[sflag:s19] =	ssyncadd.s32 $0xFFFFFFB0  }
0xcc: {  	_ =	swait.ge [sflag:s19], $0x50  }
0xcd: {  	[sflag:s19] =	ssyncset.done $0x0  }
0xce: {  	[sflag:s19] =	ssyncadd.s32 $0xFFFFFFB0  }
0xcf: {  	_ =	swait.ge [sflag:s19], $0x50  }
0xd0: {  	[sflag:s19] =	ssyncset.done $0x0  }
0xd1: {  	[sflag:s19] =	ssyncadd.s32 $0xFFFFFFB0  }
0xd2: {  	_ =	swait.ge [sflag:s19], $0x50  }
0xd3: {  	[sflag:s19] =	ssyncset.done $0x0  }
0xd4: {  	[sflag:s19] =	ssyncadd.s32 $0xFFFFFFB0  }
0xd5: {  	_ =	swait.ge [sflag:s19], $0x50  }
0xd6: {  	[sflag:s19] =	ssyncset.done $0x0  }
0xd7: {  	[sflag:s19] =	ssyncadd.s32 $0xFFFFFFB0  }
0xd8: {  	_ =	swait.ge [sflag:s19], $0x50  }
0xd9: {  	[sflag:s19] =	ssyncset.done $0x0  }
0xda: {  	[sflag:s19] =	ssyncadd.s32 $0xFFFFFFB0  }
0xdb: {  	_ =	swait.ge [sflag:s19], $0x50  }
0xdc: {  	[sflag:s19] =	ssyncset.done $0x0  }
0xdd: {  	[sflag:s19] =	ssyncadd.s32 $0xFFFFFFB0  }
0xde: {  	_ =	swait.ge [sflag:s19], $0x50  }
0xdf: {  	[sflag:s19] =	ssyncset.done $0x0  }
0xe0: {  	[sflag:s19] =	ssyncadd.s32 $0xFFFFFFB0  }
0xe1: {  	_ =	swait.ge [sflag:s19], $0x50  }
0xe2: {  	[sflag:s19] =	ssyncset.done $0x0  }
0xe3: {  	[sflag:s19] =	ssyncadd.s32 $0xFFFFFFB0  }
0xe4: {  	_ =	swait.ge [sflag:s19], $0x50  }
0xe5: {  	[sflag:s19] =	ssyncset.done $0x0  }
0xe6: {  	[sflag:s19] =	ssyncadd.s32 $0xFFFFFFB0  }
0xe7: {  	_ =	swait.ge [sflag:s19], $0x50  }
0xe8: {  	[sflag:s19] =	ssyncset.done $0x0  }
0xe9: {  	[sflag:s19] =	ssyncadd.s32 $0xFFFFFFB0  }
0xea: {  	_ =	swait.ge [sflag:s19], $0x50  }
0xeb: {  	[sflag:s19] =	ssyncset.done $0x0  }
0xec: {  	[sflag:s19] =	ssyncadd.s32 $0xFFFFFFB0  }
0xed: {  	_ =	swait.ge [sflag:s19], $0x50  }
0xee: {  	[sflag:s19] =	ssyncset.done $0x0  }
0xef: {  	[sflag:s19] =	ssyncadd.s32 $0xFFFFFFB0  }
0xf0: {  	_ =	swait.ge [sflag:s25], $0xC80  }
0xf1: {  	[sflag:s25] =	ssyncset.done $0x0  }
0xf2: {  	[sflag:s25] =	ssyncadd.s32 $0xFFFFF380  }
0xf3: {  	_ =	swait.ge [sflag:s25], $0xC80  }
0xf4: {  	[sflag:s25] =	ssyncset.done $0x0  }
0xf5: {  	s0 =	simm.s32 $0x0;
	s26 =	rddreg [dreg:$0xb];
	[sflag:s25] =	ssyncadd.s32 $0xFFFFF380  }
0xf6: {  	[tilespmem:s0], [sflag:$0x8] =	stream.linear.gather [hbm4b:s26+s0], $0xC80, $0x38;
	[tilespmem:$0x1F378] =	vst v63  }
0xf7: {  	s26 =	rddreg [dreg:$0xc]  }
0xf8: {  	[tilespmem:s24], [sflag:$0x8] =	stream.linear.gather [hbm4b:s26+s0], $0xC80, $0x38;
	[tilespmem:$0x1F378] =	vst v63  }
0xf9: {  	s15 =	simm.s32 $0x1000  }
0xfa: {  	[tilespmem:s30], [sflag:$0x1] =	stream.indirect.gather [hbm4b:s5+s29], $0x80, s15, s29, $0xb8;
	[tilespmem:$0x1F378] =	vst v63  }
0xfb: {  	s26 =	simm.s32 $0x1080  }
0xfc: {  	[tilespmem:s1], [sflag:$0x2] =	stream.indirect.gather [hbm4b:s5+s29], $0x80, s26, s29, $0xb8;
	[tilespmem:$0x1F378] =	vst v63  }
0xfd: {  	s15 =	simm.s32 $0x1100  }
0xfe: {  	[tilespmem:s6], [sflag:$0x3] =	stream.indirect.gather [hbm4b:s5+s29], $0x80, s15, s29, $0xb8;
	[tilespmem:$0x1F378] =	vst v63  }
0xff: {  	_ =	swait.ge [sflag:s7], $0x2800  }
0x100: {  	[sflag:s7] =	ssyncset.done $0x0  }
0x101: {  	[sflag:s7] =	ssyncadd.s32 $0xFFFFD800  }
0x102: {  	[spmem:s2] =	stream.indirect.scatter.add.f32 [tilespmem:s30], [sflag:$0x4], $0x80, s28, s29, $0xb8;
	[tilespmem:$0x1F378] =	vst v63  }
0x103: {  	_ = 	snop  }
0x104: {  	[spmem:s3] =	stream.indirect.scatter.add.f32 [tilespmem:s9], [sflag:$0x7], $0x1, s28, s29, $0xb8;
	[tilespmem:$0x1F378] =	vst v63  }
0x105: {  	_ =	swait.ge [sflag:s10], $0x2800  }
0x106: {  	[sflag:s10] =	ssyncset.done $0x0  }
0x107: {  	s26 =	simm.s32 $0x1180;
	[sflag:s10] =	ssyncadd.s32 $0xFFFFD800  }
0x108: {  	[tilespmem:s30], [sflag:$0x1] =	stream.indirect.gather [hbm4b:s5+s29], $0x80, s26, s29, $0xb8;
	[tilespmem:$0x1F378] =	vst v63  }
0x109: {  	_ =	swait.ge [sflag:s11], $0x2800  }
0x10a: {  	[sflag:s11] =	ssyncset.done $0x0  }
0x10b: {  	s15 =	simm.s32 $0x3080;
	[sflag:s11] =	ssyncadd.s32 $0xFFFFD800  }
0x10c: {  	[spmem:s2] =	stream.indirect.scatter.add.f32 [tilespmem:s1], [sflag:$0x5], $0x80, s15, s29, $0xb8;
	[tilespmem:$0x1F378] =	vst v63  }
0x10d: {  	_ = 	snop  }
0x10e: {  	[spmem:s3] =	stream.indirect.scatter.add.f32 [tilespmem:s9], [sflag:$0x7], $0x1, s15, s29, $0xb8;
	[tilespmem:$0x1F378] =	vst v63  }
0x10f: {  	_ =	swait.ge [sflag:s12], $0x2800  }
0x110: {  	[sflag:s12] =	ssyncset.done $0x0  }
0x111: {  	s26 =	simm.s32 $0x1200;
	[sflag:s12] =	ssyncadd.s32 $0xFFFFD800  }
0x112: {  	[tilespmem:s1], [sflag:$0x2] =	stream.indirect.gather [hbm4b:s5+s29], $0x80, s26, s29, $0xb8;
	[tilespmem:$0x1F378] =	vst v63  }
0x113: {  	_ =	swait.ge [sflag:s13], $0x2800  }
0x114: {  	[sflag:s13] =	ssyncset.done $0x0  }
0x115: {  	s15 =	simm.s32 $0x3100;
	[sflag:s13] =	ssyncadd.s32 $0xFFFFD800  }
0x116: {  	[spmem:s2] =	stream.indirect.scatter.add.f32 [tilespmem:s6], [sflag:$0x6], $0x80, s15, s29, $0xb8;
	[tilespmem:$0x1F378] =	vst v63  }
0x117: {  	_ = 	snop  }
0x118: {  	[spmem:s3] =	stream.indirect.scatter.add.f32 [tilespmem:s9], [sflag:$0x7], $0x1, s15, s29, $0xb8;
	[tilespmem:$0x1F378] =	vst v63  }
0x119: {  	_ =	swait.ge [sflag:s14], $0x2800  }
0x11a: {  	[sflag:s14] =	ssyncset.done $0x0  }
0x11b: {  	s26 =	simm.s32 $0x1280;
	[sflag:s14] =	ssyncadd.s32 $0xFFFFD800  }
0x11c: {  	[tilespmem:s6], [sflag:$0x3] =	stream.indirect.gather [hbm4b:s5+s29], $0x80, s26, s29, $0xb8;
	[tilespmem:$0x1F378] =	vst v63  }
0x11d: {  	_ =	swait.ge [sflag:s7], $0x2800  }
0x11e: {  	[sflag:s7] =	ssyncset.done $0x0  }
0x11f: {  	s0 =	simm.s32 $0x600;
	s15 =	simm.s32 $0x3180;
	[sflag:s7] =	ssyncadd.s32 $0xFFFFD800  }
0x120: {  	[spmem:s2] =	stream.indirect.scatter.add.f32 [tilespmem:s30], [sflag:$0x4], $0x80, s15, s29, $0xb8;
	[tilespmem:$0x1F378] =	vst v63  }
.LBB2_4:
0x121: {  	[spmem:s3] =	stream.indirect.scatter.add.f32 [tilespmem:s9], [sflag:$0x7], $0x1, s15, s29, $0xb8;
	[tilespmem:$0x1F378] =	vst v63  }
0x122: {  	s15 =	smov.u32 s0  }
0x123: {  	p4 =	sne.s32 s0, $0x2400;
	s0 =	sadd.s32 $0x600, s0;
	_ =	swait.ge [sflag:s10], $0x2800  }
0x124: {  	s15 =	sshra.s32 s15, $0x2;
	[sflag:s10] =	ssyncset.done $0x0  }
0x125: {  	s26 =	sadd.s32 $0x1180, s15;
	[sflag:s10] =	ssyncadd.s32 $0xFFFFD800  }
0x126: {  	[tilespmem:s30], [sflag:$0x1] =	stream.indirect.gather [hbm4b:s5+s29], $0x80, s26, s29, $0xb8;
	[tilespmem:$0x1F378] =	vst v63  }
0x127: {  	_ =	swait.ge [sflag:s11], $0x2800  }
0x128: {  	[sflag:s11] =	ssyncset.done $0x0  }
0x129: {  	s26 =	sadd.s32 $0x3080, s15;
	[sflag:s11] =	ssyncadd.s32 $0xFFFFD800  }
0x12a: {  	[spmem:s2] =	stream.indirect.scatter.add.f32 [tilespmem:s1], [sflag:$0x5], $0x80, s26, s29, $0xb8;
	[tilespmem:$0x1F378] =	vst v63  }
0x12b: {  	_ = 	snop  }
0x12c: {  	[spmem:s3] =	stream.indirect.scatter.add.f32 [tilespmem:s9], [sflag:$0x7], $0x1, s26, s29, $0xb8;
	[tilespmem:$0x1F378] =	vst v63  }
0x12d: {  	_ =	swait.ge [sflag:s12], $0x2800  }
0x12e: {  	[sflag:s12] =	ssyncset.done $0x0  }
0x12f: {  	s26 =	sadd.s32 $0x1200, s15;
	[sflag:s12] =	ssyncadd.s32 $0xFFFFD800  }
0x130: {  	[tilespmem:s1], [sflag:$0x2] =	stream.indirect.gather [hbm4b:s5+s29], $0x80, s26, s29, $0xb8;
	[tilespmem:$0x1F378] =	vst v63  }
0x131: {  	_ =	swait.ge [sflag:s13], $0x2800  }
0x132: {  	[sflag:s13] =	ssyncset.done $0x0  }
0x133: {  	s26 =	sadd.s32 $0x3100, s15;
	[sflag:s13] =	ssyncadd.s32 $0xFFFFD800  }
0x134: {  	[spmem:s2] =	stream.indirect.scatter.add.f32 [tilespmem:s6], [sflag:$0x6], $0x80, s26, s29, $0xb8;
	[tilespmem:$0x1F378] =	vst v63  }
0x135: {  	_ = 	snop  }
0x136: {  	[spmem:s3] =	stream.indirect.scatter.add.f32 [tilespmem:s9], [sflag:$0x7], $0x1, s26, s29, $0xb8;
	[tilespmem:$0x1F378] =	vst v63  }
0x137: {  	_ =	swait.ge [sflag:s14], $0x2800  }
0x138: {  	[sflag:s14] =	ssyncset.done $0x0  }
0x139: {  	s26 =	sadd.s32 $0x1280, s15;
	[sflag:s14] =	ssyncadd.s32 $0xFFFFD800  }
0x13a: {  	[tilespmem:s6], [sflag:$0x3] =	stream.indirect.gather [hbm4b:s5+s29], $0x80, s26, s29, $0xb8;
	[tilespmem:$0x1F378] =	vst v63  }
.Ltmp1:
0x13b: {  	_ = 	snop;
	(pc) =	sbr.rel @p4 .LBB2_4-.Ltmp1, $4  }
0x13c: {  	_ =	swait.ge [sflag:s7], $0x2800  }
0x13d: {  	[sflag:s7] =	ssyncset.done $0x0  }
0x13e: {  	s15 =	sadd.s32 $0x3180, s15;
	[sflag:s7] =	ssyncadd.s32 $0xFFFFD800  }
0x13f: {  	[spmem:s2] =	stream.indirect.scatter.add.f32 [tilespmem:s30], [sflag:$0x4], $0x80, s15, s29, $0xb8;
	[tilespmem:$0x1F378] =	vst v63  }
0x140: {  	[spmem:s3] =	stream.indirect.scatter.add.f32 [tilespmem:s9], [sflag:$0x7], $0x1, s15, s29, $0xb8;
	[tilespmem:$0x1F378] =	vst v63  }
0x141: {  	_ =	swait.ge [sflag:s10], $0x2800  }
0x142: {  	[sflag:s10] =	ssyncset.done $0x0  }
0x143: {  	s0 =	simm.s32 $0x1C00;
	[sflag:s10] =	ssyncadd.s32 $0xFFFFD800  }
0x144: {  	[tilespmem:s30], [sflag:$0x1] =	stream.indirect.gather [hbm4b:s5+s29], $0x80, s0, s29, $0xb8;
	[tilespmem:$0x1F378] =	vst v63  }
0x145: {  	_ =	swait.ge [sflag:s11], $0x2800  }
0x146: {  	[sflag:s11] =	ssyncset.done $0x0  }
0x147: {  	[sflag:s11] =	ssyncadd.s32 $0xFFFFD800  }
0x148: {  	[spmem:s2] =	stream.indirect.scatter.add.f32 [tilespmem:s1], [sflag:$0x5], $0x80, s23, s29, $0xb8;
	[tilespmem:$0x1F378] =	vst v63  }
0x149: {  	_ = 	snop  }
0x14a: {  	[spmem:s3] =	stream.indirect.scatter.add.f32 [tilespmem:s9], [sflag:$0x7], $0x1, s23, s29, $0xb8;
	[tilespmem:$0x1F378] =	vst v63  }
0x14b: {  	_ =	swait.ge [sflag:s12], $0x2800  }
0x14c: {  	[sflag:s12] =	ssyncset.done $0x0  }
0x14d: {  	[sflag:s12] =	ssyncadd.s32 $0xFFFFD800  }
0x14e: {  	_ =	swait.ge [sflag:s13], $0x2800  }
0x14f: {  	[sflag:s13] =	ssyncset.done $0x0  }
0x150: {  	[sflag:s13] =	ssyncadd.s32 $0xFFFFD800  }
0x151: {  	[spmem:s2] =	stream.indirect.scatter.add.f32 [tilespmem:s6], [sflag:$0x6], $0x80, s20, s29, $0xb8;
	[tilespmem:$0x1F378] =	vst v63  }
0x152: {  	_ = 	snop  }
0x153: {  	[spmem:s3] =	stream.indirect.scatter.add.f32 [tilespmem:s9], [sflag:$0x7], $0x1, s20, s29, $0xb8;
	[tilespmem:$0x1F378] =	vst v63  }
0x154: {  	_ =	swait.ge [sflag:s14], $0x2800  }
0x155: {  	[sflag:s14] =	ssyncset.done $0x0  }
0x156: {  	[sflag:s14] =	ssyncadd.s32 $0xFFFFD800  }
0x157: {  	_ =	swait.ge [sflag:s7], $0x2800  }
0x158: {  	[sflag:s7] =	ssyncset.done $0x0  }
0x159: {  	[sflag:s7] =	ssyncadd.s32 $0xFFFFD800  }
0x15a: {  	[spmem:s2] =	stream.indirect.scatter.add.f32 [tilespmem:s30], [sflag:$0x4], $0x80, s8, s29, $0xb8;
	[tilespmem:$0x1F378] =	vst v63  }
0x15b: {  	_ = 	snop  }
0x15c: {  	[spmem:s3] =	stream.indirect.scatter.add.f32 [tilespmem:s9], [sflag:$0x7], $0x1, s8, s29, $0xb8;
	[tilespmem:$0x1F378] =	vst v63  }
0x15d: {  	_ =	swait.ge [sflag:s10], $0x2800  }
0x15e: {  	[sflag:s10] =	ssyncset.done $0x0  }
0x15f: {  	[sflag:s10] =	ssyncadd.s32 $0xFFFFD800  }
0x160: {  	_ =	swait.ge [sflag:s19], $0x50  }
0x161: {  	[sflag:s19] =	ssyncset.done $0x0  }
0x162: {  	[sflag:s19] =	ssyncadd.s32 $0xFFFFFFB0  }
0x163: {  	_ =	swait.ge [sflag:s19], $0x50  }
0x164: {  	[sflag:s19] =	ssyncset.done $0x0  }
0x165: {  	[sflag:s19] =	ssyncadd.s32 $0xFFFFFFB0  }
0x166: {  	_ =	swait.ge [sflag:s19], $0x50  }
0x167: {  	[sflag:s19] =	ssyncset.done $0x0  }
0x168: {  	[sflag:s19] =	ssyncadd.s32 $0xFFFFFFB0  }
0x169: {  	_ =	swait.ge [sflag:s19], $0x50  }
0x16a: {  	[sflag:s19] =	ssyncset.done $0x0  }
0x16b: {  	[sflag:s19] =	ssyncadd.s32 $0xFFFFFFB0  }
0x16c: {  	_ =	swait.ge [sflag:s19], $0x50  }
0x16d: {  	[sflag:s19] =	ssyncset.done $0x0  }
0x16e: {  	[sflag:s19] =	ssyncadd.s32 $0xFFFFFFB0  }
0x16f: {  	_ =	swait.ge [sflag:s19], $0x50  }
0x170: {  	[sflag:s19] =	ssyncset.done $0x0  }
0x171: {  	[sflag:s19] =	ssyncadd.s32 $0xFFFFFFB0  }
0x172: {  	_ =	swait.ge [sflag:s19], $0x50  }
0x173: {  	[sflag:s19] =	ssyncset.done $0x0  }
0x174: {  	[sflag:s19] =	ssyncadd.s32 $0xFFFFFFB0  }
0x175: {  	_ =	swait.ge [sflag:s19], $0x50  }
0x176: {  	[sflag:s19] =	ssyncset.done $0x0  }
0x177: {  	[sflag:s19] =	ssyncadd.s32 $0xFFFFFFB0  }
0x178: {  	_ =	swait.ge [sflag:s19], $0x50  }
0x179: {  	[sflag:s19] =	ssyncset.done $0x0  }
0x17a: {  	[sflag:s19] =	ssyncadd.s32 $0xFFFFFFB0  }
0x17b: {  	_ =	swait.ge [sflag:s19], $0x50  }
0x17c: {  	[sflag:s19] =	ssyncset.done $0x0  }
0x17d: {  	[sflag:s19] =	ssyncadd.s32 $0xFFFFFFB0  }
0x17e: {  	_ =	swait.ge [sflag:s19], $0x50  }
0x17f: {  	[sflag:s19] =	ssyncset.done $0x0  }
0x180: {  	[sflag:s19] =	ssyncadd.s32 $0xFFFFFFB0  }
0x181: {  	_ =	swait.ge [sflag:s19], $0x50  }
0x182: {  	[sflag:s19] =	ssyncset.done $0x0  }
0x183: {  	[sflag:s19] =	ssyncadd.s32 $0xFFFFFFB0  }
0x184: {  	_ =	swait.ge [sflag:s19], $0x50  }
0x185: {  	[sflag:s19] =	ssyncset.done $0x0  }
0x186: {  	[sflag:s19] =	ssyncadd.s32 $0xFFFFFFB0  }
0x187: {  	_ =	swait.ge [sflag:s19], $0x50  }
0x188: {  	[sflag:s19] =	ssyncset.done $0x0  }
0x189: {  	[sflag:s19] =	ssyncadd.s32 $0xFFFFFFB0  }
0x18a: {  	_ =	swait.ge [sflag:s19], $0x50  }
0x18b: {  	[sflag:s19] =	ssyncset.done $0x0  }
0x18c: {  	[sflag:s19] =	ssyncadd.s32 $0xFFFFFFB0  }
0x18d: {  	_ =	swait.ge [sflag:s19], $0x50  }
0x18e: {  	[sflag:s19] =	ssyncset.done $0x0  }
0x18f: {  	[sflag:s19] =	ssyncadd.s32 $0xFFFFFFB0  }
0x190: {  	_ =	swait.ge [sflag:s19], $0x50  }
0x191: {  	[sflag:s19] =	ssyncset.done $0x0  }
0x192: {  	[sflag:s19] =	ssyncadd.s32 $0xFFFFFFB0  }
0x193: {  	_ =	swait.ge [sflag:s19], $0x50  }
0x194: {  	[sflag:s19] =	ssyncset.done $0x0  }
0x195: {  	[sflag:s19] =	ssyncadd.s32 $0xFFFFFFB0  }
0x196: {  	_ =	swait.ge [sflag:s19], $0x50  }
0x197: {  	[sflag:s19] =	ssyncset.done $0x0  }
0x198: {  	[sflag:s19] =	ssyncadd.s32 $0xFFFFFFB0  }
0x199: {  	_ =	swait.ge [sflag:s19], $0x50  }
0x19a: {  	[sflag:s19] =	ssyncset.done $0x0  }
0x19b: {  	[sflag:s19] =	ssyncadd.s32 $0xFFFFFFB0  }
0x19c: {  	_ =	swait.ge [sflag:s19], $0x50  }
0x19d: {  	[sflag:s19] =	ssyncset.done $0x0  }
0x19e: {  	[sflag:s19] =	ssyncadd.s32 $0xFFFFFFB0  }
0x19f: {  	_ =	swait.ge [sflag:s19], $0x50  }
0x1a0: {  	[sflag:s19] =	ssyncset.done $0x0  }
0x1a1: {  	[sflag:s19] =	ssyncadd.s32 $0xFFFFFFB0  }
0x1a2: {  	_ =	swait.ge [sflag:s19], $0x50  }
0x1a3: {  	[sflag:s19] =	ssyncset.done $0x0  }
0x1a4: {  	[sflag:s19] =	ssyncadd.s32 $0xFFFFFFB0  }
0x1a5: {  	_ =	swait.ge [sflag:s19], $0x50  }
0x1a6: {  	[sflag:s19] =	ssyncset.done $0x0  }
0x1a7: {  	[sflag:s19] =	ssyncadd.s32 $0xFFFFFFB0  }
0x1a8: {  	_ =	swait.ge [sflag:s19], $0x50  }
0x1a9: {  	[sflag:s19] =	ssyncset.done $0x0  }
0x1aa: {  	[sflag:s19] =	ssyncadd.s32 $0xFFFFFFB0  }
0x1ab: {  	_ =	swait.ge [sflag:s25], $0xC80  }
0x1ac: {  	[sflag:s25] =	ssyncset.done $0x0  }
0x1ad: {  	[sflag:s25] =	ssyncadd.s32 $0xFFFFF380  }
0x1ae: {  	_ =	swait.ge [sflag:s25], $0xC80  }
0x1af: {  	s26 =	simm.s32 $0x1000;
	[sflag:s25] =	ssyncset.done $0x0  }
0x1b0: {  	s0 =	simm.s32 $0x0;
	s15 =	rddreg [dreg:$0xd];
	[sflag:s25] =	ssyncadd.s32 $0xFFFFF380  }
0x1b1: {  	[tilespmem:s26], [sflag:$0x8] =	stream.linear.gather [hbm4b:s15+s0], $0xC80, $0x38;
	[tilespmem:$0x1F378] =	vst v63  }
0x1b2: {  	s26 =	rddreg [dreg:$0xe]  }
0x1b3: {  	[tilespmem:s28], [sflag:$0x8] =	stream.linear.gather [hbm4b:s26+s0], $0xC80, $0x38;
	[tilespmem:$0x1F378] =	vst v63  }
0x1b4: {  	_ = 	snop  }
0x1b5: {  	[tilespmem:s30], [sflag:$0x1] =	stream.indirect.gather [hbm4b:s5+s29], $0x80, s0, s29, $0xb8;
	[tilespmem:$0x1F378] =	vst v63  }
0x1b6: {  	s26 =	simm.s32 $0x80  }
0x1b7: {  	[tilespmem:s1], [sflag:$0x2] =	stream.indirect.gather [hbm4b:s5+s29], $0x80, s26, s29, $0xb8;
	[tilespmem:$0x1F378] =	vst v63  }
0x1b8: {  	s15 =	simm.s32 $0x100  }
0x1b9: {  	[tilespmem:s6], [sflag:$0x3] =	stream.indirect.gather [hbm4b:s5+s29], $0x80, s15, s29, $0xb8;
	[tilespmem:$0x1F378] =	vst v63  }
0x1ba: {  	_ =	swait.ge [sflag:s7], $0x2800  }
0x1bb: {  	[sflag:s7] =	ssyncset.done $0x0  }
0x1bc: {  	[sflag:s7] =	ssyncadd.s32 $0xFFFFD800  }
0x1bd: {  	[spmem:s2] =	stream.indirect.scatter.add.f32 [tilespmem:s30], [sflag:$0x4], $0x80, s24, s29, $0xb8;
	[tilespmem:$0x1F378] =	vst v63  }
0x1be: {  	_ = 	snop  }
0x1bf: {  	[spmem:s3] =	stream.indirect.scatter.add.f32 [tilespmem:s9], [sflag:$0x7], $0x1, s24, s29, $0xb8;
	[tilespmem:$0x1F378] =	vst v63  }
0x1c0: {  	_ =	swait.ge [sflag:s10], $0x2800  }
0x1c1: {  	[sflag:s10] =	ssyncset.done $0x0  }
0x1c2: {  	s26 =	simm.s32 $0x180;
	[sflag:s10] =	ssyncadd.s32 $0xFFFFD800  }
0x1c3: {  	[tilespmem:s30], [sflag:$0x1] =	stream.indirect.gather [hbm4b:s5+s29], $0x80, s26, s29, $0xb8;
	[tilespmem:$0x1F378] =	vst v63  }
0x1c4: {  	_ =	swait.ge [sflag:s11], $0x2800  }
0x1c5: {  	[sflag:s11] =	ssyncset.done $0x0  }
0x1c6: {  	s15 =	simm.s32 $0x2080;
	[sflag:s11] =	ssyncadd.s32 $0xFFFFD800  }
0x1c7: {  	[spmem:s2] =	stream.indirect.scatter.add.f32 [tilespmem:s1], [sflag:$0x5], $0x80, s15, s29, $0xb8;
	[tilespmem:$0x1F378] =	vst v63  }
0x1c8: {  	_ = 	snop  }
0x1c9: {  	[spmem:s3] =	stream.indirect.scatter.add.f32 [tilespmem:s9], [sflag:$0x7], $0x1, s15, s29, $0xb8;
	[tilespmem:$0x1F378] =	vst v63  }
0x1ca: {  	_ =	swait.ge [sflag:s12], $0x2800  }
0x1cb: {  	[sflag:s12] =	ssyncset.done $0x0  }
0x1cc: {  	s26 =	simm.s32 $0x200;
	[sflag:s12] =	ssyncadd.s32 $0xFFFFD800  }
0x1cd: {  	[tilespmem:s1], [sflag:$0x2] =	stream.indirect.gather [hbm4b:s5+s29], $0x80, s26, s29, $0xb8;
	[tilespmem:$0x1F378] =	vst v63  }
0x1ce: {  	_ =	swait.ge [sflag:s13], $0x2800  }
0x1cf: {  	[sflag:s13] =	ssyncset.done $0x0  }
0x1d0: {  	s15 =	simm.s32 $0x2100;
	[sflag:s13] =	ssyncadd.s32 $0xFFFFD800  }
0x1d1: {  	[spmem:s2] =	stream.indirect.scatter.add.f32 [tilespmem:s6], [sflag:$0x6], $0x80, s15, s29, $0xb8;
	[tilespmem:$0x1F378] =	vst v63  }
0x1d2: {  	_ = 	snop  }
0x1d3: {  	[spmem:s3] =	stream.indirect.scatter.add.f32 [tilespmem:s9], [sflag:$0x7], $0x1, s15, s29, $0xb8;
	[tilespmem:$0x1F378] =	vst v63  }
0x1d4: {  	_ =	swait.ge [sflag:s14], $0x2800  }
0x1d5: {  	[sflag:s14] =	ssyncset.done $0x0  }
0x1d6: {  	s26 =	simm.s32 $0x280;
	[sflag:s14] =	ssyncadd.s32 $0xFFFFD800  }
0x1d7: {  	[tilespmem:s6], [sflag:$0x3] =	stream.indirect.gather [hbm4b:s5+s29], $0x80, s26, s29, $0xb8;
	[tilespmem:$0x1F378] =	vst v63  }
0x1d8: {  	_ =	swait.ge [sflag:s7], $0x2800  }
0x1d9: {  	[sflag:s7] =	ssyncset.done $0x0  }
0x1da: {  	s0 =	simm.s32 $0x600;
	s15 =	simm.s32 $0x2180;
	[sflag:s7] =	ssyncadd.s32 $0xFFFFD800  }
0x1db: {  	[spmem:s2] =	stream.indirect.scatter.add.f32 [tilespmem:s30], [sflag:$0x4], $0x80, s15, s29, $0xb8;
	[tilespmem:$0x1F378] =	vst v63  }
.LBB2_6:
0x1dc: {  	[spmem:s3] =	stream.indirect.scatter.add.f32 [tilespmem:s9], [sflag:$0x7], $0x1, s15, s29, $0xb8;
	[tilespmem:$0x1F378] =	vst v63  }
0x1dd: {  	s15 =	smov.u32 s0  }
0x1de: {  	p4 =	sne.s32 s0, $0x2400;
	s0 =	sadd.s32 $0x600, s0;
	_ =	swait.ge [sflag:s10], $0x2800  }
0x1df: {  	s15 =	sshra.s32 s15, $0x2;
	[sflag:s10] =	ssyncset.done $0x0  }
0x1e0: {  	s26 =	sadd.s32 $0x180, s15;
	[sflag:s10] =	ssyncadd.s32 $0xFFFFD800  }
0x1e1: {  	[tilespmem:s30], [sflag:$0x1] =	stream.indirect.gather [hbm4b:s5+s29], $0x80, s26, s29, $0xb8;
	[tilespmem:$0x1F378] =	vst v63  }
0x1e2: {  	_ =	swait.ge [sflag:s11], $0x2800  }
0x1e3: {  	[sflag:s11] =	ssyncset.done $0x0  }
0x1e4: {  	s26 =	sadd.s32 $0x2080, s15;
	[sflag:s11] =	ssyncadd.s32 $0xFFFFD800  }
0x1e5: {  	[spmem:s2] =	stream.indirect.scatter.add.f32 [tilespmem:s1], [sflag:$0x5], $0x80, s26, s29, $0xb8;
	[tilespmem:$0x1F378] =	vst v63  }
0x1e6: {  	_ = 	snop  }
0x1e7: {  	[spmem:s3] =	stream.indirect.scatter.add.f32 [tilespmem:s9], [sflag:$0x7], $0x1, s26, s29, $0xb8;
	[tilespmem:$0x1F378] =	vst v63  }
0x1e8: {  	_ =	swait.ge [sflag:s12], $0x2800  }
0x1e9: {  	[sflag:s12] =	ssyncset.done $0x0  }
0x1ea: {  	s26 =	sadd.s32 $0x200, s15;
	[sflag:s12] =	ssyncadd.s32 $0xFFFFD800  }
0x1eb: {  	[tilespmem:s1], [sflag:$0x2] =	stream.indirect.gather [hbm4b:s5+s29], $0x80, s26, s29, $0xb8;
	[tilespmem:$0x1F378] =	vst v63  }
0x1ec: {  	_ =	swait.ge [sflag:s13], $0x2800  }
0x1ed: {  	[sflag:s13] =	ssyncset.done $0x0  }
0x1ee: {  	s26 =	sadd.s32 $0x2100, s15;
	[sflag:s13] =	ssyncadd.s32 $0xFFFFD800  }
0x1ef: {  	[spmem:s2] =	stream.indirect.scatter.add.f32 [tilespmem:s6], [sflag:$0x6], $0x80, s26, s29, $0xb8;
	[tilespmem:$0x1F378] =	vst v63  }
0x1f0: {  	_ = 	snop  }
0x1f1: {  	[spmem:s3] =	stream.indirect.scatter.add.f32 [tilespmem:s9], [sflag:$0x7], $0x1, s26, s29, $0xb8;
	[tilespmem:$0x1F378] =	vst v63  }
0x1f2: {  	_ =	swait.ge [sflag:s14], $0x2800  }
0x1f3: {  	[sflag:s14] =	ssyncset.done $0x0  }
0x1f4: {  	s26 =	sadd.s32 $0x280, s15;
	[sflag:s14] =	ssyncadd.s32 $0xFFFFD800  }
0x1f5: {  	[tilespmem:s6], [sflag:$0x3] =	stream.indirect.gather [hbm4b:s5+s29], $0x80, s26, s29, $0xb8;
	[tilespmem:$0x1F378] =	vst v63  }
.Ltmp2:
0x1f6: {  	_ = 	snop;
	(pc) =	sbr.rel @p4 .LBB2_6-.Ltmp2, $4  }
0x1f7: {  	_ =	swait.ge [sflag:s7], $0x2800  }
0x1f8: {  	[sflag:s7] =	ssyncset.done $0x0  }
0x1f9: {  	s15 =	sadd.s32 $0x2180, s15;
	[sflag:s7] =	ssyncadd.s32 $0xFFFFD800  }
0x1fa: {  	[spmem:s2] =	stream.indirect.scatter.add.f32 [tilespmem:s30], [sflag:$0x4], $0x80, s15, s29, $0xb8;
	[tilespmem:$0x1F378] =	vst v63  }
0x1fb: {  	[spmem:s3] =	stream.indirect.scatter.add.f32 [tilespmem:s9], [sflag:$0x7], $0x1, s15, s29, $0xb8;
	[tilespmem:$0x1F378] =	vst v63  }
0x1fc: {  	_ =	swait.ge [sflag:s10], $0x2800  }
0x1fd: {  	[sflag:s10] =	ssyncset.done $0x0  }
0x1fe: {  	s0 =	simm.s32 $0xC00;
	[sflag:s10] =	ssyncadd.s32 $0xFFFFD800  }
0x1ff: {  	[tilespmem:s30], [sflag:$0x1] =	stream.indirect.gather [hbm4b:s5+s29], $0x80, s0, s29, $0xb8;
	[tilespmem:$0x1F378] =	vst v63  }
0x200: {  	_ =	swait.ge [sflag:s11], $0x2800  }
0x201: {  	[sflag:s11] =	ssyncset.done $0x0  }
0x202: {  	[sflag:s11] =	ssyncadd.s32 $0xFFFFD800  }
0x203: {  	[spmem:s2] =	stream.indirect.scatter.add.f32 [tilespmem:s1], [sflag:$0x5], $0x80, s16, s29, $0xb8;
	[tilespmem:$0x1F378] =	vst v63  }
0x204: {  	_ = 	snop  }
0x205: {  	[spmem:s3] =	stream.indirect.scatter.add.f32 [tilespmem:s9], [sflag:$0x7], $0x1, s16, s29, $0xb8;
	[tilespmem:$0x1F378] =	vst v63  }
0x206: {  	_ =	swait.ge [sflag:s12], $0x2800  }
0x207: {  	[sflag:s12] =	ssyncset.done $0x0  }
0x208: {  	[sflag:s12] =	ssyncadd.s32 $0xFFFFD800  }
0x209: {  	_ =	swait.ge [sflag:s13], $0x2800  }
0x20a: {  	[sflag:s13] =	ssyncset.done $0x0  }
0x20b: {  	[sflag:s13] =	ssyncadd.s32 $0xFFFFD800  }
0x20c: {  	[spmem:s2] =	stream.indirect.scatter.add.f32 [tilespmem:s6], [sflag:$0x6], $0x80, s17, s29, $0xb8;
	[tilespmem:$0x1F378] =	vst v63  }
0x20d: {  	_ = 	snop  }
0x20e: {  	[spmem:s3] =	stream.indirect.scatter.add.f32 [tilespmem:s9], [sflag:$0x7], $0x1, s17, s29, $0xb8;
	[tilespmem:$0x1F378] =	vst v63  }
0x20f: {  	_ =	swait.ge [sflag:s14], $0x2800  }
0x210: {  	[sflag:s14] =	ssyncset.done $0x0  }
0x211: {  	[sflag:s14] =	ssyncadd.s32 $0xFFFFD800  }
0x212: {  	_ =	swait.ge [sflag:s7], $0x2800  }
0x213: {  	[sflag:s7] =	ssyncset.done $0x0  }
0x214: {  	[sflag:s7] =	ssyncadd.s32 $0xFFFFD800  }
0x215: {  	[spmem:s2] =	stream.indirect.scatter.add.f32 [tilespmem:s30], [sflag:$0x4], $0x80, s18, s29, $0xb8;
	[tilespmem:$0x1F378] =	vst v63  }
0x216: {  	_ = 	snop  }
0x217: {  	[spmem:s3] =	stream.indirect.scatter.add.f32 [tilespmem:s9], [sflag:$0x7], $0x1, s18, s29, $0xb8;
	[tilespmem:$0x1F378] =	vst v63  }
0x218: {  	_ =	swait.ge [sflag:s10], $0x2800  }
0x219: {  	[sflag:s10] =	ssyncset.done $0x0  }
0x21a: {  	[sflag:s10] =	ssyncadd.s32 $0xFFFFD800  }
0x21b: {  	_ =	swait.ge [sflag:s19], $0x50  }
0x21c: {  	[sflag:s19] =	ssyncset.done $0x0  }
0x21d: {  	[sflag:s19] =	ssyncadd.s32 $0xFFFFFFB0  }
0x21e: {  	_ =	swait.ge [sflag:s19], $0x50  }
0x21f: {  	[sflag:s19] =	ssyncset.done $0x0  }
0x220: {  	[sflag:s19] =	ssyncadd.s32 $0xFFFFFFB0  }
0x221: {  	_ =	swait.ge [sflag:s19], $0x50  }
0x222: {  	[sflag:s19] =	ssyncset.done $0x0  }
0x223: {  	[sflag:s19] =	ssyncadd.s32 $0xFFFFFFB0  }
0x224: {  	_ =	swait.ge [sflag:s19], $0x50  }
0x225: {  	[sflag:s19] =	ssyncset.done $0x0  }
0x226: {  	[sflag:s19] =	ssyncadd.s32 $0xFFFFFFB0  }
0x227: {  	_ =	swait.ge [sflag:s19], $0x50  }
0x228: {  	[sflag:s19] =	ssyncset.done $0x0  }
0x229: {  	[sflag:s19] =	ssyncadd.s32 $0xFFFFFFB0  }
0x22a: {  	_ =	swait.ge [sflag:s19], $0x50  }
0x22b: {  	[sflag:s19] =	ssyncset.done $0x0  }
0x22c: {  	[sflag:s19] =	ssyncadd.s32 $0xFFFFFFB0  }
0x22d: {  	_ =	swait.ge [sflag:s19], $0x50  }
0x22e: {  	[sflag:s19] =	ssyncset.done $0x0  }
0x22f: {  	[sflag:s19] =	ssyncadd.s32 $0xFFFFFFB0  }
0x230: {  	_ =	swait.ge [sflag:s19], $0x50  }
0x231: {  	[sflag:s19] =	ssyncset.done $0x0  }
0x232: {  	[sflag:s19] =	ssyncadd.s32 $0xFFFFFFB0  }
0x233: {  	_ =	swait.ge [sflag:s19], $0x50  }
0x234: {  	[sflag:s19] =	ssyncset.done $0x0  }
0x235: {  	[sflag:s19] =	ssyncadd.s32 $0xFFFFFFB0  }
0x236: {  	_ =	swait.ge [sflag:s19], $0x50  }
0x237: {  	[sflag:s19] =	ssyncset.done $0x0  }
0x238: {  	[sflag:s19] =	ssyncadd.s32 $0xFFFFFFB0  }
0x239: {  	_ =	swait.ge [sflag:s19], $0x50  }
0x23a: {  	[sflag:s19] =	ssyncset.done $0x0  }
0x23b: {  	[sflag:s19] =	ssyncadd.s32 $0xFFFFFFB0  }
0x23c: {  	_ =	swait.ge [sflag:s19], $0x50  }
0x23d: {  	[sflag:s19] =	ssyncset.done $0x0  }
0x23e: {  	[sflag:s19] =	ssyncadd.s32 $0xFFFFFFB0  }
0x23f: {  	_ =	swait.ge [sflag:s19], $0x50  }
0x240: {  	[sflag:s19] =	ssyncset.done $0x0  }
0x241: {  	[sflag:s19] =	ssyncadd.s32 $0xFFFFFFB0  }
0x242: {  	_ =	swait.ge [sflag:s19], $0x50  }
0x243: {  	[sflag:s19] =	ssyncset.done $0x0  }
0x244: {  	[sflag:s19] =	ssyncadd.s32 $0xFFFFFFB0  }
0x245: {  	_ =	swait.ge [sflag:s19], $0x50  }
0x246: {  	[sflag:s19] =	ssyncset.done $0x0  }
0x247: {  	[sflag:s19] =	ssyncadd.s32 $0xFFFFFFB0  }
0x248: {  	_ =	swait.ge [sflag:s19], $0x50  }
0x249: {  	[sflag:s19] =	ssyncset.done $0x0  }
0x24a: {  	[sflag:s19] =	ssyncadd.s32 $0xFFFFFFB0  }
0x24b: {  	_ =	swait.ge [sflag:s19], $0x50  }
0x24c: {  	[sflag:s19] =	ssyncset.done $0x0  }
0x24d: {  	[sflag:s19] =	ssyncadd.s32 $0xFFFFFFB0  }
0x24e: {  	_ =	swait.ge [sflag:s19], $0x50  }
0x24f: {  	[sflag:s19] =	ssyncset.done $0x0  }
0x250: {  	[sflag:s19] =	ssyncadd.s32 $0xFFFFFFB0  }
0x251: {  	_ =	swait.ge [sflag:s19], $0x50  }
0x252: {  	[sflag:s19] =	ssyncset.done $0x0  }
0x253: {  	[sflag:s19] =	ssyncadd.s32 $0xFFFFFFB0  }
0x254: {  	_ =	swait.ge [sflag:s19], $0x50  }
0x255: {  	[sflag:s19] =	ssyncset.done $0x0  }
0x256: {  	[sflag:s19] =	ssyncadd.s32 $0xFFFFFFB0  }
0x257: {  	_ =	swait.ge [sflag:s19], $0x50  }
0x258: {  	[sflag:s19] =	ssyncset.done $0x0  }
0x259: {  	[sflag:s19] =	ssyncadd.s32 $0xFFFFFFB0  }
0x25a: {  	_ =	swait.ge [sflag:s19], $0x50  }
0x25b: {  	[sflag:s19] =	ssyncset.done $0x0  }
0x25c: {  	[sflag:s19] =	ssyncadd.s32 $0xFFFFFFB0  }
0x25d: {  	_ =	swait.ge [sflag:s19], $0x50  }
0x25e: {  	[sflag:s19] =	ssyncset.done $0x0  }
0x25f: {  	[sflag:s19] =	ssyncadd.s32 $0xFFFFFFB0  }
0x260: {  	_ =	swait.ge [sflag:s19], $0x50  }
0x261: {  	[sflag:s19] =	ssyncset.done $0x0  }
0x262: {  	[sflag:s19] =	ssyncadd.s32 $0xFFFFFFB0  }
0x263: {  	_ =	swait.ge [sflag:s19], $0x50  }
0x264: {  	[sflag:s19] =	ssyncset.done $0x0  }
0x265: {  	[sflag:s19] =	ssyncadd.s32 $0xFFFFFFB0  }
0x266: {  	_ =	swait.ge [sflag:s25], $0xC80  }
0x267: {  	[sflag:s25] =	ssyncset.done $0x0  }
0x268: {  	[sflag:s25] =	ssyncadd.s32 $0xFFFFF380  }
0x269: {  	_ =	swait.ge [sflag:s25], $0xC80  }
0x26a: {  	[sflag:s25] =	ssyncset.done $0x0  }
0x26b: {  	s0 =	simm.s32 $0x0;
	s26 =	rddreg [dreg:$0xf];
	[sflag:s25] =	ssyncadd.s32 $0xFFFFF380  }
0x26c: {  	[tilespmem:s0], [sflag:$0x8] =	stream.linear.gather [hbm4b:s26+s0], $0xC80, $0x38;
	[tilespmem:$0x1F378] =	vst v63  }
0x26d: {  	s26 =	rddreg [dreg:$0x10]  }
0x26e: {  	[tilespmem:s24], [sflag:$0x8] =	stream.linear.gather [hbm4b:s26+s0], $0xC80, $0x38;
	[tilespmem:$0x1F378] =	vst v63  }
0x26f: {  	s15 =	simm.s32 $0x1000  }
0x270: {  	[tilespmem:s30], [sflag:$0x1] =	stream.indirect.gather [hbm4b:s5+s29], $0x80, s15, s29, $0xb8;
	[tilespmem:$0x1F378] =	vst v63  }
0x271: {  	s26 =	simm.s32 $0x1080  }
0x272: {  	[tilespmem:s1], [sflag:$0x2] =	stream.indirect.gather [hbm4b:s5+s29], $0x80, s26, s29, $0xb8;
	[tilespmem:$0x1F378] =	vst v63  }
0x273: {  	s15 =	simm.s32 $0x1100  }
0x274: {  	[tilespmem:s6], [sflag:$0x3] =	stream.indirect.gather [hbm4b:s5+s29], $0x80, s15, s29, $0xb8;
	[tilespmem:$0x1F378] =	vst v63  }
0x275: {  	_ =	swait.ge [sflag:s7], $0x2800  }
0x276: {  	[sflag:s7] =	ssyncset.done $0x0  }
0x277: {  	[sflag:s7] =	ssyncadd.s32 $0xFFFFD800  }
0x278: {  	[spmem:s2] =	stream.indirect.scatter.add.f32 [tilespmem:s30], [sflag:$0x4], $0x80, s28, s29, $0xb8;
	[tilespmem:$0x1F378] =	vst v63  }
0x279: {  	_ = 	snop  }
0x27a: {  	[spmem:s3] =	stream.indirect.scatter.add.f32 [tilespmem:s9], [sflag:$0x7], $0x1, s28, s29, $0xb8;
	[tilespmem:$0x1F378] =	vst v63  }
0x27b: {  	_ =	swait.ge [sflag:s10], $0x2800  }
0x27c: {  	[sflag:s10] =	ssyncset.done $0x0  }
0x27d: {  	s26 =	simm.s32 $0x1180;
	[sflag:s10] =	ssyncadd.s32 $0xFFFFD800  }
0x27e: {  	[tilespmem:s30], [sflag:$0x1] =	stream.indirect.gather [hbm4b:s5+s29], $0x80, s26, s29, $0xb8;
	[tilespmem:$0x1F378] =	vst v63  }
0x27f: {  	_ =	swait.ge [sflag:s11], $0x2800  }
0x280: {  	[sflag:s11] =	ssyncset.done $0x0  }
0x281: {  	s15 =	simm.s32 $0x3080;
	[sflag:s11] =	ssyncadd.s32 $0xFFFFD800  }
0x282: {  	[spmem:s2] =	stream.indirect.scatter.add.f32 [tilespmem:s1], [sflag:$0x5], $0x80, s15, s29, $0xb8;
	[tilespmem:$0x1F378] =	vst v63  }
0x283: {  	_ = 	snop  }
0x284: {  	[spmem:s3] =	stream.indirect.scatter.add.f32 [tilespmem:s9], [sflag:$0x7], $0x1, s15, s29, $0xb8;
	[tilespmem:$0x1F378] =	vst v63  }
0x285: {  	_ =	swait.ge [sflag:s12], $0x2800  }
0x286: {  	[sflag:s12] =	ssyncset.done $0x0  }
0x287: {  	s26 =	simm.s32 $0x1200;
	[sflag:s12] =	ssyncadd.s32 $0xFFFFD800  }
0x288: {  	[tilespmem:s1], [sflag:$0x2] =	stream.indirect.gather [hbm4b:s5+s29], $0x80, s26, s29, $0xb8;
	[tilespmem:$0x1F378] =	vst v63  }
0x289: {  	_ =	swait.ge [sflag:s13], $0x2800  }
0x28a: {  	[sflag:s13] =	ssyncset.done $0x0  }
0x28b: {  	s15 =	simm.s32 $0x3100;
	[sflag:s13] =	ssyncadd.s32 $0xFFFFD800  }
0x28c: {  	[spmem:s2] =	stream.indirect.scatter.add.f32 [tilespmem:s6], [sflag:$0x6], $0x80, s15, s29, $0xb8;
	[tilespmem:$0x1F378] =	vst v63  }
0x28d: {  	_ = 	snop  }
0x28e: {  	[spmem:s3] =	stream.indirect.scatter.add.f32 [tilespmem:s9], [sflag:$0x7], $0x1, s15, s29, $0xb8;
	[tilespmem:$0x1F378] =	vst v63  }
0x28f: {  	_ =	swait.ge [sflag:s14], $0x2800  }
0x290: {  	[sflag:s14] =	ssyncset.done $0x0  }
0x291: {  	s26 =	simm.s32 $0x1280;
	[sflag:s14] =	ssyncadd.s32 $0xFFFFD800  }
0x292: {  	[tilespmem:s6], [sflag:$0x3] =	stream.indirect.gather [hbm4b:s5+s29], $0x80, s26, s29, $0xb8;
	[tilespmem:$0x1F378] =	vst v63  }
0x293: {  	_ =	swait.ge [sflag:s7], $0x2800  }
0x294: {  	[sflag:s7] =	ssyncset.done $0x0  }
0x295: {  	s0 =	simm.s32 $0x600;
	s15 =	simm.s32 $0x3180;
	[sflag:s7] =	ssyncadd.s32 $0xFFFFD800  }
0x296: {  	[spmem:s2] =	stream.indirect.scatter.add.f32 [tilespmem:s30], [sflag:$0x4], $0x80, s15, s29, $0xb8;
	[tilespmem:$0x1F378] =	vst v63  }
.LBB2_8:
0x297: {  	[spmem:s3] =	stream.indirect.scatter.add.f32 [tilespmem:s9], [sflag:$0x7], $0x1, s15, s29, $0xb8;
	[tilespmem:$0x1F378] =	vst v63  }
0x298: {  	s15 =	smov.u32 s0  }
0x299: {  	p4 =	sne.s32 s0, $0x2400;
	s0 =	sadd.s32 $0x600, s0;
	_ =	swait.ge [sflag:s10], $0x2800  }
0x29a: {  	s15 =	sshra.s32 s15, $0x2;
	[sflag:s10] =	ssyncset.done $0x0  }
0x29b: {  	s26 =	sadd.s32 $0x1180, s15;
	[sflag:s10] =	ssyncadd.s32 $0xFFFFD800  }
0x29c: {  	[tilespmem:s30], [sflag:$0x1] =	stream.indirect.gather [hbm4b:s5+s29], $0x80, s26, s29, $0xb8;
	[tilespmem:$0x1F378] =	vst v63  }
0x29d: {  	_ =	swait.ge [sflag:s11], $0x2800  }
0x29e: {  	[sflag:s11] =	ssyncset.done $0x0  }
0x29f: {  	s26 =	sadd.s32 $0x3080, s15;
	[sflag:s11] =	ssyncadd.s32 $0xFFFFD800  }
0x2a0: {  	[spmem:s2] =	stream.indirect.scatter.add.f32 [tilespmem:s1], [sflag:$0x5], $0x80, s26, s29, $0xb8;
	[tilespmem:$0x1F378] =	vst v63  }
0x2a1: {  	_ = 	snop  }
0x2a2: {  	[spmem:s3] =	stream.indirect.scatter.add.f32 [tilespmem:s9], [sflag:$0x7], $0x1, s26, s29, $0xb8;
	[tilespmem:$0x1F378] =	vst v63  }
0x2a3: {  	_ =	swait.ge [sflag:s12], $0x2800  }
0x2a4: {  	[sflag:s12] =	ssyncset.done $0x0  }
0x2a5: {  	s26 =	sadd.s32 $0x1200, s15;
	[sflag:s12] =	ssyncadd.s32 $0xFFFFD800  }
0x2a6: {  	[tilespmem:s1], [sflag:$0x2] =	stream.indirect.gather [hbm4b:s5+s29], $0x80, s26, s29, $0xb8;
	[tilespmem:$0x1F378] =	vst v63  }
0x2a7: {  	_ =	swait.ge [sflag:s13], $0x2800  }
0x2a8: {  	[sflag:s13] =	ssyncset.done $0x0  }
0x2a9: {  	s26 =	sadd.s32 $0x3100, s15;
	[sflag:s13] =	ssyncadd.s32 $0xFFFFD800  }
0x2aa: {  	[spmem:s2] =	stream.indirect.scatter.add.f32 [tilespmem:s6], [sflag:$0x6], $0x80, s26, s29, $0xb8;
	[tilespmem:$0x1F378] =	vst v63  }
0x2ab: {  	_ = 	snop  }
0x2ac: {  	[spmem:s3] =	stream.indirect.scatter.add.f32 [tilespmem:s9], [sflag:$0x7], $0x1, s26, s29, $0xb8;
	[tilespmem:$0x1F378] =	vst v63  }
0x2ad: {  	_ =	swait.ge [sflag:s14], $0x2800  }
0x2ae: {  	[sflag:s14] =	ssyncset.done $0x0  }
0x2af: {  	s26 =	sadd.s32 $0x1280, s15;
	[sflag:s14] =	ssyncadd.s32 $0xFFFFD800  }
0x2b0: {  	[tilespmem:s6], [sflag:$0x3] =	stream.indirect.gather [hbm4b:s5+s29], $0x80, s26, s29, $0xb8;
	[tilespmem:$0x1F378] =	vst v63  }
.Ltmp3:
0x2b1: {  	_ = 	snop;
	(pc) =	sbr.rel @p4 .LBB2_8-.Ltmp3, $4  }
0x2b2: {  	_ =	swait.ge [sflag:s7], $0x2800  }
0x2b3: {  	[sflag:s7] =	ssyncset.done $0x0  }
0x2b4: {  	s15 =	sadd.s32 $0x3180, s15;
	[sflag:s7] =	ssyncadd.s32 $0xFFFFD800  }
0x2b5: {  	[spmem:s2] =	stream.indirect.scatter.add.f32 [tilespmem:s30], [sflag:$0x4], $0x80, s15, s29, $0xb8;
	[tilespmem:$0x1F378] =	vst v63  }
0x2b6: {  	[spmem:s3] =	stream.indirect.scatter.add.f32 [tilespmem:s9], [sflag:$0x7], $0x1, s15, s29, $0xb8;
	[tilespmem:$0x1F378] =	vst v63  }
0x2b7: {  	_ =	swait.ge [sflag:s10], $0x2800  }
0x2b8: {  	[sflag:s10] =	ssyncset.done $0x0  }
0x2b9: {  	s0 =	simm.s32 $0x1C00;
	[sflag:s10] =	ssyncadd.s32 $0xFFFFD800  }
0x2ba: {  	[tilespmem:s30], [sflag:$0x1] =	stream.indirect.gather [hbm4b:s5+s29], $0x80, s0, s29, $0xb8;
	[tilespmem:$0x1F378] =	vst v63  }
0x2bb: {  	_ =	swait.ge [sflag:s11], $0x2800  }
0x2bc: {  	[sflag:s11] =	ssyncset.done $0x0  }
0x2bd: {  	[sflag:s11] =	ssyncadd.s32 $0xFFFFD800  }
0x2be: {  	[spmem:s2] =	stream.indirect.scatter.add.f32 [tilespmem:s1], [sflag:$0x5], $0x80, s23, s29, $0xb8;
	[tilespmem:$0x1F378] =	vst v63  }
0x2bf: {  	_ = 	snop  }
0x2c0: {  	[spmem:s3] =	stream.indirect.scatter.add.f32 [tilespmem:s9], [sflag:$0x7], $0x1, s23, s29, $0xb8;
	[tilespmem:$0x1F378] =	vst v63  }
0x2c1: {  	_ =	swait.ge [sflag:s12], $0x2800  }
0x2c2: {  	[sflag:s12] =	ssyncset.done $0x0  }
0x2c3: {  	[sflag:s12] =	ssyncadd.s32 $0xFFFFD800  }
0x2c4: {  	_ =	swait.ge [sflag:s13], $0x2800  }
0x2c5: {  	[sflag:s13] =	ssyncset.done $0x0  }
0x2c6: {  	[sflag:s13] =	ssyncadd.s32 $0xFFFFD800  }
0x2c7: {  	[spmem:s2] =	stream.indirect.scatter.add.f32 [tilespmem:s6], [sflag:$0x6], $0x80, s20, s29, $0xb8;
	[tilespmem:$0x1F378] =	vst v63  }
0x2c8: {  	_ = 	snop  }
0x2c9: {  	[spmem:s3] =	stream.indirect.scatter.add.f32 [tilespmem:s9], [sflag:$0x7], $0x1, s20, s29, $0xb8;
	[tilespmem:$0x1F378] =	vst v63  }
0x2ca: {  	_ =	swait.ge [sflag:s14], $0x2800  }
0x2cb: {  	[sflag:s14] =	ssyncset.done $0x0  }
0x2cc: {  	[sflag:s14] =	ssyncadd.s32 $0xFFFFD800  }
0x2cd: {  	_ =	swait.ge [sflag:s7], $0x2800  }
0x2ce: {  	[sflag:s7] =	ssyncset.done $0x0  }
0x2cf: {  	[sflag:s7] =	ssyncadd.s32 $0xFFFFD800  }
0x2d0: {  	[spmem:s2] =	stream.indirect.scatter.add.f32 [tilespmem:s30], [sflag:$0x4], $0x80, s8, s29, $0xb8;
	[tilespmem:$0x1F378] =	vst v63  }
0x2d1: {  	_ = 	snop  }
0x2d2: {  	[spmem:s3] =	stream.indirect.scatter.add.f32 [tilespmem:s9], [sflag:$0x7], $0x1, s8, s29, $0xb8;
	[tilespmem:$0x1F378] =	vst v63  }
0x2d3: {  	_ =	swait.ge [sflag:s10], $0x2800  }
0x2d4: {  	[sflag:s10] =	ssyncset.done $0x0  }
0x2d5: {  	[sflag:s10] =	ssyncadd.s32 $0xFFFFD800  }
0x2d6: {  	_ =	swait.ge [sflag:s19], $0x50  }
0x2d7: {  	[sflag:s19] =	ssyncset.done $0x0  }
0x2d8: {  	[sflag:s19] =	ssyncadd.s32 $0xFFFFFFB0  }
0x2d9: {  	_ =	swait.ge [sflag:s19], $0x50  }
0x2da: {  	[sflag:s19] =	ssyncset.done $0x0  }
0x2db: {  	[sflag:s19] =	ssyncadd.s32 $0xFFFFFFB0  }
0x2dc: {  	_ =	swait.ge [sflag:s19], $0x50  }
0x2dd: {  	[sflag:s19] =	ssyncset.done $0x0  }
0x2de: {  	[sflag:s19] =	ssyncadd.s32 $0xFFFFFFB0  }
0x2df: {  	_ =	swait.ge [sflag:s19], $0x50  }
0x2e0: {  	[sflag:s19] =	ssyncset.done $0x0  }
0x2e1: {  	[sflag:s19] =	ssyncadd.s32 $0xFFFFFFB0  }
0x2e2: {  	_ =	swait.ge [sflag:s19], $0x50  }
0x2e3: {  	[sflag:s19] =	ssyncset.done $0x0  }
0x2e4: {  	[sflag:s19] =	ssyncadd.s32 $0xFFFFFFB0  }
0x2e5: {  	_ =	swait.ge [sflag:s19], $0x50  }
0x2e6: {  	[sflag:s19] =	ssyncset.done $0x0  }
0x2e7: {  	[sflag:s19] =	ssyncadd.s32 $0xFFFFFFB0  }
0x2e8: {  	_ =	swait.ge [sflag:s19], $0x50  }
0x2e9: {  	[sflag:s19] =	ssyncset.done $0x0  }
0x2ea: {  	[sflag:s19] =	ssyncadd.s32 $0xFFFFFFB0  }
0x2eb: {  	_ =	swait.ge [sflag:s19], $0x50  }
0x2ec: {  	[sflag:s19] =	ssyncset.done $0x0  }
0x2ed: {  	[sflag:s19] =	ssyncadd.s32 $0xFFFFFFB0  }
0x2ee: {  	_ =	swait.ge [sflag:s19], $0x50  }
0x2ef: {  	[sflag:s19] =	ssyncset.done $0x0  }
0x2f0: {  	[sflag:s19] =	ssyncadd.s32 $0xFFFFFFB0  }
0x2f1: {  	_ =	swait.ge [sflag:s19], $0x50  }
0x2f2: {  	[sflag:s19] =	ssyncset.done $0x0  }
0x2f3: {  	[sflag:s19] =	ssyncadd.s32 $0xFFFFFFB0  }
0x2f4: {  	_ =	swait.ge [sflag:s19], $0x50  }
0x2f5: {  	[sflag:s19] =	ssyncset.done $0x0  }
0x2f6: {  	[sflag:s19] =	ssyncadd.s32 $0xFFFFFFB0  }
0x2f7: {  	_ =	swait.ge [sflag:s19], $0x50  }
0x2f8: {  	[sflag:s19] =	ssyncset.done $0x0  }
0x2f9: {  	[sflag:s19] =	ssyncadd.s32 $0xFFFFFFB0  }
0x2fa: {  	_ =	swait.ge [sflag:s19], $0x50  }
0x2fb: {  	[sflag:s19] =	ssyncset.done $0x0  }
0x2fc: {  	[sflag:s19] =	ssyncadd.s32 $0xFFFFFFB0  }
0x2fd: {  	_ =	swait.ge [sflag:s19], $0x50  }
0x2fe: {  	[sflag:s19] =	ssyncset.done $0x0  }
0x2ff: {  	[sflag:s19] =	ssyncadd.s32 $0xFFFFFFB0  }
0x300: {  	_ =	swait.ge [sflag:s19], $0x50  }
0x301: {  	[sflag:s19] =	ssyncset.done $0x0  }
0x302: {  	[sflag:s19] =	ssyncadd.s32 $0xFFFFFFB0  }
0x303: {  	_ =	swait.ge [sflag:s19], $0x50  }
0x304: {  	[sflag:s19] =	ssyncset.done $0x0  }
0x305: {  	[sflag:s19] =	ssyncadd.s32 $0xFFFFFFB0  }
0x306: {  	_ =	swait.ge [sflag:s19], $0x50  }
0x307: {  	[sflag:s19] =	ssyncset.done $0x0  }
0x308: {  	[sflag:s19] =	ssyncadd.s32 $0xFFFFFFB0  }
0x309: {  	_ =	swait.ge [sflag:s19], $0x50  }
0x30a: {  	[sflag:s19] =	ssyncset.done $0x0  }
0x30b: {  	[sflag:s19] =	ssyncadd.s32 $0xFFFFFFB0  }
0x30c: {  	_ =	swait.ge [sflag:s19], $0x50  }
0x30d: {  	[sflag:s19] =	ssyncset.done $0x0  }
0x30e: {  	[sflag:s19] =	ssyncadd.s32 $0xFFFFFFB0  }
0x30f: {  	_ =	swait.ge [sflag:s19], $0x50  }
0x310: {  	[sflag:s19] =	ssyncset.done $0x0  }
0x311: {  	[sflag:s19] =	ssyncadd.s32 $0xFFFFFFB0  }
0x312: {  	_ =	swait.ge [sflag:s19], $0x50  }
0x313: {  	[sflag:s19] =	ssyncset.done $0x0  }
0x314: {  	[sflag:s19] =	ssyncadd.s32 $0xFFFFFFB0  }
0x315: {  	_ =	swait.ge [sflag:s19], $0x50  }
0x316: {  	[sflag:s19] =	ssyncset.done $0x0  }
0x317: {  	[sflag:s19] =	ssyncadd.s32 $0xFFFFFFB0  }
0x318: {  	_ =	swait.ge [sflag:s19], $0x50  }
0x319: {  	[sflag:s19] =	ssyncset.done $0x0  }
0x31a: {  	[sflag:s19] =	ssyncadd.s32 $0xFFFFFFB0  }
0x31b: {  	_ =	swait.ge [sflag:s19], $0x50  }
0x31c: {  	[sflag:s19] =	ssyncset.done $0x0  }
0x31d: {  	[sflag:s19] =	ssyncadd.s32 $0xFFFFFFB0  }
0x31e: {  	_ =	swait.ge [sflag:s19], $0x50  }
0x31f: {  	[sflag:s19] =	ssyncset.done $0x0  }
0x320: {  	[sflag:s19] =	ssyncadd.s32 $0xFFFFFFB0  }
0x321: {  	_ =	swait.ge [sflag:s25], $0xC80  }
0x322: {  	[sflag:s25] =	ssyncset.done $0x0  }
0x323: {  	[sflag:s25] =	ssyncadd.s32 $0xFFFFF380  }
0x324: {  	_ =	swait.ge [sflag:s25], $0xC80  }
0x325: {  	[sflag:s25] =	ssyncset.done $0x0  }
0x326: {  	s15 =	simm.s32 $0x0;
	[sflag:s25] =	ssyncadd.s32 $0xFFFFF380  }
0x327: {  	[tilespmem:s30], [sflag:$0x1] =	stream.indirect.gather [hbm4b:s5+s29], $0x80, s15, s29, $0xb8;
	[tilespmem:$0x1F378] =	vst v63  }
0x328: {  	s26 =	simm.s32 $0x80  }
0x329: {  	[tilespmem:s1], [sflag:$0x2] =	stream.indirect.gather [hbm4b:s5+s29], $0x80, s26, s29, $0xb8;
	[tilespmem:$0x1F378] =	vst v63  }
0x32a: {  	s15 =	simm.s32 $0x100  }
0x32b: {  	[tilespmem:s6], [sflag:$0x3] =	stream.indirect.gather [hbm4b:s5+s29], $0x80, s15, s29, $0xb8;
	[tilespmem:$0x1F378] =	vst v63  }
0x32c: {  	_ =	swait.ge [sflag:s7], $0x2800  }
0x32d: {  	[sflag:s7] =	ssyncset.done $0x0  }
0x32e: {  	[sflag:s7] =	ssyncadd.s32 $0xFFFFD800  }
0x32f: {  	[spmem:s2] =	stream.indirect.scatter.add.f32 [tilespmem:s30], [sflag:$0x4], $0x80, s24, s29, $0xb8;
	[tilespmem:$0x1F378] =	vst v63  }
0x330: {  	_ = 	snop  }
0x331: {  	[spmem:s3] =	stream.indirect.scatter.add.f32 [tilespmem:s9], [sflag:$0x7], $0x1, s24, s29, $0xb8;
	[tilespmem:$0x1F378] =	vst v63  }
0x332: {  	_ =	swait.ge [sflag:s10], $0x2800  }
0x333: {  	[sflag:s10] =	ssyncset.done $0x0  }
0x334: {  	s26 =	simm.s32 $0x180;
	[sflag:s10] =	ssyncadd.s32 $0xFFFFD800  }
0x335: {  	[tilespmem:s30], [sflag:$0x1] =	stream.indirect.gather [hbm4b:s5+s29], $0x80, s26, s29, $0xb8;
	[tilespmem:$0x1F378] =	vst v63  }
0x336: {  	_ =	swait.ge [sflag:s11], $0x2800  }
0x337: {  	[sflag:s11] =	ssyncset.done $0x0  }
0x338: {  	s15 =	simm.s32 $0x2080;
	[sflag:s11] =	ssyncadd.s32 $0xFFFFD800  }
0x339: {  	[spmem:s2] =	stream.indirect.scatter.add.f32 [tilespmem:s1], [sflag:$0x5], $0x80, s15, s29, $0xb8;
	[tilespmem:$0x1F378] =	vst v63  }
0x33a: {  	_ = 	snop  }
0x33b: {  	[spmem:s3] =	stream.indirect.scatter.add.f32 [tilespmem:s9], [sflag:$0x7], $0x1, s15, s29, $0xb8;
	[tilespmem:$0x1F378] =	vst v63  }
0x33c: {  	_ =	swait.ge [sflag:s12], $0x2800  }
0x33d: {  	[sflag:s12] =	ssyncset.done $0x0  }
0x33e: {  	s26 =	simm.s32 $0x200;
	[sflag:s12] =	ssyncadd.s32 $0xFFFFD800  }
0x33f: {  	[tilespmem:s1], [sflag:$0x2] =	stream.indirect.gather [hbm4b:s5+s29], $0x80, s26, s29, $0xb8;
	[tilespmem:$0x1F378] =	vst v63  }
0x340: {  	_ =	swait.ge [sflag:s13], $0x2800  }
0x341: {  	[sflag:s13] =	ssyncset.done $0x0  }
0x342: {  	s15 =	simm.s32 $0x2100;
	[sflag:s13] =	ssyncadd.s32 $0xFFFFD800  }
0x343: {  	[spmem:s2] =	stream.indirect.scatter.add.f32 [tilespmem:s6], [sflag:$0x6], $0x80, s15, s29, $0xb8;
	[tilespmem:$0x1F378] =	vst v63  }
0x344: {  	_ = 	snop  }
0x345: {  	[spmem:s3] =	stream.indirect.scatter.add.f32 [tilespmem:s9], [sflag:$0x7], $0x1, s15, s29, $0xb8;
	[tilespmem:$0x1F378] =	vst v63  }
0x346: {  	_ =	swait.ge [sflag:s14], $0x2800  }
0x347: {  	[sflag:s14] =	ssyncset.done $0x0  }
0x348: {  	s26 =	simm.s32 $0x280;
	[sflag:s14] =	ssyncadd.s32 $0xFFFFD800  }
0x349: {  	[tilespmem:s6], [sflag:$0x3] =	stream.indirect.gather [hbm4b:s5+s29], $0x80, s26, s29, $0xb8;
	[tilespmem:$0x1F378] =	vst v63  }
0x34a: {  	_ =	swait.ge [sflag:s7], $0x2800  }
0x34b: {  	[sflag:s7] =	ssyncset.done $0x0  }
0x34c: {  	s0 =	simm.s32 $0x600;
	s15 =	simm.s32 $0x2180;
	[sflag:s7] =	ssyncadd.s32 $0xFFFFD800  }
0x34d: {  	[spmem:s2] =	stream.indirect.scatter.add.f32 [tilespmem:s30], [sflag:$0x4], $0x80, s15, s29, $0xb8;
	[tilespmem:$0x1F378] =	vst v63  }
.LBB2_10:
0x34e: {  	[spmem:s3] =	stream.indirect.scatter.add.f32 [tilespmem:s9], [sflag:$0x7], $0x1, s15, s29, $0xb8;
	[tilespmem:$0x1F378] =	vst v63  }
0x34f: {  	s15 =	smov.u32 s0  }
0x350: {  	p4 =	sne.s32 s0, $0x2400;
	s0 =	sadd.s32 $0x600, s0;
	_ =	swait.ge [sflag:s10], $0x2800  }
0x351: {  	s15 =	sshra.s32 s15, $0x2;
	[sflag:s10] =	ssyncset.done $0x0  }
0x352: {  	s26 =	sadd.s32 $0x180, s15;
	[sflag:s10] =	ssyncadd.s32 $0xFFFFD800  }
0x353: {  	[tilespmem:s30], [sflag:$0x1] =	stream.indirect.gather [hbm4b:s5+s29], $0x80, s26, s29, $0xb8;
	[tilespmem:$0x1F378] =	vst v63  }
0x354: {  	_ =	swait.ge [sflag:s11], $0x2800  }
0x355: {  	[sflag:s11] =	ssyncset.done $0x0  }
0x356: {  	s26 =	sadd.s32 $0x2080, s15;
	[sflag:s11] =	ssyncadd.s32 $0xFFFFD800  }
0x357: {  	[spmem:s2] =	stream.indirect.scatter.add.f32 [tilespmem:s1], [sflag:$0x5], $0x80, s26, s29, $0xb8;
	[tilespmem:$0x1F378] =	vst v63  }
0x358: {  	_ = 	snop  }
0x359: {  	[spmem:s3] =	stream.indirect.scatter.add.f32 [tilespmem:s9], [sflag:$0x7], $0x1, s26, s29, $0xb8;
	[tilespmem:$0x1F378] =	vst v63  }
0x35a: {  	_ =	swait.ge [sflag:s12], $0x2800  }
0x35b: {  	[sflag:s12] =	ssyncset.done $0x0  }
0x35c: {  	s26 =	sadd.s32 $0x200, s15;
	[sflag:s12] =	ssyncadd.s32 $0xFFFFD800  }
0x35d: {  	[tilespmem:s1], [sflag:$0x2] =	stream.indirect.gather [hbm4b:s5+s29], $0x80, s26, s29, $0xb8;
	[tilespmem:$0x1F378] =	vst v63  }
0x35e: {  	_ =	swait.ge [sflag:s13], $0x2800  }
0x35f: {  	[sflag:s13] =	ssyncset.done $0x0  }
0x360: {  	s26 =	sadd.s32 $0x2100, s15;
	[sflag:s13] =	ssyncadd.s32 $0xFFFFD800  }
0x361: {  	[spmem:s2] =	stream.indirect.scatter.add.f32 [tilespmem:s6], [sflag:$0x6], $0x80, s26, s29, $0xb8;
	[tilespmem:$0x1F378] =	vst v63  }
0x362: {  	_ = 	snop  }
0x363: {  	[spmem:s3] =	stream.indirect.scatter.add.f32 [tilespmem:s9], [sflag:$0x7], $0x1, s26, s29, $0xb8;
	[tilespmem:$0x1F378] =	vst v63  }
0x364: {  	_ =	swait.ge [sflag:s14], $0x2800  }
0x365: {  	[sflag:s14] =	ssyncset.done $0x0  }
0x366: {  	s26 =	sadd.s32 $0x280, s15;
	[sflag:s14] =	ssyncadd.s32 $0xFFFFD800  }
0x367: {  	[tilespmem:s6], [sflag:$0x3] =	stream.indirect.gather [hbm4b:s5+s29], $0x80, s26, s29, $0xb8;
	[tilespmem:$0x1F378] =	vst v63  }
.Ltmp4:
0x368: {  	_ = 	snop;
	(pc) =	sbr.rel @p4 .LBB2_10-.Ltmp4, $4  }
0x369: {  	_ =	swait.ge [sflag:s7], $0x2800  }
0x36a: {  	[sflag:s7] =	ssyncset.done $0x0  }
0x36b: {  	s15 =	sadd.s32 $0x2180, s15;
	[sflag:s7] =	ssyncadd.s32 $0xFFFFD800  }
0x36c: {  	[spmem:s2] =	stream.indirect.scatter.add.f32 [tilespmem:s30], [sflag:$0x4], $0x80, s15, s29, $0xb8;
	[tilespmem:$0x1F378] =	vst v63  }
0x36d: {  	[spmem:s3] =	stream.indirect.scatter.add.f32 [tilespmem:s9], [sflag:$0x7], $0x1, s15, s29, $0xb8;
	[tilespmem:$0x1F378] =	vst v63  }
0x36e: {  	_ =	swait.ge [sflag:s10], $0x2800  }
0x36f: {  	[sflag:s10] =	ssyncset.done $0x0  }
0x370: {  	s0 =	simm.s32 $0xC00;
	[sflag:s10] =	ssyncadd.s32 $0xFFFFD800  }
0x371: {  	[tilespmem:s30], [sflag:$0x1] =	stream.indirect.gather [hbm4b:s5+s29], $0x80, s0, s29, $0xb8;
	[tilespmem:$0x1F378] =	vst v63  }
0x372: {  	_ =	swait.ge [sflag:s11], $0x2800  }
0x373: {  	[sflag:s11] =	ssyncset.done $0x0  }
0x374: {  	[sflag:s11] =	ssyncadd.s32 $0xFFFFD800  }
0x375: {  	[spmem:s2] =	stream.indirect.scatter.add.f32 [tilespmem:s1], [sflag:$0x5], $0x80, s16, s29, $0xb8;
	[tilespmem:$0x1F378] =	vst v63  }
0x376: {  	_ = 	snop  }
0x377: {  	[spmem:s3] =	stream.indirect.scatter.add.f32 [tilespmem:s9], [sflag:$0x7], $0x1, s16, s29, $0xb8;
	[tilespmem:$0x1F378] =	vst v63  }
0x378: {  	_ =	swait.ge [sflag:s12], $0x2800  }
0x379: {  	[sflag:s12] =	ssyncset.done $0x0  }
0x37a: {  	[sflag:s12] =	ssyncadd.s32 $0xFFFFD800  }
0x37b: {  	_ =	swait.ge [sflag:s13], $0x2800  }
0x37c: {  	[sflag:s13] =	ssyncset.done $0x0  }
0x37d: {  	[sflag:s13] =	ssyncadd.s32 $0xFFFFD800  }
0x37e: {  	[spmem:s2] =	stream.indirect.scatter.add.f32 [tilespmem:s6], [sflag:$0x6], $0x80, s17, s29, $0xb8;
	[tilespmem:$0x1F378] =	vst v63  }
0x37f: {  	_ = 	snop  }
0x380: {  	[spmem:s3] =	stream.indirect.scatter.add.f32 [tilespmem:s9], [sflag:$0x7], $0x1, s17, s29, $0xb8;
	[tilespmem:$0x1F378] =	vst v63  }
0x381: {  	_ =	swait.ge [sflag:s14], $0x2800  }
0x382: {  	[sflag:s14] =	ssyncset.done $0x0  }
0x383: {  	[sflag:s14] =	ssyncadd.s32 $0xFFFFD800  }
0x384: {  	_ =	swait.ge [sflag:s7], $0x2800  }
0x385: {  	[sflag:s7] =	ssyncset.done $0x0  }
0x386: {  	[sflag:s7] =	ssyncadd.s32 $0xFFFFD800  }
0x387: {  	[spmem:s2] =	stream.indirect.scatter.add.f32 [tilespmem:s30], [sflag:$0x4], $0x80, s18, s29, $0xb8;
	[tilespmem:$0x1F378] =	vst v63  }
0x388: {  	_ = 	snop  }
0x389: {  	[spmem:s3] =	stream.indirect.scatter.add.f32 [tilespmem:s9], [sflag:$0x7], $0x1, s18, s29, $0xb8;
	[tilespmem:$0x1F378] =	vst v63  }
0x38a: {  	_ =	swait.ge [sflag:s10], $0x2800  }
0x38b: {  	[sflag:s10] =	ssyncset.done $0x0  }
0x38c: {  	[sflag:s10] =	ssyncadd.s32 $0xFFFFD800  }
0x38d: {  	_ =	swait.ge [sflag:s19], $0x50  }
0x38e: {  	[sflag:s19] =	ssyncset.done $0x0  }
0x38f: {  	[sflag:s19] =	ssyncadd.s32 $0xFFFFFFB0  }
0x390: {  	_ =	swait.ge [sflag:s19], $0x50  }
0x391: {  	[sflag:s19] =	ssyncset.done $0x0  }
0x392: {  	[sflag:s19] =	ssyncadd.s32 $0xFFFFFFB0  }
0x393: {  	_ =	swait.ge [sflag:s19], $0x50  }
0x394: {  	[sflag:s19] =	ssyncset.done $0x0  }
0x395: {  	[sflag:s19] =	ssyncadd.s32 $0xFFFFFFB0  }
0x396: {  	_ =	swait.ge [sflag:s19], $0x50  }
0x397: {  	[sflag:s19] =	ssyncset.done $0x0  }
0x398: {  	[sflag:s19] =	ssyncadd.s32 $0xFFFFFFB0  }
0x399: {  	_ =	swait.ge [sflag:s19], $0x50  }
0x39a: {  	[sflag:s19] =	ssyncset.done $0x0  }
0x39b: {  	[sflag:s19] =	ssyncadd.s32 $0xFFFFFFB0  }
0x39c: {  	_ =	swait.ge [sflag:s19], $0x50  }
0x39d: {  	[sflag:s19] =	ssyncset.done $0x0  }
0x39e: {  	[sflag:s19] =	ssyncadd.s32 $0xFFFFFFB0  }
0x39f: {  	_ =	swait.ge [sflag:s19], $0x50  }
0x3a0: {  	[sflag:s19] =	ssyncset.done $0x0  }
0x3a1: {  	[sflag:s19] =	ssyncadd.s32 $0xFFFFFFB0  }
0x3a2: {  	_ =	swait.ge [sflag:s19], $0x50  }
0x3a3: {  	[sflag:s19] =	ssyncset.done $0x0  }
0x3a4: {  	[sflag:s19] =	ssyncadd.s32 $0xFFFFFFB0  }
0x3a5: {  	_ =	swait.ge [sflag:s19], $0x50  }
0x3a6: {  	[sflag:s19] =	ssyncset.done $0x0  }
0x3a7: {  	[sflag:s19] =	ssyncadd.s32 $0xFFFFFFB0  }
0x3a8: {  	_ =	swait.ge [sflag:s19], $0x50  }
0x3a9: {  	[sflag:s19] =	ssyncset.done $0x0  }
0x3aa: {  	[sflag:s19] =	ssyncadd.s32 $0xFFFFFFB0  }
0x3ab: {  	_ =	swait.ge [sflag:s19], $0x50  }
0x3ac: {  	[sflag:s19] =	ssyncset.done $0x0  }
0x3ad: {  	[sflag:s19] =	ssyncadd.s32 $0xFFFFFFB0  }
0x3ae: {  	_ =	swait.ge [sflag:s19], $0x50  }
0x3af: {  	[sflag:s19] =	ssyncset.done $0x0  }
0x3b0: {  	[sflag:s19] =	ssyncadd.s32 $0xFFFFFFB0  }
0x3b1: {  	_ =	swait.ge [sflag:s19], $0x50  }
0x3b2: {  	[sflag:s19] =	ssyncset.done $0x0  }
0x3b3: {  	[sflag:s19] =	ssyncadd.s32 $0xFFFFFFB0  }
0x3b4: {  	_ =	swait.ge [sflag:s19], $0x50  }
0x3b5: {  	[sflag:s19] =	ssyncset.done $0x0  }
0x3b6: {  	[sflag:s19] =	ssyncadd.s32 $0xFFFFFFB0  }
0x3b7: {  	_ =	swait.ge [sflag:s19], $0x50  }
0x3b8: {  	[sflag:s19] =	ssyncset.done $0x0  }
0x3b9: {  	[sflag:s19] =	ssyncadd.s32 $0xFFFFFFB0  }
0x3ba: {  	_ =	swait.ge [sflag:s19], $0x50  }
0x3bb: {  	[sflag:s19] =	ssyncset.done $0x0  }
0x3bc: {  	[sflag:s19] =	ssyncadd.s32 $0xFFFFFFB0  }
0x3bd: {  	_ =	swait.ge [sflag:s19], $0x50  }
0x3be: {  	[sflag:s19] =	ssyncset.done $0x0  }
0x3bf: {  	[sflag:s19] =	ssyncadd.s32 $0xFFFFFFB0  }
0x3c0: {  	_ =	swait.ge [sflag:s19], $0x50  }
0x3c1: {  	[sflag:s19] =	ssyncset.done $0x0  }
0x3c2: {  	[sflag:s19] =	ssyncadd.s32 $0xFFFFFFB0  }
0x3c3: {  	_ =	swait.ge [sflag:s19], $0x50  }
0x3c4: {  	[sflag:s19] =	ssyncset.done $0x0  }
0x3c5: {  	[sflag:s19] =	ssyncadd.s32 $0xFFFFFFB0  }
0x3c6: {  	_ =	swait.ge [sflag:s19], $0x50  }
0x3c7: {  	[sflag:s19] =	ssyncset.done $0x0  }
0x3c8: {  	[sflag:s19] =	ssyncadd.s32 $0xFFFFFFB0  }
0x3c9: {  	_ =	swait.ge [sflag:s19], $0x50  }
0x3ca: {  	[sflag:s19] =	ssyncset.done $0x0  }
0x3cb: {  	[sflag:s19] =	ssyncadd.s32 $0xFFFFFFB0  }
0x3cc: {  	_ =	swait.ge [sflag:s19], $0x50  }
0x3cd: {  	[sflag:s19] =	ssyncset.done $0x0  }
0x3ce: {  	[sflag:s19] =	ssyncadd.s32 $0xFFFFFFB0  }
0x3cf: {  	_ =	swait.ge [sflag:s19], $0x50  }
0x3d0: {  	[sflag:s19] =	ssyncset.done $0x0  }
0x3d1: {  	[sflag:s19] =	ssyncadd.s32 $0xFFFFFFB0  }
0x3d2: {  	_ =	swait.ge [sflag:s19], $0x50  }
0x3d3: {  	[sflag:s19] =	ssyncset.done $0x0  }
0x3d4: {  	[sflag:s19] =	ssyncadd.s32 $0xFFFFFFB0  }
0x3d5: {  	_ =	swait.ge [sflag:s19], $0x50  }
0x3d6: {  	[sflag:s19] =	ssyncset.done $0x0  }
0x3d7: {  	[sflag:s19] =	ssyncadd.s32 $0xFFFFFFB0  }
0x3d8: {  	[bflag:$0x0] =	sbarrier.arrive $0xFFFF  }
0x3d9: {  	s0 =	rddreg [dreg:$0x11]  }
0x3da: {  	[hbm:s0], [sflag:s21] =	dma.local @!p0 [spmem:s22], $0x3E80  }
0x3db: {  	s0 =	simm.s32 @!p0 $0x9  }
0x3dc: {  	s15 =	stileid.u32;
	_ =	swait.ge @!p0 [sflag:s0], $0x3E80  }
0x3dd: {  	s15 =	sshll.u32 @p3 s15, $0x6;
	[sflag:s0] =	ssyncset.done @!p0 $0x0;
	s26 =	rddreg [dreg:$0x12]  }
0x3de: {  	[sflag:s0] =	ssyncadd.s32 @!p0 $0xFFFFC180;
	s0 =	sor.u32 @p3 $0x1C09, s15;
	s15 =	sshrl.u32 @p3 s3, $0x3  }
0x3df: {  	[hbm:s26], [sflag:s0] =	dma.local @p3 [spmem:s15], $0x4F0  }
0x3e0: {  	s0 =	simm.s32 @p3 $0x9  }
0x3e1: {  	_ =	swait.ge @p3 [sflag:s0], $0x4F0  }
0x3e2: {  	s31 =	sadd.s32 $0x1, s31;
	s26 =	rddreg [dreg:$0x13]  }
0x3e3: {  	p4 =	sne.s32 s31, s26  }
.Ltmp5:
0x3e4: {  	_ = 	snop;
	(pc) =	sbr.rel @p4 .LBB2_1-.Ltmp5, $3  }
0x3e5: {  	_ =	sdelay $0x1  }
0x3e6: {  	[sflag:s0] =	ssyncset.done @p3 $0x0  }
0x3e7: {  	[sflag:s0] =	ssyncadd.s32 @p3 $0xFFFFFB10  }
0x3e8: {  	_ =	sfence.sel $0x180000  }
0x3e9: {  	[bflag:$0x0] =	sbarrier.arrive $0xFFFF  }
0x3ea: {  	_ =	strace $0x90000047  }
0x3eb: {  	s0 =	stileid.u32;
	[bflag:$0x2] =	sbarrier.arrive $0xFFFF  }
0x3ec: {  	p0 =	sne.s32 s0, $0x0;
	s0 =	rddreg [dreg:$0x4]  }
0x3ed: {  	s0 =	sadd.s32 @!p0 $0x100000, s0  }
0x3ee: {  	[sflag:s0] =	ssyncadd.tile.s32 @!p0 $0x1;
	_ =	shalt  }
.Lfunc_end2:
_tile_overlayer_lowered:
.L_overlay_start_2:
0x3ef: {  	(tag) =	ssettag $0x2  }
0x3f0: {  	s0 =	rddreg [dreg:$0x0];
	s2 =	stileid.u32  }
0x3f1: {  	s1 =	rddreg [dreg:$0x1];
	p0 =	sne.s32 s2, $0x0  }
0x3f2: {  	s3 =	rddreg [dreg:$0x2];
	[bflag:$0x3] =	sbarrier.arrive $0xFFFF;
	s2 =	simm.s32 @!p0 $0x1C09  }
0x3f3: {  	[timem:s3], [sflag:s2] =	dma.local @!p0 [hbm:s0], s1  }
0x3f4: {  	s0 =	simm.s32 @!p0 $0x9  }
0x3f5: {  	_ =	swait.ge @!p0 [sflag:s0], s1  }
0x3f6: {  	s1 =	ssub.s32 @!p0 $0x0, s1;
	[sflag:s0] =	ssyncset.done @!p0 $0x0  }
0x3f7: {  	[sflag:s0] =	ssyncadd.s32 @!p0 s1  }
0x3f8: {  	[bflag:$0x3] =	sbarrier.arrive $0xFFFF  }
0x3f9: {  	_ =	shalt  }

</sc_bundles>
